<compile_context>
chip_gen: v7x
topology: tpu7x:2x2x1
jax: 0.10.2.dev20260603
libtpu: 0.0.44.dev20260713+nightly
codegen_flags: <defaults>
</compile_context>

<pallas_src>
import functools

import jax
import jax.numpy as jnp
import numpy as np
from jax import lax
from jax.experimental import pallas as pl
from jax.experimental.pallas import tpu as pltpu
from jax.experimental.pallas import tpu_sc as plsc

DIM = 32
SCALE = np.float32(np.sqrt(np.float64(DIM)))

NI = 16384
NJ = 200
TC_PER_W = 4
WR = TC_PER_W * 128
NG = 4
NS = 2


def _sc_embed(x4, table):
    info = plsc.get_sparse_core_info()
    mesh = plsc.VectorSubcoreMesh(core_axis_name="c", subcore_axis_name="s")

    @functools.partial(
        pl.kernel,
        mesh=mesh,
        compiler_params=pltpu.CompilerParams(
            use_tc_tiling_on_sc=False,
            needs_layout_passes=False,
            disable_bounds_checks=True
        ),
        out_type=jax.ShapeDtypeStruct((NJ, 4, 128, 8, 128), jnp.float32),
        scratch_types=[
            pltpu.VMEM((NG, TC_PER_W, 1, 128), jnp.int32),
            pltpu.VMEM((NG, WR, DIM), jnp.float32),
            pltpu.VMEM((NS, 4, TC_PER_W, 8, 129), jnp.float32),
        ]
        + [pltpu.SemaphoreType.DMA] * (2 * NG + NS),
    )
    def k(x4_hbm, table_hbm, out_hbm, xj4, rows, trans, *sems):
        g_sems = sems[:NG]
        x_sems = sems[NG : 2 * NG]
        s_sems = sems[2 * NG :]
        wid = lax.axis_index("s") * info.num_cores + lax.axis_index("c")
        tc0 = pl.multiple_of(wid * TC_PER_W, TC_PER_W)
        iota16 = lax.iota(jnp.int32, 16)
        tr_lo = lax.shift_right_logical(iota16, 3)
        tr_hi = tr_lo + 2
        rl_v = lax.bitwise_and(iota16, 7)

        def fire_xstage(j, xs):
            tr = lax.shift_right_logical(j, 3)
            rl = lax.bitwise_and(j, 7)
            pltpu.async_copy(
                x4_hbm.at[tr, pl.ds(tc0, TC_PER_W), pl.ds(rl, 1)],
                xj4.at[xs],
                x_sems[xs],
            )

        def wait_xstage(xs):
            pltpu.make_async_copy(
                x4_hbm.at[0, pl.ds(0, TC_PER_W), pl.ds(0, 1)],
                xj4.at[xs],
                x_sems[xs],
            ).wait()

        def fire_gather(rs):
            for tc in range(TC_PER_W):
                pltpu.async_copy(
                    table_hbm.at[xj4.at[rs, tc, 0]],
                    rows.at[rs, pl.ds(tc * 128, 128)],
                    g_sems[rs],
                )

        def wait_gather(rs):
            pltpu.make_async_copy(
                table_hbm.at[pl.ds(0, WR)], rows.at[rs], g_sems[rs]
            ).wait()

        def fire_store(j, ts):
            pltpu.async_copy(
                trans.at[ts, :, :, :, pl.ds(0, 128)],
                out_hbm.at[j, :, pl.ds(tc0, TC_PER_W)],
                s_sems[ts],
            )

        def wait_store(ts):
            pltpu.make_async_copy(
                out_hbm.at[0, :, pl.ds(0, TC_PER_W)],
                trans.at[ts, :, :, :, pl.ds(0, 128)],
                s_sems[ts],
            ).wait()

        def transpose_scale(rs, ts):
            tref = trans.at[ts]

            def tc_body(tc, carry):
                tcv = lax.broadcast(tc, (16,))
                base = tc * 128

                def body(c, carry2):
                    r = base + c
                    lo = rows[rs, r, pl.ds(0, 16)] * SCALE
                    hi = rows[rs, r, pl.ds(16, 16)] * SCALE
                    clv = lax.broadcast(c, (16,))
                    plsc.store_scatter(tref, [tr_lo, tcv, rl_v, clv], lo)
                    plsc.store_scatter(tref, [tr_hi, tcv, rl_v, clv], hi)
                    return carry2

                lax.fori_loop(0, 128, body, 0, unroll=4)
                return carry

            lax.fori_loop(0, TC_PER_W, tc_body, 0)

        for j in range(NG):
            fire_xstage(jnp.int32(j), j)
        for j in range(NG - 1):
            wait_xstage(j)
            fire_gather(j)

        def quad_body(q, carry):
            for off in range(4):
                j = q * 4 + off
                rs = off
                ts = off % 2
                wait_gather(rs)

                @pl.when(j + 4 < NJ)
                def _():
                    fire_xstage(j + 4, rs)

                @pl.when(j + 3 < NJ)
                def _():
                    wait_xstage((off + 3) % 4)
                    fire_gather((off + 3) % 4)

                @pl.when(j >= 2)
                def _():
                    wait_store(ts)

                transpose_scale(rs, ts)
                fire_store(j, ts)

            return carry

        lax.fori_loop(0, NJ // 4, quad_body, 0)
        wait_store(0)
        wait_store(1)

    return k(x4, table)


def kernel(x, table):
    x4 = x.astype(jnp.int32).reshape(128, 128, 25, 8).transpose(2, 0, 3, 1)
    o5 = _sc_embed(x4, table)
    return jnp.transpose(o5, (2, 4, 0, 1, 3)).reshape(NI, NJ, DIM)

# --- scband reference (transcript-rebuilt; emitter-appended) ---
"""Pipeline reference for scband-embedding-24086176596052 (READ-ONLY COPY).

The authoritative reference and input builder live on the scoring server;
editing this copy changes nothing except your own understanding.
"""

import jax, jax.numpy as jnp
import numpy as np

VOCAB = 1000000
DIM = 32

def setup_inputs(seed: int = 0) -> dict:
    key = jax.random.key(seed)
    k1, k2 = jax.random.split(key)
    x = jax.random.randint(k1, (16384, 200), 0, VOCAB, dtype=jnp.int64)
    table = jax.random.normal(k2, (VOCAB, DIM), dtype=jnp.float32)
    return {"x": x, "table": table}

def reference(x, table):
    # nn.Embedding lookup followed by scaling with sqrt(dim)
    emb = jnp.take(table, x, axis=0)
    return emb * np.sqrt(DIM)

if __name__ == "__main__":
    import jax
    _d = setup_inputs()
    print(jax.jit(kernel)(*tuple(_d.values())))

</pallas_src>

<mosaic_0001>
#map = affine_map<(d0, d1) -> (0, 0, 0, 0)>
#map1 = affine_map<(d0, d1) -> (0, 0)>
#map2 = affine_map<(d0, d1) -> (0, 0, 0, 0, 0)>
module attributes {stable_mosaic.version = 14 : i64} {
  func.func @k(%arg0: i32, %arg1: i32, %arg2: memref<25x128x8x128xi32, #tpu.memory_space<hbm>>, %arg3: memref<1000000x32xf32, #tpu.memory_space<hbm>>, %arg4: memref<200x4x128x8x128xf32, #tpu.memory_space<hbm>>, %arg5: memref<4x4x1x128xi32, #tpu.memory_space<vmem>>, %arg6: memref<4x512x32xf32, #tpu.memory_space<vmem>>, %arg7: memref<2x4x4x8x129xf32, #tpu.memory_space<vmem>>, %arg8: memref<!tpu.dma_semaphore, #tpu.memory_space<semaphore_mem>>, %arg9: memref<!tpu.dma_semaphore, #tpu.memory_space<semaphore_mem>>, %arg10: memref<!tpu.dma_semaphore, #tpu.memory_space<semaphore_mem>>, %arg11: memref<!tpu.dma_semaphore, #tpu.memory_space<semaphore_mem>>, %arg12: memref<!tpu.dma_semaphore, #tpu.memory_space<semaphore_mem>>, %arg13: memref<!tpu.dma_semaphore, #tpu.memory_space<semaphore_mem>>, %arg14: memref<!tpu.dma_semaphore, #tpu.memory_space<semaphore_mem>>, %arg15: memref<!tpu.dma_semaphore, #tpu.memory_space<semaphore_mem>>, %arg16: memref<!tpu.dma_semaphore, #tpu.memory_space<semaphore_mem>>, %arg17: memref<!tpu.dma_semaphore, #tpu.memory_space<semaphore_mem>>) attributes {dimension_semantics = [#tpu.dimension_semantics<core_parallel>, #tpu.dimension_semantics<subcore_parallel>], iteration_bounds = array<i64: 2, 16>, scalar_prefetch = 0 : i64, scratch_operands = 13 : i64, tpu.core_type = #tpu.core_type<sc_vector_subcore>, window_params = [{transform_indices = #map}, {transform_indices = #map1}, {transform_indices = #map2}]} {
    %mul3A = arith.constant 2 : i32
    %mul3A_0 = arith.muli %arg1, %mul3A : i32
    %add3A = arith.addi %mul3A_0, %arg0 : i32
    %mul3A_1 = arith.constant 4 : i32
    %mul3A_2 = arith.muli %add3A, %mul3A_1 : i32
    %multiple_of3A = tpu.assume_multiple %mul3A_2, 4 : i32
    %iota3A = tpu.iota {dimensions = array<i32: 0>} : vector<16xi32>
    %shift_right_logical3A = arith.constant 3 : i32
    %shift_right_logical3A_3 = vector.broadcast %shift_right_logical3A : i32 to vector<16xi32>
    %shift_right_logical3A_4 = arith.shrui %iota3A, %shift_right_logical3A_3 : vector<16xi32>
    %add3A_5 = arith.constant 2 : i32
    %add3A_6 = vector.broadcast %add3A_5 : i32 to vector<16xi32>
    %add3A_7 = arith.addi %shift_right_logical3A_4, %add3A_6 : vector<16xi32>
    %and3A = arith.constant 7 : i32
    %and3A_8 = vector.broadcast %and3A : i32 to vector<16xi32>
    %and3A_9 = arith.andi %iota3A, %and3A_8 : vector<16xi32>
    %shift_right_logical3A_10 = arith.constant 0 : i32
    %shift_right_logical3A_11 = arith.constant 3 : i32
    %shift_right_logical3A_12 = arith.shrui %shift_right_logical3A_10, %shift_right_logical3A_11 : i32
    %and3A_13 = arith.constant 0 : i32
    %and3A_14 = arith.constant 7 : i32
    %and3A_15 = arith.andi %and3A_13, %and3A_14 : i32
    %dma_start3A = arith.constant 0 : i32
    %dma_start3A_16 = arith.constant 0 : i32
    %dma_start3A_17 = arith.constant 0 : i32
    %dma_start3A_18 = arith.constant 0 : i32
    %dma_start3A_19 = tpu.memref_slice %arg5[%dma_start3A, %dma_start3A_16, %dma_start3A_17, %dma_start3A_18] : memref<4x4x1x128xi32, #tpu.memory_space<vmem>> -> memref<1x4x1x128xi32, #tpu.memory_space<vmem>>
    %dma_start3A_20 = tpu.memref_squeeze %dma_start3A_19 : memref<1x4x1x128xi32, #tpu.memory_space<vmem>> -> memref<4x1x128xi32, #tpu.memory_space<vmem>>
    %dma_start3A_21 = arith.constant 0 : i32
    %dma_start3A_22 = tpu.memref_slice %arg2[%shift_right_logical3A_12, %multiple_of3A, %and3A_15, %dma_start3A_21] : memref<25x128x8x128xi32, #tpu.memory_space<hbm>> -> memref<1x4x1x128xi32, #tpu.memory_space<hbm>>
    %dma_start3A_23 = tpu.memref_squeeze %dma_start3A_22 : memref<1x4x1x128xi32, #tpu.memory_space<hbm>> -> memref<4x1x128xi32, #tpu.memory_space<hbm>>
    %dma_start3A_24 = arith.constant 0 : i32
    %dma_start3A_25 = arith.constant 0 : i32
    %dma_start3A_26 = arith.constant 0 : i32
    %dma_start3A_27 = tpu.memref_slice %arg5[%dma_start3A, %dma_start3A_24, %dma_start3A_25, %dma_start3A_26] : memref<4x4x1x128xi32, #tpu.memory_space<vmem>> -> memref<1x4x1x128xi32, #tpu.memory_space<vmem>>
    %dma_start3A_28 = tpu.memref_squeeze %dma_start3A_27 : memref<1x4x1x128xi32, #tpu.memory_space<vmem>> -> memref<4x1x128xi32, #tpu.memory_space<vmem>>
    %dma_start3A_29 = arith.constant 0 : i32
    %dma_start3A_30 = tpu.memref_slice %arg2[%shift_right_logical3A_12, %multiple_of3A, %and3A_15, %dma_start3A_29] : memref<25x128x8x128xi32, #tpu.memory_space<hbm>> -> memref<1x4x1x128xi32, #tpu.memory_space<hbm>>
    %dma_start3A_31 = tpu.memref_squeeze %dma_start3A_30 : memref<1x4x1x128xi32, #tpu.memory_space<hbm>> -> memref<4x1x128xi32, #tpu.memory_space<hbm>>
    tpu.enqueue_dma source(%dma_start3A_31 : memref<4x1x128xi32, #tpu.memory_space<hbm>>) target(%dma_start3A_28 : memref<4x1x128xi32, #tpu.memory_space<vmem>>) target_semaphore(%arg12 : memref<!tpu.dma_semaphore, #tpu.memory_space<semaphore_mem>>)
    %shift_right_logical3A_32 = arith.constant 1 : i32
    %shift_right_logical3A_33 = arith.constant 3 : i32
    %shift_right_logical3A_34 = arith.shrui %shift_right_logical3A_32, %shift_right_logical3A_33 : i32
    %and3A_35 = arith.constant 1 : i32
    %and3A_36 = arith.constant 7 : i32
    %and3A_37 = arith.andi %and3A_35, %and3A_36 : i32
    %dma_start3A_38 = arith.constant 1 : i32
    %dma_start3A_39 = arith.constant 0 : i32
    %dma_start3A_40 = arith.constant 0 : i32
    %dma_start3A_41 = arith.constant 0 : i32
    %dma_start3A_42 = tpu.memref_slice %arg5[%dma_start3A_38, %dma_start3A_39, %dma_start3A_40, %dma_start3A_41] : memref<4x4x1x128xi32, #tpu.memory_space<vmem>> -> memref<1x4x1x128xi32, #tpu.memory_space<vmem>>
    %dma_start3A_43 = tpu.memref_squeeze %dma_start3A_42 : memref<1x4x1x128xi32, #tpu.memory_space<vmem>> -> memref<4x1x128xi32, #tpu.memory_space<vmem>>
    %dma_start3A_44 = arith.constant 0 : i32
    %dma_start3A_45 = tpu.memref_slice %arg2[%shift_right_logical3A_34, %multiple_of3A, %and3A_37, %dma_start3A_44] : memref<25x128x8x128xi32, #tpu.memory_space<hbm>> -> memref<1x4x1x128xi32, #tpu.memory_space<hbm>>
    %dma_start3A_46 = tpu.memref_squeeze %dma_start3A_45 : memref<1x4x1x128xi32, #tpu.memory_space<hbm>> -> memref<4x1x128xi32, #tpu.memory_space<hbm>>
    %dma_start3A_47 = arith.constant 0 : i32
    %dma_start3A_48 = arith.constant 0 : i32
    %dma_start3A_49 = arith.constant 0 : i32
    %dma_start3A_50 = tpu.memref_slice %arg5[%dma_start3A_38, %dma_start3A_47, %dma_start3A_48, %dma_start3A_49] : memref<4x4x1x128xi32, #tpu.memory_space<vmem>> -> memref<1x4x1x128xi32, #tpu.memory_space<vmem>>
    %dma_start3A_51 = tpu.memref_squeeze %dma_start3A_50 : memref<1x4x1x128xi32, #tpu.memory_space<vmem>> -> memref<4x1x128xi32, #tpu.memory_space<vmem>>
    %dma_start3A_52 = arith.constant 0 : i32
    %dma_start3A_53 = tpu.memref_slice %arg2[%shift_right_logical3A_34, %multiple_of3A, %and3A_37, %dma_start3A_52] : memref<25x128x8x128xi32, #tpu.memory_space<hbm>> -> memref<1x4x1x128xi32, #tpu.memory_space<hbm>>
    %dma_start3A_54 = tpu.memref_squeeze %dma_start3A_53 : memref<1x4x1x128xi32, #tpu.memory_space<hbm>> -> memref<4x1x128xi32, #tpu.memory_space<hbm>>
    tpu.enqueue_dma source(%dma_start3A_54 : memref<4x1x128xi32, #tpu.memory_space<hbm>>) target(%dma_start3A_51 : memref<4x1x128xi32, #tpu.memory_space<vmem>>) target_semaphore(%arg13 : memref<!tpu.dma_semaphore, #tpu.memory_space<semaphore_mem>>)
    %shift_right_logical3A_55 = arith.constant 2 : i32
    %shift_right_logical3A_56 = arith.constant 3 : i32
    %shift_right_logical3A_57 = arith.shrui %shift_right_logical3A_55, %shift_right_logical3A_56 : i32
    %and3A_58 = arith.constant 2 : i32
    %and3A_59 = arith.constant 7 : i32
    %and3A_60 = arith.andi %and3A_58, %and3A_59 : i32
    %dma_start3A_61 = arith.constant 2 : i32
    %dma_start3A_62 = arith.constant 0 : i32
    %dma_start3A_63 = arith.constant 0 : i32
    %dma_start3A_64 = arith.constant 0 : i32
    %dma_start3A_65 = tpu.memref_slice %arg5[%dma_start3A_61, %dma_start3A_62, %dma_start3A_63, %dma_start3A_64] : memref<4x4x1x128xi32, #tpu.memory_space<vmem>> -> memref<1x4x1x128xi32, #tpu.memory_space<vmem>>
    %dma_start3A_66 = tpu.memref_squeeze %dma_start3A_65 : memref<1x4x1x128xi32, #tpu.memory_space<vmem>> -> memref<4x1x128xi32, #tpu.memory_space<vmem>>
    %dma_start3A_67 = arith.constant 0 : i32
    %dma_start3A_68 = tpu.memref_slice %arg2[%shift_right_logical3A_57, %multiple_of3A, %and3A_60, %dma_start3A_67] : memref<25x128x8x128xi32, #tpu.memory_space<hbm>> -> memref<1x4x1x128xi32, #tpu.memory_space<hbm>>
    %dma_start3A_69 = tpu.memref_squeeze %dma_start3A_68 : memref<1x4x1x128xi32, #tpu.memory_space<hbm>> -> memref<4x1x128xi32, #tpu.memory_space<hbm>>
    %dma_start3A_70 = arith.constant 0 : i32
    %dma_start3A_71 = arith.constant 0 : i32
    %dma_start3A_72 = arith.constant 0 : i32
    %dma_start3A_73 = tpu.memref_slice %arg5[%dma_start3A_61, %dma_start3A_70, %dma_start3A_71, %dma_start3A_72] : memref<4x4x1x128xi32, #tpu.memory_space<vmem>> -> memref<1x4x1x128xi32, #tpu.memory_space<vmem>>
    %dma_start3A_74 = tpu.memref_squeeze %dma_start3A_73 : memref<1x4x1x128xi32, #tpu.memory_space<vmem>> -> memref<4x1x128xi32, #tpu.memory_space<vmem>>
    %dma_start3A_75 = arith.constant 0 : i32
    %dma_start3A_76 = tpu.memref_slice %arg2[%shift_right_logical3A_57, %multiple_of3A, %and3A_60, %dma_start3A_75] : memref<25x128x8x128xi32, #tpu.memory_space<hbm>> -> memref<1x4x1x128xi32, #tpu.memory_space<hbm>>
    %dma_start3A_77 = tpu.memref_squeeze %dma_start3A_76 : memref<1x4x1x128xi32, #tpu.memory_space<hbm>> -> memref<4x1x128xi32, #tpu.memory_space<hbm>>
    tpu.enqueue_dma source(%dma_start3A_77 : memref<4x1x128xi32, #tpu.memory_space<hbm>>) target(%dma_start3A_74 : memref<4x1x128xi32, #tpu.memory_space<vmem>>) target_semaphore(%arg14 : memref<!tpu.dma_semaphore, #tpu.memory_space<semaphore_mem>>)
    %shift_right_logical3A_78 = arith.constant 3 : i32
    %shift_right_logical3A_79 = arith.constant 3 : i32
    %shift_right_logical3A_80 = arith.shrui %shift_right_logical3A_78, %shift_right_logical3A_79 : i32
    %and3A_81 = arith.constant 3 : i32
    %and3A_82 = arith.constant 7 : i32
    %and3A_83 = arith.andi %and3A_81, %and3A_82 : i32
    %dma_start3A_84 = arith.constant 3 : i32
    %dma_start3A_85 = arith.constant 0 : i32
    %dma_start3A_86 = arith.constant 0 : i32
    %dma_start3A_87 = arith.constant 0 : i32
    %dma_start3A_88 = tpu.memref_slice %arg5[%dma_start3A_84, %dma_start3A_85, %dma_start3A_86, %dma_start3A_87] : memref<4x4x1x128xi32, #tpu.memory_space<vmem>> -> memref<1x4x1x128xi32, #tpu.memory_space<vmem>>
    %dma_start3A_89 = tpu.memref_squeeze %dma_start3A_88 : memref<1x4x1x128xi32, #tpu.memory_space<vmem>> -> memref<4x1x128xi32, #tpu.memory_space<vmem>>
    %dma_start3A_90 = arith.constant 0 : i32
    %dma_start3A_91 = tpu.memref_slice %arg2[%shift_right_logical3A_80, %multiple_of3A, %and3A_83, %dma_start3A_90] : memref<25x128x8x128xi32, #tpu.memory_space<hbm>> -> memref<1x4x1x128xi32, #tpu.memory_space<hbm>>
    %dma_start3A_92 = tpu.memref_squeeze %dma_start3A_91 : memref<1x4x1x128xi32, #tpu.memory_space<hbm>> -> memref<4x1x128xi32, #tpu.memory_space<hbm>>
    %dma_start3A_93 = arith.constant 0 : i32
    %dma_start3A_94 = arith.constant 0 : i32
    %dma_start3A_95 = arith.constant 0 : i32
    %dma_start3A_96 = tpu.memref_slice %arg5[%dma_start3A_84, %dma_start3A_93, %dma_start3A_94, %dma_start3A_95] : memref<4x4x1x128xi32, #tpu.memory_space<vmem>> -> memref<1x4x1x128xi32, #tpu.memory_space<vmem>>
    %dma_start3A_97 = tpu.memref_squeeze %dma_start3A_96 : memref<1x4x1x128xi32, #tpu.memory_space<vmem>> -> memref<4x1x128xi32, #tpu.memory_space<vmem>>
    %dma_start3A_98 = arith.constant 0 : i32
    %dma_start3A_99 = tpu.memref_slice %arg2[%shift_right_logical3A_80, %multiple_of3A, %and3A_83, %dma_start3A_98] : memref<25x128x8x128xi32, #tpu.memory_space<hbm>> -> memref<1x4x1x128xi32, #tpu.memory_space<hbm>>
    %dma_start3A_100 = tpu.memref_squeeze %dma_start3A_99 : memref<1x4x1x128xi32, #tpu.memory_space<hbm>> -> memref<4x1x128xi32, #tpu.memory_space<hbm>>
    tpu.enqueue_dma source(%dma_start3A_100 : memref<4x1x128xi32, #tpu.memory_space<hbm>>) target(%dma_start3A_97 : memref<4x1x128xi32, #tpu.memory_space<vmem>>) target_semaphore(%arg15 : memref<!tpu.dma_semaphore, #tpu.memory_space<semaphore_mem>>)
    %dma_wait3A = arith.constant 0 : i32
    %dma_wait3A_101 = arith.constant 0 : i32
    %dma_wait3A_102 = arith.constant 0 : i32
    %dma_wait3A_103 = arith.constant 0 : i32
    %dma_wait3A_104 = arith.constant 0 : i32
    %dma_wait3A_105 = tpu.memref_slice %arg5[%dma_wait3A_101, %dma_wait3A_102, %dma_wait3A_103, %dma_wait3A_104] : memref<4x4x1x128xi32, #tpu.memory_space<vmem>> -> memref<1x4x1x128xi32, #tpu.memory_space<vmem>>
    %dma_wait3A_106 = tpu.memref_squeeze %dma_wait3A_105 : memref<1x4x1x128xi32, #tpu.memory_space<vmem>> -> memref<4x1x128xi32, #tpu.memory_space<vmem>>
    %dma_wait3A_107 = arith.constant 0 : i32
    %dma_wait3A_108 = arith.constant 0 : i32
    %dma_wait3A_109 = arith.constant 0 : i32
    %dma_wait3A_110 = tpu.memref_slice %arg2[%dma_wait3A, %dma_wait3A_107, %dma_wait3A_108, %dma_wait3A_109] : memref<25x128x8x128xi32, #tpu.memory_space<hbm>> -> memref<1x4x1x128xi32, #tpu.memory_space<hbm>>
    %dma_wait3A_111 = tpu.memref_squeeze %dma_wait3A_110 : memref<1x4x1x128xi32, #tpu.memory_space<hbm>> -> memref<4x1x128xi32, #tpu.memory_space<hbm>>
    %dma_wait3A_112 = arith.constant 0 : i32
    %dma_wait3A_113 = arith.constant 0 : i32
    %dma_wait3A_114 = arith.constant 0 : i32
    %dma_wait3A_115 = tpu.memref_slice %arg5[%dma_wait3A_101, %dma_wait3A_112, %dma_wait3A_113, %dma_wait3A_114] : memref<4x4x1x128xi32, #tpu.memory_space<vmem>> -> memref<1x4x1x128xi32, #tpu.memory_space<vmem>>
    %dma_wait3A_116 = tpu.memref_squeeze %dma_wait3A_115 : memref<1x4x1x128xi32, #tpu.memory_space<vmem>> -> memref<4x1x128xi32, #tpu.memory_space<vmem>>
    %dma_wait3A_117 = arith.constant 0 : i32
    %dma_wait3A_118 = arith.constant 0 : i32
    %dma_wait3A_119 = arith.constant 0 : i32
    %dma_wait3A_120 = tpu.memref_slice %arg2[%dma_wait3A, %dma_wait3A_117, %dma_wait3A_118, %dma_wait3A_119] : memref<25x128x8x128xi32, #tpu.memory_space<hbm>> -> memref<1x4x1x128xi32, #tpu.memory_space<hbm>>
    %dma_wait3A_121 = tpu.memref_squeeze %dma_wait3A_120 : memref<1x4x1x128xi32, #tpu.memory_space<hbm>> -> memref<4x1x128xi32, #tpu.memory_space<hbm>>
    tpu.wait_dma2 semaphore(%arg12 : memref<!tpu.dma_semaphore, #tpu.memory_space<semaphore_mem>>) src(%dma_wait3A_121 : memref<4x1x128xi32, #tpu.memory_space<hbm>>) dst(%dma_wait3A_116 : memref<4x1x128xi32, #tpu.memory_space<vmem>>)
    %dma_start3A_122 = arith.constant 0 : i32
    %dma_start3A_123 = arith.constant 0 : i32
    %dma_start3A_124 = arith.constant 0 : i32
    %dma_start3A_125 = arith.constant 0 : i32
    %dma_start3A_126 = arith.constant 0 : i32
    %dma_start3A_127 = arith.constant 0 : i32
    %dma_start3A_128 = tpu.memref_slice %arg6[%dma_start3A_125, %dma_start3A_126, %dma_start3A_127] : memref<4x512x32xf32, #tpu.memory_space<vmem>> -> memref<1x128x32xf32, #tpu.memory_space<vmem>>
    %dma_start3A_129 = tpu.memref_squeeze %dma_start3A_128 : memref<1x128x32xf32, #tpu.memory_space<vmem>> -> memref<128x32xf32, #tpu.memory_space<vmem>>
    %dma_start3A_130 = arith.constant 0 : i32
    %dma_start3A_131 = tpu.memref_slice %arg5[%dma_start3A_122, %dma_start3A_123, %dma_start3A_124, %dma_start3A_130] : memref<4x4x1x128xi32, #tpu.memory_space<vmem>> -> memref<1x1x1x128xi32, #tpu.memory_space<vmem>>
    %dma_start3A_132 = tpu.memref_squeeze %dma_start3A_131 : memref<1x1x1x128xi32, #tpu.memory_space<vmem>> -> memref<128xi32, #tpu.memory_space<vmem>>
    %dma_start3A_133 = arith.constant 0 : i32
    %dma_start3A_134 = arith.constant 0 : i32
    %dma_start3A_135 = tpu.memref_slice %arg3[%dma_start3A_133, %dma_start3A_134] : memref<1000000x32xf32, #tpu.memory_space<hbm>> -> memref<1000000x32xf32, #tpu.memory_space<hbm>>
    tpu.enqueue_indirect_dma source(%dma_start3A_135 : memref<1000000x32xf32, #tpu.memory_space<hbm>>) target(%dma_start3A_129 : memref<128x32xf32, #tpu.memory_space<vmem>>) offsets(%dma_start3A_132 : memref<128xi32, #tpu.memory_space<vmem>>) semaphore(%arg8 : memref<!tpu.dma_semaphore, #tpu.memory_space<semaphore_mem>>)
    %dma_start3A_136 = arith.constant 0 : i32
    %dma_start3A_137 = arith.constant 1 : i32
    %dma_start3A_138 = arith.constant 0 : i32
    %dma_start3A_139 = arith.constant 0 : i32
    %dma_start3A_140 = arith.constant 128 : i32
    %dma_start3A_141 = arith.constant 0 : i32
    %dma_start3A_142 = tpu.memref_slice %arg6[%dma_start3A_139, %dma_start3A_140, %dma_start3A_141] : memref<4x512x32xf32, #tpu.memory_space<vmem>> -> memref<1x128x32xf32, #tpu.memory_space<vmem>>
    %dma_start3A_143 = tpu.memref_squeeze %dma_start3A_142 : memref<1x128x32xf32, #tpu.memory_space<vmem>> -> memref<128x32xf32, #tpu.memory_space<vmem>>
    %dma_start3A_144 = arith.constant 0 : i32
    %dma_start3A_145 = tpu.memref_slice %arg5[%dma_start3A_136, %dma_start3A_137, %dma_start3A_138, %dma_start3A_144] : memref<4x4x1x128xi32, #tpu.memory_space<vmem>> -> memref<1x1x1x128xi32, #tpu.memory_space<vmem>>
    %dma_start3A_146 = tpu.memref_squeeze %dma_start3A_145 : memref<1x1x1x128xi32, #tpu.memory_space<vmem>> -> memref<128xi32, #tpu.memory_space<vmem>>
    %dma_start3A_147 = arith.constant 0 : i32
    %dma_start3A_148 = arith.constant 0 : i32
    %dma_start3A_149 = tpu.memref_slice %arg3[%dma_start3A_147, %dma_start3A_148] : memref<1000000x32xf32, #tpu.memory_space<hbm>> -> memref<1000000x32xf32, #tpu.memory_space<hbm>>
    tpu.enqueue_indirect_dma source(%dma_start3A_149 : memref<1000000x32xf32, #tpu.memory_space<hbm>>) target(%dma_start3A_143 : memref<128x32xf32, #tpu.memory_space<vmem>>) offsets(%dma_start3A_146 : memref<128xi32, #tpu.memory_space<vmem>>) semaphore(%arg8 : memref<!tpu.dma_semaphore, #tpu.memory_space<semaphore_mem>>)
    %dma_start3A_150 = arith.constant 0 : i32
    %dma_start3A_151 = arith.constant 2 : i32
    %dma_start3A_152 = arith.constant 0 : i32
    %dma_start3A_153 = arith.constant 0 : i32
    %dma_start3A_154 = arith.constant 256 : i32
    %dma_start3A_155 = arith.constant 0 : i32
    %dma_start3A_156 = tpu.memref_slice %arg6[%dma_start3A_153, %dma_start3A_154, %dma_start3A_155] : memref<4x512x32xf32, #tpu.memory_space<vmem>> -> memref<1x128x32xf32, #tpu.memory_space<vmem>>
    %dma_start3A_157 = tpu.memref_squeeze %dma_start3A_156 : memref<1x128x32xf32, #tpu.memory_space<vmem>> -> memref<128x32xf32, #tpu.memory_space<vmem>>
    %dma_start3A_158 = arith.constant 0 : i32
    %dma_start3A_159 = tpu.memref_slice %arg5[%dma_start3A_150, %dma_start3A_151, %dma_start3A_152, %dma_start3A_158] : memref<4x4x1x128xi32, #tpu.memory_space<vmem>> -> memref<1x1x1x128xi32, #tpu.memory_space<vmem>>
    %dma_start3A_160 = tpu.memref_squeeze %dma_start3A_159 : memref<1x1x1x128xi32, #tpu.memory_space<vmem>> -> memref<128xi32, #tpu.memory_space<vmem>>
    %dma_start3A_161 = arith.constant 0 : i32
    %dma_start3A_162 = arith.constant 0 : i32
    %dma_start3A_163 = tpu.memref_slice %arg3[%dma_start3A_161, %dma_start3A_162] : memref<1000000x32xf32, #tpu.memory_space<hbm>> -> memref<1000000x32xf32, #tpu.memory_space<hbm>>
    tpu.enqueue_indirect_dma source(%dma_start3A_163 : memref<1000000x32xf32, #tpu.memory_space<hbm>>) target(%dma_start3A_157 : memref<128x32xf32, #tpu.memory_space<vmem>>) offsets(%dma_start3A_160 : memref<128xi32, #tpu.memory_space<vmem>>) semaphore(%arg8 : memref<!tpu.dma_semaphore, #tpu.memory_space<semaphore_mem>>)
    %dma_start3A_164 = arith.constant 0 : i32
    %dma_start3A_165 = arith.constant 3 : i32
    %dma_start3A_166 = arith.constant 0 : i32
    %dma_start3A_167 = arith.constant 0 : i32
    %dma_start3A_168 = arith.constant 384 : i32
    %dma_start3A_169 = arith.constant 0 : i32
    %dma_start3A_170 = tpu.memref_slice %arg6[%dma_start3A_167, %dma_start3A_168, %dma_start3A_169] : memref<4x512x32xf32, #tpu.memory_space<vmem>> -> memref<1x128x32xf32, #tpu.memory_space<vmem>>
    %dma_start3A_171 = tpu.memref_squeeze %dma_start3A_170 : memref<1x128x32xf32, #tpu.memory_space<vmem>> -> memref<128x32xf32, #tpu.memory_space<vmem>>
    %dma_start3A_172 = arith.constant 0 : i32
    %dma_start3A_173 = tpu.memref_slice %arg5[%dma_start3A_164, %dma_start3A_165, %dma_start3A_166, %dma_start3A_172] : memref<4x4x1x128xi32, #tpu.memory_space<vmem>> -> memref<1x1x1x128xi32, #tpu.memory_space<vmem>>
    %dma_start3A_174 = tpu.memref_squeeze %dma_start3A_173 : memref<1x1x1x128xi32, #tpu.memory_space<vmem>> -> memref<128xi32, #tpu.memory_space<vmem>>
    %dma_start3A_175 = arith.constant 0 : i32
    %dma_start3A_176 = arith.constant 0 : i32
    %dma_start3A_177 = tpu.memref_slice %arg3[%dma_start3A_175, %dma_start3A_176] : memref<1000000x32xf32, #tpu.memory_space<hbm>> -> memref<1000000x32xf32, #tpu.memory_space<hbm>>
    tpu.enqueue_indirect_dma source(%dma_start3A_177 : memref<1000000x32xf32, #tpu.memory_space<hbm>>) target(%dma_start3A_171 : memref<128x32xf32, #tpu.memory_space<vmem>>) offsets(%dma_start3A_174 : memref<128xi32, #tpu.memory_space<vmem>>) semaphore(%arg8 : memref<!tpu.dma_semaphore, #tpu.memory_space<semaphore_mem>>)
    %dma_wait3A_178 = arith.constant 0 : i32
    %dma_wait3A_179 = arith.constant 1 : i32
    %dma_wait3A_180 = arith.constant 0 : i32
    %dma_wait3A_181 = arith.constant 0 : i32
    %dma_wait3A_182 = arith.constant 0 : i32
    %dma_wait3A_183 = tpu.memref_slice %arg5[%dma_wait3A_179, %dma_wait3A_180, %dma_wait3A_181, %dma_wait3A_182] : memref<4x4x1x128xi32, #tpu.memory_space<vmem>> -> memref<1x4x1x128xi32, #tpu.memory_space<vmem>>
    %dma_wait3A_184 = tpu.memref_squeeze %dma_wait3A_183 : memref<1x4x1x128xi32, #tpu.memory_space<vmem>> -> memref<4x1x128xi32, #tpu.memory_space<vmem>>
    %dma_wait3A_185 = arith.constant 0 : i32
    %dma_wait3A_186 = arith.constant 0 : i32
    %dma_wait3A_187 = arith.constant 0 : i32
    %dma_wait3A_188 = tpu.memref_slice %arg2[%dma_wait3A_178, %dma_wait3A_185, %dma_wait3A_186, %dma_wait3A_187] : memref<25x128x8x128xi32, #tpu.memory_space<hbm>> -> memref<1x4x1x128xi32, #tpu.memory_space<hbm>>
    %dma_wait3A_189 = tpu.memref_squeeze %dma_wait3A_188 : memref<1x4x1x128xi32, #tpu.memory_space<hbm>> -> memref<4x1x128xi32, #tpu.memory_space<hbm>>
    %dma_wait3A_190 = arith.constant 0 : i32
    %dma_wait3A_191 = arith.constant 0 : i32
    %dma_wait3A_192 = arith.constant 0 : i32
    %dma_wait3A_193 = tpu.memref_slice %arg5[%dma_wait3A_179, %dma_wait3A_190, %dma_wait3A_191, %dma_wait3A_192] : memref<4x4x1x128xi32, #tpu.memory_space<vmem>> -> memref<1x4x1x128xi32, #tpu.memory_space<vmem>>
    %dma_wait3A_194 = tpu.memref_squeeze %dma_wait3A_193 : memref<1x4x1x128xi32, #tpu.memory_space<vmem>> -> memref<4x1x128xi32, #tpu.memory_space<vmem>>
    %dma_wait3A_195 = arith.constant 0 : i32
    %dma_wait3A_196 = arith.constant 0 : i32
    %dma_wait3A_197 = arith.constant 0 : i32
    %dma_wait3A_198 = tpu.memref_slice %arg2[%dma_wait3A_178, %dma_wait3A_195, %dma_wait3A_196, %dma_wait3A_197] : memref<25x128x8x128xi32, #tpu.memory_space<hbm>> -> memref<1x4x1x128xi32, #tpu.memory_space<hbm>>
    %dma_wait3A_199 = tpu.memref_squeeze %dma_wait3A_198 : memref<1x4x1x128xi32, #tpu.memory_space<hbm>> -> memref<4x1x128xi32, #tpu.memory_space<hbm>>
    tpu.wait_dma2 semaphore(%arg13 : memref<!tpu.dma_semaphore, #tpu.memory_space<semaphore_mem>>) src(%dma_wait3A_199 : memref<4x1x128xi32, #tpu.memory_space<hbm>>) dst(%dma_wait3A_194 : memref<4x1x128xi32, #tpu.memory_space<vmem>>)
    %dma_start3A_200 = arith.constant 1 : i32
    %dma_start3A_201 = arith.constant 0 : i32
    %dma_start3A_202 = arith.constant 0 : i32
    %dma_start3A_203 = arith.constant 1 : i32
    %dma_start3A_204 = arith.constant 0 : i32
    %dma_start3A_205 = arith.constant 0 : i32
    %dma_start3A_206 = tpu.memref_slice %arg6[%dma_start3A_203, %dma_start3A_204, %dma_start3A_205] : memref<4x512x32xf32, #tpu.memory_space<vmem>> -> memref<1x128x32xf32, #tpu.memory_space<vmem>>
    %dma_start3A_207 = tpu.memref_squeeze %dma_start3A_206 : memref<1x128x32xf32, #tpu.memory_space<vmem>> -> memref<128x32xf32, #tpu.memory_space<vmem>>
    %dma_start3A_208 = arith.constant 0 : i32
    %dma_start3A_209 = tpu.memref_slice %arg5[%dma_start3A_200, %dma_start3A_201, %dma_start3A_202, %dma_start3A_208] : memref<4x4x1x128xi32, #tpu.memory_space<vmem>> -> memref<1x1x1x128xi32, #tpu.memory_space<vmem>>
    %dma_start3A_210 = tpu.memref_squeeze %dma_start3A_209 : memref<1x1x1x128xi32, #tpu.memory_space<vmem>> -> memref<128xi32, #tpu.memory_space<vmem>>
    %dma_start3A_211 = arith.constant 0 : i32
    %dma_start3A_212 = arith.constant 0 : i32
    %dma_start3A_213 = tpu.memref_slice %arg3[%dma_start3A_211, %dma_start3A_212] : memref<1000000x32xf32, #tpu.memory_space<hbm>> -> memref<1000000x32xf32, #tpu.memory_space<hbm>>
    tpu.enqueue_indirect_dma source(%dma_start3A_213 : memref<1000000x32xf32, #tpu.memory_space<hbm>>) target(%dma_start3A_207 : memref<128x32xf32, #tpu.memory_space<vmem>>) offsets(%dma_start3A_210 : memref<128xi32, #tpu.memory_space<vmem>>) semaphore(%arg9 : memref<!tpu.dma_semaphore, #tpu.memory_space<semaphore_mem>>)
    %dma_start3A_214 = arith.constant 1 : i32
    %dma_start3A_215 = arith.constant 1 : i32
    %dma_start3A_216 = arith.constant 0 : i32
    %dma_start3A_217 = arith.constant 1 : i32
    %dma_start3A_218 = arith.constant 128 : i32
    %dma_start3A_219 = arith.constant 0 : i32
    %dma_start3A_220 = tpu.memref_slice %arg6[%dma_start3A_217, %dma_start3A_218, %dma_start3A_219] : memref<4x512x32xf32, #tpu.memory_space<vmem>> -> memref<1x128x32xf32, #tpu.memory_space<vmem>>
    %dma_start3A_221 = tpu.memref_squeeze %dma_start3A_220 : memref<1x128x32xf32, #tpu.memory_space<vmem>> -> memref<128x32xf32, #tpu.memory_space<vmem>>
    %dma_start3A_222 = arith.constant 0 : i32
    %dma_start3A_223 = tpu.memref_slice %arg5[%dma_start3A_214, %dma_start3A_215, %dma_start3A_216, %dma_start3A_222] : memref<4x4x1x128xi32, #tpu.memory_space<vmem>> -> memref<1x1x1x128xi32, #tpu.memory_space<vmem>>
    %dma_start3A_224 = tpu.memref_squeeze %dma_start3A_223 : memref<1x1x1x128xi32, #tpu.memory_space<vmem>> -> memref<128xi32, #tpu.memory_space<vmem>>
    %dma_start3A_225 = arith.constant 0 : i32
    %dma_start3A_226 = arith.constant 0 : i32
    %dma_start3A_227 = tpu.memref_slice %arg3[%dma_start3A_225, %dma_start3A_226] : memref<1000000x32xf32, #tpu.memory_space<hbm>> -> memref<1000000x32xf32, #tpu.memory_space<hbm>>
    tpu.enqueue_indirect_dma source(%dma_start3A_227 : memref<1000000x32xf32, #tpu.memory_space<hbm>>) target(%dma_start3A_221 : memref<128x32xf32, #tpu.memory_space<vmem>>) offsets(%dma_start3A_224 : memref<128xi32, #tpu.memory_space<vmem>>) semaphore(%arg9 : memref<!tpu.dma_semaphore, #tpu.memory_space<semaphore_mem>>)
    %dma_start3A_228 = arith.constant 1 : i32
    %dma_start3A_229 = arith.constant 2 : i32
    %dma_start3A_230 = arith.constant 0 : i32
    %dma_start3A_231 = arith.constant 1 : i32
    %dma_start3A_232 = arith.constant 256 : i32
    %dma_start3A_233 = arith.constant 0 : i32
    %dma_start3A_234 = tpu.memref_slice %arg6[%dma_start3A_231, %dma_start3A_232, %dma_start3A_233] : memref<4x512x32xf32, #tpu.memory_space<vmem>> -> memref<1x128x32xf32, #tpu.memory_space<vmem>>
    %dma_start3A_235 = tpu.memref_squeeze %dma_start3A_234 : memref<1x128x32xf32, #tpu.memory_space<vmem>> -> memref<128x32xf32, #tpu.memory_space<vmem>>
    %dma_start3A_236 = arith.constant 0 : i32
    %dma_start3A_237 = tpu.memref_slice %arg5[%dma_start3A_228, %dma_start3A_229, %dma_start3A_230, %dma_start3A_236] : memref<4x4x1x128xi32, #tpu.memory_space<vmem>> -> memref<1x1x1x128xi32, #tpu.memory_space<vmem>>
    %dma_start3A_238 = tpu.memref_squeeze %dma_start3A_237 : memref<1x1x1x128xi32, #tpu.memory_space<vmem>> -> memref<128xi32, #tpu.memory_space<vmem>>
    %dma_start3A_239 = arith.constant 0 : i32
    %dma_start3A_240 = arith.constant 0 : i32
    %dma_start3A_241 = tpu.memref_slice %arg3[%dma_start3A_239, %dma_start3A_240] : memref<1000000x32xf32, #tpu.memory_space<hbm>> -> memref<1000000x32xf32, #tpu.memory_space<hbm>>
    tpu.enqueue_indirect_dma source(%dma_start3A_241 : memref<1000000x32xf32, #tpu.memory_space<hbm>>) target(%dma_start3A_235 : memref<128x32xf32, #tpu.memory_space<vmem>>) offsets(%dma_start3A_238 : memref<128xi32, #tpu.memory_space<vmem>>) semaphore(%arg9 : memref<!tpu.dma_semaphore, #tpu.memory_space<semaphore_mem>>)
    %dma_start3A_242 = arith.constant 1 : i32
    %dma_start3A_243 = arith.constant 3 : i32
    %dma_start3A_244 = arith.constant 0 : i32
    %dma_start3A_245 = arith.constant 1 : i32
    %dma_start3A_246 = arith.constant 384 : i32
    %dma_start3A_247 = arith.constant 0 : i32
    %dma_start3A_248 = tpu.memref_slice %arg6[%dma_start3A_245, %dma_start3A_246, %dma_start3A_247] : memref<4x512x32xf32, #tpu.memory_space<vmem>> -> memref<1x128x32xf32, #tpu.memory_space<vmem>>
    %dma_start3A_249 = tpu.memref_squeeze %dma_start3A_248 : memref<1x128x32xf32, #tpu.memory_space<vmem>> -> memref<128x32xf32, #tpu.memory_space<vmem>>
    %dma_start3A_250 = arith.constant 0 : i32
    %dma_start3A_251 = tpu.memref_slice %arg5[%dma_start3A_242, %dma_start3A_243, %dma_start3A_244, %dma_start3A_250] : memref<4x4x1x128xi32, #tpu.memory_space<vmem>> -> memref<1x1x1x128xi32, #tpu.memory_space<vmem>>
    %dma_start3A_252 = tpu.memref_squeeze %dma_start3A_251 : memref<1x1x1x128xi32, #tpu.memory_space<vmem>> -> memref<128xi32, #tpu.memory_space<vmem>>
    %dma_start3A_253 = arith.constant 0 : i32
    %dma_start3A_254 = arith.constant 0 : i32
    %dma_start3A_255 = tpu.memref_slice %arg3[%dma_start3A_253, %dma_start3A_254] : memref<1000000x32xf32, #tpu.memory_space<hbm>> -> memref<1000000x32xf32, #tpu.memory_space<hbm>>
    tpu.enqueue_indirect_dma source(%dma_start3A_255 : memref<1000000x32xf32, #tpu.memory_space<hbm>>) target(%dma_start3A_249 : memref<128x32xf32, #tpu.memory_space<vmem>>) offsets(%dma_start3A_252 : memref<128xi32, #tpu.memory_space<vmem>>) semaphore(%arg9 : memref<!tpu.dma_semaphore, #tpu.memory_space<semaphore_mem>>)
    %dma_wait3A_256 = arith.constant 0 : i32
    %dma_wait3A_257 = arith.constant 2 : i32
    %dma_wait3A_258 = arith.constant 0 : i32
    %dma_wait3A_259 = arith.constant 0 : i32
    %dma_wait3A_260 = arith.constant 0 : i32
    %dma_wait3A_261 = tpu.memref_slice %arg5[%dma_wait3A_257, %dma_wait3A_258, %dma_wait3A_259, %dma_wait3A_260] : memref<4x4x1x128xi32, #tpu.memory_space<vmem>> -> memref<1x4x1x128xi32, #tpu.memory_space<vmem>>
    %dma_wait3A_262 = tpu.memref_squeeze %dma_wait3A_261 : memref<1x4x1x128xi32, #tpu.memory_space<vmem>> -> memref<4x1x128xi32, #tpu.memory_space<vmem>>
    %dma_wait3A_263 = arith.constant 0 : i32
    %dma_wait3A_264 = arith.constant 0 : i32
    %dma_wait3A_265 = arith.constant 0 : i32
    %dma_wait3A_266 = tpu.memref_slice %arg2[%dma_wait3A_256, %dma_wait3A_263, %dma_wait3A_264, %dma_wait3A_265] : memref<25x128x8x128xi32, #tpu.memory_space<hbm>> -> memref<1x4x1x128xi32, #tpu.memory_space<hbm>>
    %dma_wait3A_267 = tpu.memref_squeeze %dma_wait3A_266 : memref<1x4x1x128xi32, #tpu.memory_space<hbm>> -> memref<4x1x128xi32, #tpu.memory_space<hbm>>
    %dma_wait3A_268 = arith.constant 0 : i32
    %dma_wait3A_269 = arith.constant 0 : i32
    %dma_wait3A_270 = arith.constant 0 : i32
    %dma_wait3A_271 = tpu.memref_slice %arg5[%dma_wait3A_257, %dma_wait3A_268, %dma_wait3A_269, %dma_wait3A_270] : memref<4x4x1x128xi32, #tpu.memory_space<vmem>> -> memref<1x4x1x128xi32, #tpu.memory_space<vmem>>
    %dma_wait3A_272 = tpu.memref_squeeze %dma_wait3A_271 : memref<1x4x1x128xi32, #tpu.memory_space<vmem>> -> memref<4x1x128xi32, #tpu.memory_space<vmem>>
    %dma_wait3A_273 = arith.constant 0 : i32
    %dma_wait3A_274 = arith.constant 0 : i32
    %dma_wait3A_275 = arith.constant 0 : i32
    %dma_wait3A_276 = tpu.memref_slice %arg2[%dma_wait3A_256, %dma_wait3A_273, %dma_wait3A_274, %dma_wait3A_275] : memref<25x128x8x128xi32, #tpu.memory_space<hbm>> -> memref<1x4x1x128xi32, #tpu.memory_space<hbm>>
    %dma_wait3A_277 = tpu.memref_squeeze %dma_wait3A_276 : memref<1x4x1x128xi32, #tpu.memory_space<hbm>> -> memref<4x1x128xi32, #tpu.memory_space<hbm>>
    tpu.wait_dma2 semaphore(%arg14 : memref<!tpu.dma_semaphore, #tpu.memory_space<semaphore_mem>>) src(%dma_wait3A_277 : memref<4x1x128xi32, #tpu.memory_space<hbm>>) dst(%dma_wait3A_272 : memref<4x1x128xi32, #tpu.memory_space<vmem>>)
    %dma_start3A_278 = arith.constant 2 : i32
    %dma_start3A_279 = arith.constant 0 : i32
    %dma_start3A_280 = arith.constant 0 : i32
    %dma_start3A_281 = arith.constant 2 : i32
    %dma_start3A_282 = arith.constant 0 : i32
    %dma_start3A_283 = arith.constant 0 : i32
    %dma_start3A_284 = tpu.memref_slice %arg6[%dma_start3A_281, %dma_start3A_282, %dma_start3A_283] : memref<4x512x32xf32, #tpu.memory_space<vmem>> -> memref<1x128x32xf32, #tpu.memory_space<vmem>>
    %dma_start3A_285 = tpu.memref_squeeze %dma_start3A_284 : memref<1x128x32xf32, #tpu.memory_space<vmem>> -> memref<128x32xf32, #tpu.memory_space<vmem>>
    %dma_start3A_286 = arith.constant 0 : i32
    %dma_start3A_287 = tpu.memref_slice %arg5[%dma_start3A_278, %dma_start3A_279, %dma_start3A_280, %dma_start3A_286] : memref<4x4x1x128xi32, #tpu.memory_space<vmem>> -> memref<1x1x1x128xi32, #tpu.memory_space<vmem>>
    %dma_start3A_288 = tpu.memref_squeeze %dma_start3A_287 : memref<1x1x1x128xi32, #tpu.memory_space<vmem>> -> memref<128xi32, #tpu.memory_space<vmem>>
    %dma_start3A_289 = arith.constant 0 : i32
    %dma_start3A_290 = arith.constant 0 : i32
    %dma_start3A_291 = tpu.memref_slice %arg3[%dma_start3A_289, %dma_start3A_290] : memref<1000000x32xf32, #tpu.memory_space<hbm>> -> memref<1000000x32xf32, #tpu.memory_space<hbm>>
    tpu.enqueue_indirect_dma source(%dma_start3A_291 : memref<1000000x32xf32, #tpu.memory_space<hbm>>) target(%dma_start3A_285 : memref<128x32xf32, #tpu.memory_space<vmem>>) offsets(%dma_start3A_288 : memref<128xi32, #tpu.memory_space<vmem>>) semaphore(%arg10 : memref<!tpu.dma_semaphore, #tpu.memory_space<semaphore_mem>>)
    %dma_start3A_292 = arith.constant 2 : i32
    %dma_start3A_293 = arith.constant 1 : i32
    %dma_start3A_294 = arith.constant 0 : i32
    %dma_start3A_295 = arith.constant 2 : i32
    %dma_start3A_296 = arith.constant 128 : i32
    %dma_start3A_297 = arith.constant 0 : i32
    %dma_start3A_298 = tpu.memref_slice %arg6[%dma_start3A_295, %dma_start3A_296, %dma_start3A_297] : memref<4x512x32xf32, #tpu.memory_space<vmem>> -> memref<1x128x32xf32, #tpu.memory_space<vmem>>
    %dma_start3A_299 = tpu.memref_squeeze %dma_start3A_298 : memref<1x128x32xf32, #tpu.memory_space<vmem>> -> memref<128x32xf32, #tpu.memory_space<vmem>>
    %dma_start3A_300 = arith.constant 0 : i32
    %dma_start3A_301 = tpu.memref_slice %arg5[%dma_start3A_292, %dma_start3A_293, %dma_start3A_294, %dma_start3A_300] : memref<4x4x1x128xi32, #tpu.memory_space<vmem>> -> memref<1x1x1x128xi32, #tpu.memory_space<vmem>>
    %dma_start3A_302 = tpu.memref_squeeze %dma_start3A_301 : memref<1x1x1x128xi32, #tpu.memory_space<vmem>> -> memref<128xi32, #tpu.memory_space<vmem>>
    %dma_start3A_303 = arith.constant 0 : i32
    %dma_start3A_304 = arith.constant 0 : i32
    %dma_start3A_305 = tpu.memref_slice %arg3[%dma_start3A_303, %dma_start3A_304] : memref<1000000x32xf32, #tpu.memory_space<hbm>> -> memref<1000000x32xf32, #tpu.memory_space<hbm>>
    tpu.enqueue_indirect_dma source(%dma_start3A_305 : memref<1000000x32xf32, #tpu.memory_space<hbm>>) target(%dma_start3A_299 : memref<128x32xf32, #tpu.memory_space<vmem>>) offsets(%dma_start3A_302 : memref<128xi32, #tpu.memory_space<vmem>>) semaphore(%arg10 : memref<!tpu.dma_semaphore, #tpu.memory_space<semaphore_mem>>)
    %dma_start3A_306 = arith.constant 2 : i32
    %dma_start3A_307 = arith.constant 2 : i32
    %dma_start3A_308 = arith.constant 0 : i32
    %dma_start3A_309 = arith.constant 2 : i32
    %dma_start3A_310 = arith.constant 256 : i32
    %dma_start3A_311 = arith.constant 0 : i32
    %dma_start3A_312 = tpu.memref_slice %arg6[%dma_start3A_309, %dma_start3A_310, %dma_start3A_311] : memref<4x512x32xf32, #tpu.memory_space<vmem>> -> memref<1x128x32xf32, #tpu.memory_space<vmem>>
    %dma_start3A_313 = tpu.memref_squeeze %dma_start3A_312 : memref<1x128x32xf32, #tpu.memory_space<vmem>> -> memref<128x32xf32, #tpu.memory_space<vmem>>
    %dma_start3A_314 = arith.constant 0 : i32
    %dma_start3A_315 = tpu.memref_slice %arg5[%dma_start3A_306, %dma_start3A_307, %dma_start3A_308, %dma_start3A_314] : memref<4x4x1x128xi32, #tpu.memory_space<vmem>> -> memref<1x1x1x128xi32, #tpu.memory_space<vmem>>
    %dma_start3A_316 = tpu.memref_squeeze %dma_start3A_315 : memref<1x1x1x128xi32, #tpu.memory_space<vmem>> -> memref<128xi32, #tpu.memory_space<vmem>>
    %dma_start3A_317 = arith.constant 0 : i32
    %dma_start3A_318 = arith.constant 0 : i32
    %dma_start3A_319 = tpu.memref_slice %arg3[%dma_start3A_317, %dma_start3A_318] : memref<1000000x32xf32, #tpu.memory_space<hbm>> -> memref<1000000x32xf32, #tpu.memory_space<hbm>>
    tpu.enqueue_indirect_dma source(%dma_start3A_319 : memref<1000000x32xf32, #tpu.memory_space<hbm>>) target(%dma_start3A_313 : memref<128x32xf32, #tpu.memory_space<vmem>>) offsets(%dma_start3A_316 : memref<128xi32, #tpu.memory_space<vmem>>) semaphore(%arg10 : memref<!tpu.dma_semaphore, #tpu.memory_space<semaphore_mem>>)
    %dma_start3A_320 = arith.constant 2 : i32
    %dma_start3A_321 = arith.constant 3 : i32
    %dma_start3A_322 = arith.constant 0 : i32
    %dma_start3A_323 = arith.constant 2 : i32
    %dma_start3A_324 = arith.constant 384 : i32
    %dma_start3A_325 = arith.constant 0 : i32
    %dma_start3A_326 = tpu.memref_slice %arg6[%dma_start3A_323, %dma_start3A_324, %dma_start3A_325] : memref<4x512x32xf32, #tpu.memory_space<vmem>> -> memref<1x128x32xf32, #tpu.memory_space<vmem>>
    %dma_start3A_327 = tpu.memref_squeeze %dma_start3A_326 : memref<1x128x32xf32, #tpu.memory_space<vmem>> -> memref<128x32xf32, #tpu.memory_space<vmem>>
    %dma_start3A_328 = arith.constant 0 : i32
    %dma_start3A_329 = tpu.memref_slice %arg5[%dma_start3A_320, %dma_start3A_321, %dma_start3A_322, %dma_start3A_328] : memref<4x4x1x128xi32, #tpu.memory_space<vmem>> -> memref<1x1x1x128xi32, #tpu.memory_space<vmem>>
    %dma_start3A_330 = tpu.memref_squeeze %dma_start3A_329 : memref<1x1x1x128xi32, #tpu.memory_space<vmem>> -> memref<128xi32, #tpu.memory_space<vmem>>
    %dma_start3A_331 = arith.constant 0 : i32
    %dma_start3A_332 = arith.constant 0 : i32
    %dma_start3A_333 = tpu.memref_slice %arg3[%dma_start3A_331, %dma_start3A_332] : memref<1000000x32xf32, #tpu.memory_space<hbm>> -> memref<1000000x32xf32, #tpu.memory_space<hbm>>
    tpu.enqueue_indirect_dma source(%dma_start3A_333 : memref<1000000x32xf32, #tpu.memory_space<hbm>>) target(%dma_start3A_327 : memref<128x32xf32, #tpu.memory_space<vmem>>) offsets(%dma_start3A_330 : memref<128xi32, #tpu.memory_space<vmem>>) semaphore(%arg10 : memref<!tpu.dma_semaphore, #tpu.memory_space<semaphore_mem>>)
    %scan3A = arith.constant 0 : i32
    %scan3A_334 = arith.constant 0 : i32
    %scan3A_335 = arith.constant 50 : i32
    %scan3A_336 = arith.addi %scan3A_334, %scan3A_335 : i32
    %scan3A_337 = arith.constant 1 : i32
    scf.for %scan3A_391 = %scan3A_334 to %scan3A_336 step %scan3A_337  : i32 {
      %mul3A_392 = arith.constant 4 : i32
      %mul3A_393 = arith.muli %scan3A_391, %mul3A_392 : i32
      %add3A_394 = arith.constant 0 : i32
      %add3A_395 = arith.addi %mul3A_393, %add3A_394 : i32
      %dma_wait3A_396 = arith.constant 0 : i32
      %dma_wait3A_397 = arith.constant 0 : i32
      %dma_wait3A_398 = arith.constant 0 : i32
      %dma_wait3A_399 = tpu.memref_slice %arg6[%dma_wait3A_396, %dma_wait3A_397, %dma_wait3A_398] : memref<4x512x32xf32, #tpu.memory_space<vmem>> -> memref<1x512x32xf32, #tpu.memory_space<vmem>>
      %dma_wait3A_400 = tpu.memref_squeeze %dma_wait3A_399 : memref<1x512x32xf32, #tpu.memory_space<vmem>> -> memref<512x32xf32, #tpu.memory_space<vmem>>
      %dma_wait3A_401 = arith.constant 0 : i32
      %dma_wait3A_402 = arith.constant 0 : i32
      %dma_wait3A_403 = tpu.memref_slice %arg3[%dma_wait3A_401, %dma_wait3A_402] : memref<1000000x32xf32, #tpu.memory_space<hbm>> -> memref<512x32xf32, #tpu.memory_space<hbm>>
      %dma_wait3A_404 = arith.constant 0 : i32
      %dma_wait3A_405 = arith.constant 0 : i32
      %dma_wait3A_406 = tpu.memref_slice %arg6[%dma_wait3A_396, %dma_wait3A_404, %dma_wait3A_405] : memref<4x512x32xf32, #tpu.memory_space<vmem>> -> memref<1x512x32xf32, #tpu.memory_space<vmem>>
      %dma_wait3A_407 = tpu.memref_squeeze %dma_wait3A_406 : memref<1x512x32xf32, #tpu.memory_space<vmem>> -> memref<512x32xf32, #tpu.memory_space<vmem>>
      %dma_wait3A_408 = arith.constant 0 : i32
      %dma_wait3A_409 = arith.constant 0 : i32
      %dma_wait3A_410 = tpu.memref_slice %arg3[%dma_wait3A_408, %dma_wait3A_409] : memref<1000000x32xf32, #tpu.memory_space<hbm>> -> memref<512x32xf32, #tpu.memory_space<hbm>>
      tpu.wait_dma2 semaphore(%arg8 : memref<!tpu.dma_semaphore, #tpu.memory_space<semaphore_mem>>) src(%dma_wait3A_410 : memref<512x32xf32, #tpu.memory_space<hbm>>) dst(%dma_wait3A_407 : memref<512x32xf32, #tpu.memory_space<vmem>>)
      %add3A_411 = arith.constant 4 : i32
      %add3A_412 = arith.addi %add3A_395, %add3A_411 : i32
      %lt3A = arith.constant 200 : i32
      %lt3A_413 = arith.cmpi slt, %add3A_412, %lt3A : i32
      %convert_element_type3A = arith.extui %lt3A_413 : i1 to i32
      %cond3A = arith.constant 0 : i32
      %cond3A_414 = arith.cmpi ne, %convert_element_type3A, %cond3A : i32
      scf.if %cond3A_414 {
        %add3A_660 = arith.constant 4 : i32
        %add3A_661 = arith.addi %add3A_395, %add3A_660 : i32
        %shift_right_logical3A_662 = arith.constant 3 : i32
        %shift_right_logical3A_663 = arith.shrui %add3A_661, %shift_right_logical3A_662 : i32
        %and3A_664 = arith.constant 7 : i32
        %and3A_665 = arith.andi %add3A_661, %and3A_664 : i32
        %dma_start3A_666 = arith.constant 0 : i32
        %dma_start3A_667 = arith.constant 0 : i32
        %dma_start3A_668 = arith.constant 0 : i32
        %dma_start3A_669 = arith.constant 0 : i32
        %dma_start3A_670 = tpu.memref_slice %arg5[%dma_start3A_666, %dma_start3A_667, %dma_start3A_668, %dma_start3A_669] : memref<4x4x1x128xi32, #tpu.memory_space<vmem>> -> memref<1x4x1x128xi32, #tpu.memory_space<vmem>>
        %dma_start3A_671 = tpu.memref_squeeze %dma_start3A_670 : memref<1x4x1x128xi32, #tpu.memory_space<vmem>> -> memref<4x1x128xi32, #tpu.memory_space<vmem>>
        %dma_start3A_672 = arith.constant 0 : i32
        %dma_start3A_673 = tpu.memref_slice %arg2[%shift_right_logical3A_663, %multiple_of3A, %and3A_665, %dma_start3A_672] : memref<25x128x8x128xi32, #tpu.memory_space<hbm>> -> memref<1x4x1x128xi32, #tpu.memory_space<hbm>>
        %dma_start3A_674 = tpu.memref_squeeze %dma_start3A_673 : memref<1x4x1x128xi32, #tpu.memory_space<hbm>> -> memref<4x1x128xi32, #tpu.memory_space<hbm>>
        %dma_start3A_675 = arith.constant 0 : i32
        %dma_start3A_676 = arith.constant 0 : i32
        %dma_start3A_677 = arith.constant 0 : i32
        %dma_start3A_678 = tpu.memref_slice %arg5[%dma_start3A_666, %dma_start3A_675, %dma_start3A_676, %dma_start3A_677] : memref<4x4x1x128xi32, #tpu.memory_space<vmem>> -> memref<1x4x1x128xi32, #tpu.memory_space<vmem>>
        %dma_start3A_679 = tpu.memref_squeeze %dma_start3A_678 : memref<1x4x1x128xi32, #tpu.memory_space<vmem>> -> memref<4x1x128xi32, #tpu.memory_space<vmem>>
        %dma_start3A_680 = arith.constant 0 : i32
        %dma_start3A_681 = tpu.memref_slice %arg2[%shift_right_logical3A_663, %multiple_of3A, %and3A_665, %dma_start3A_680] : memref<25x128x8x128xi32, #tpu.memory_space<hbm>> -> memref<1x4x1x128xi32, #tpu.memory_space<hbm>>
        %dma_start3A_682 = tpu.memref_squeeze %dma_start3A_681 : memref<1x4x1x128xi32, #tpu.memory_space<hbm>> -> memref<4x1x128xi32, #tpu.memory_space<hbm>>
        tpu.enqueue_dma source(%dma_start3A_682 : memref<4x1x128xi32, #tpu.memory_space<hbm>>) target(%dma_start3A_679 : memref<4x1x128xi32, #tpu.memory_space<vmem>>) target_semaphore(%arg12 : memref<!tpu.dma_semaphore, #tpu.memory_space<semaphore_mem>>)
      } else {
      }
      %add3A_415 = arith.constant 3 : i32
      %add3A_416 = arith.addi %add3A_395, %add3A_415 : i32
      %lt3A_417 = arith.constant 200 : i32
      %lt3A_418 = arith.cmpi slt, %add3A_416, %lt3A_417 : i32
      %convert_element_type3A_419 = arith.extui %lt3A_418 : i1 to i32
      %cond3A_420 = arith.constant 0 : i32
      %cond3A_421 = arith.cmpi ne, %convert_element_type3A_419, %cond3A_420 : i32
      scf.if %cond3A_421 {
        %dma_wait3A_660 = arith.constant 0 : i32
        %dma_wait3A_661 = arith.constant 3 : i32
        %dma_wait3A_662 = arith.constant 0 : i32
        %dma_wait3A_663 = arith.constant 0 : i32
        %dma_wait3A_664 = arith.constant 0 : i32
        %dma_wait3A_665 = tpu.memref_slice %arg5[%dma_wait3A_661, %dma_wait3A_662, %dma_wait3A_663, %dma_wait3A_664] : memref<4x4x1x128xi32, #tpu.memory_space<vmem>> -> memref<1x4x1x128xi32, #tpu.memory_space<vmem>>
        %dma_wait3A_666 = tpu.memref_squeeze %dma_wait3A_665 : memref<1x4x1x128xi32, #tpu.memory_space<vmem>> -> memref<4x1x128xi32, #tpu.memory_space<vmem>>
        %dma_wait3A_667 = arith.constant 0 : i32
        %dma_wait3A_668 = arith.constant 0 : i32
        %dma_wait3A_669 = arith.constant 0 : i32
        %dma_wait3A_670 = tpu.memref_slice %arg2[%dma_wait3A_660, %dma_wait3A_667, %dma_wait3A_668, %dma_wait3A_669] : memref<25x128x8x128xi32, #tpu.memory_space<hbm>> -> memref<1x4x1x128xi32, #tpu.memory_space<hbm>>
        %dma_wait3A_671 = tpu.memref_squeeze %dma_wait3A_670 : memref<1x4x1x128xi32, #tpu.memory_space<hbm>> -> memref<4x1x128xi32, #tpu.memory_space<hbm>>
        %dma_wait3A_672 = arith.constant 0 : i32
        %dma_wait3A_673 = arith.constant 0 : i32
        %dma_wait3A_674 = arith.constant 0 : i32
        %dma_wait3A_675 = tpu.memref_slice %arg5[%dma_wait3A_661, %dma_wait3A_672, %dma_wait3A_673, %dma_wait3A_674] : memref<4x4x1x128xi32, #tpu.memory_space<vmem>> -> memref<1x4x1x128xi32, #tpu.memory_space<vmem>>
        %dma_wait3A_676 = tpu.memref_squeeze %dma_wait3A_675 : memref<1x4x1x128xi32, #tpu.memory_space<vmem>> -> memref<4x1x128xi32, #tpu.memory_space<vmem>>
        %dma_wait3A_677 = arith.constant 0 : i32
        %dma_wait3A_678 = arith.constant 0 : i32
        %dma_wait3A_679 = arith.constant 0 : i32
        %dma_wait3A_680 = tpu.memref_slice %arg2[%dma_wait3A_660, %dma_wait3A_677, %dma_wait3A_678, %dma_wait3A_679] : memref<25x128x8x128xi32, #tpu.memory_space<hbm>> -> memref<1x4x1x128xi32, #tpu.memory_space<hbm>>
        %dma_wait3A_681 = tpu.memref_squeeze %dma_wait3A_680 : memref<1x4x1x128xi32, #tpu.memory_space<hbm>> -> memref<4x1x128xi32, #tpu.memory_space<hbm>>
        tpu.wait_dma2 semaphore(%arg15 : memref<!tpu.dma_semaphore, #tpu.memory_space<semaphore_mem>>) src(%dma_wait3A_681 : memref<4x1x128xi32, #tpu.memory_space<hbm>>) dst(%dma_wait3A_676 : memref<4x1x128xi32, #tpu.memory_space<vmem>>)
        %dma_start3A_682 = arith.constant 3 : i32
        %dma_start3A_683 = arith.constant 0 : i32
        %dma_start3A_684 = arith.constant 0 : i32
        %dma_start3A_685 = arith.constant 3 : i32
        %dma_start3A_686 = arith.constant 0 : i32
        %dma_start3A_687 = arith.constant 0 : i32
        %dma_start3A_688 = tpu.memref_slice %arg6[%dma_start3A_685, %dma_start3A_686, %dma_start3A_687] : memref<4x512x32xf32, #tpu.memory_space<vmem>> -> memref<1x128x32xf32, #tpu.memory_space<vmem>>
        %dma_start3A_689 = tpu.memref_squeeze %dma_start3A_688 : memref<1x128x32xf32, #tpu.memory_space<vmem>> -> memref<128x32xf32, #tpu.memory_space<vmem>>
        %dma_start3A_690 = arith.constant 0 : i32
        %dma_start3A_691 = tpu.memref_slice %arg5[%dma_start3A_682, %dma_start3A_683, %dma_start3A_684, %dma_start3A_690] : memref<4x4x1x128xi32, #tpu.memory_space<vmem>> -> memref<1x1x1x128xi32, #tpu.memory_space<vmem>>
        %dma_start3A_692 = tpu.memref_squeeze %dma_start3A_691 : memref<1x1x1x128xi32, #tpu.memory_space<vmem>> -> memref<128xi32, #tpu.memory_space<vmem>>
        %dma_start3A_693 = arith.constant 0 : i32
        %dma_start3A_694 = arith.constant 0 : i32
        %dma_start3A_695 = tpu.memref_slice %arg3[%dma_start3A_693, %dma_start3A_694] : memref<1000000x32xf32, #tpu.memory_space<hbm>> -> memref<1000000x32xf32, #tpu.memory_space<hbm>>
        tpu.enqueue_indirect_dma source(%dma_start3A_695 : memref<1000000x32xf32, #tpu.memory_space<hbm>>) target(%dma_start3A_689 : memref<128x32xf32, #tpu.memory_space<vmem>>) offsets(%dma_start3A_692 : memref<128xi32, #tpu.memory_space<vmem>>) semaphore(%arg11 : memref<!tpu.dma_semaphore, #tpu.memory_space<semaphore_mem>>)
        %dma_start3A_696 = arith.constant 3 : i32
        %dma_start3A_697 = arith.constant 1 : i32
        %dma_start3A_698 = arith.constant 0 : i32
        %dma_start3A_699 = arith.constant 3 : i32
        %dma_start3A_700 = arith.constant 128 : i32
        %dma_start3A_701 = arith.constant 0 : i32
        %dma_start3A_702 = tpu.memref_slice %arg6[%dma_start3A_699, %dma_start3A_700, %dma_start3A_701] : memref<4x512x32xf32, #tpu.memory_space<vmem>> -> memref<1x128x32xf32, #tpu.memory_space<vmem>>
        %dma_start3A_703 = tpu.memref_squeeze %dma_start3A_702 : memref<1x128x32xf32, #tpu.memory_space<vmem>> -> memref<128x32xf32, #tpu.memory_space<vmem>>
        %dma_start3A_704 = arith.constant 0 : i32
        %dma_start3A_705 = tpu.memref_slice %arg5[%dma_start3A_696, %dma_start3A_697, %dma_start3A_698, %dma_start3A_704] : memref<4x4x1x128xi32, #tpu.memory_space<vmem>> -> memref<1x1x1x128xi32, #tpu.memory_space<vmem>>
        %dma_start3A_706 = tpu.memref_squeeze %dma_start3A_705 : memref<1x1x1x128xi32, #tpu.memory_space<vmem>> -> memref<128xi32, #tpu.memory_space<vmem>>
        %dma_start3A_707 = arith.constant 0 : i32
        %dma_start3A_708 = arith.constant 0 : i32
        %dma_start3A_709 = tpu.memref_slice %arg3[%dma_start3A_707, %dma_start3A_708] : memref<1000000x32xf32, #tpu.memory_space<hbm>> -> memref<1000000x32xf32, #tpu.memory_space<hbm>>
        tpu.enqueue_indirect_dma source(%dma_start3A_709 : memref<1000000x32xf32, #tpu.memory_space<hbm>>) target(%dma_start3A_703 : memref<128x32xf32, #tpu.memory_space<vmem>>) offsets(%dma_start3A_706 : memref<128xi32, #tpu.memory_space<vmem>>) semaphore(%arg11 : memref<!tpu.dma_semaphore, #tpu.memory_space<semaphore_mem>>)
        %dma_start3A_710 = arith.constant 3 : i32
        %dma_start3A_711 = arith.constant 2 : i32
        %dma_start3A_712 = arith.constant 0 : i32
        %dma_start3A_713 = arith.constant 3 : i32
        %dma_start3A_714 = arith.constant 256 : i32
        %dma_start3A_715 = arith.constant 0 : i32
        %dma_start3A_716 = tpu.memref_slice %arg6[%dma_start3A_713, %dma_start3A_714, %dma_start3A_715] : memref<4x512x32xf32, #tpu.memory_space<vmem>> -> memref<1x128x32xf32, #tpu.memory_space<vmem>>
        %dma_start3A_717 = tpu.memref_squeeze %dma_start3A_716 : memref<1x128x32xf32, #tpu.memory_space<vmem>> -> memref<128x32xf32, #tpu.memory_space<vmem>>
        %dma_start3A_718 = arith.constant 0 : i32
        %dma_start3A_719 = tpu.memref_slice %arg5[%dma_start3A_710, %dma_start3A_711, %dma_start3A_712, %dma_start3A_718] : memref<4x4x1x128xi32, #tpu.memory_space<vmem>> -> memref<1x1x1x128xi32, #tpu.memory_space<vmem>>
        %dma_start3A_720 = tpu.memref_squeeze %dma_start3A_719 : memref<1x1x1x128xi32, #tpu.memory_space<vmem>> -> memref<128xi32, #tpu.memory_space<vmem>>
        %dma_start3A_721 = arith.constant 0 : i32
        %dma_start3A_722 = arith.constant 0 : i32
        %dma_start3A_723 = tpu.memref_slice %arg3[%dma_start3A_721, %dma_start3A_722] : memref<1000000x32xf32, #tpu.memory_space<hbm>> -> memref<1000000x32xf32, #tpu.memory_space<hbm>>
        tpu.enqueue_indirect_dma source(%dma_start3A_723 : memref<1000000x32xf32, #tpu.memory_space<hbm>>) target(%dma_start3A_717 : memref<128x32xf32, #tpu.memory_space<vmem>>) offsets(%dma_start3A_720 : memref<128xi32, #tpu.memory_space<vmem>>) semaphore(%arg11 : memref<!tpu.dma_semaphore, #tpu.memory_space<semaphore_mem>>)
        %dma_start3A_724 = arith.constant 3 : i32
        %dma_start3A_725 = arith.constant 3 : i32
        %dma_start3A_726 = arith.constant 0 : i32
        %dma_start3A_727 = arith.constant 3 : i32
        %dma_start3A_728 = arith.constant 384 : i32
        %dma_start3A_729 = arith.constant 0 : i32
        %dma_start3A_730 = tpu.memref_slice %arg6[%dma_start3A_727, %dma_start3A_728, %dma_start3A_729] : memref<4x512x32xf32, #tpu.memory_space<vmem>> -> memref<1x128x32xf32, #tpu.memory_space<vmem>>
        %dma_start3A_731 = tpu.memref_squeeze %dma_start3A_730 : memref<1x128x32xf32, #tpu.memory_space<vmem>> -> memref<128x32xf32, #tpu.memory_space<vmem>>
        %dma_start3A_732 = arith.constant 0 : i32
        %dma_start3A_733 = tpu.memref_slice %arg5[%dma_start3A_724, %dma_start3A_725, %dma_start3A_726, %dma_start3A_732] : memref<4x4x1x128xi32, #tpu.memory_space<vmem>> -> memref<1x1x1x128xi32, #tpu.memory_space<vmem>>
        %dma_start3A_734 = tpu.memref_squeeze %dma_start3A_733 : memref<1x1x1x128xi32, #tpu.memory_space<vmem>> -> memref<128xi32, #tpu.memory_space<vmem>>
        %dma_start3A_735 = arith.constant 0 : i32
        %dma_start3A_736 = arith.constant 0 : i32
        %dma_start3A_737 = tpu.memref_slice %arg3[%dma_start3A_735, %dma_start3A_736] : memref<1000000x32xf32, #tpu.memory_space<hbm>> -> memref<1000000x32xf32, #tpu.memory_space<hbm>>
        tpu.enqueue_indirect_dma source(%dma_start3A_737 : memref<1000000x32xf32, #tpu.memory_space<hbm>>) target(%dma_start3A_731 : memref<128x32xf32, #tpu.memory_space<vmem>>) offsets(%dma_start3A_734 : memref<128xi32, #tpu.memory_space<vmem>>) semaphore(%arg11 : memref<!tpu.dma_semaphore, #tpu.memory_space<semaphore_mem>>)
      } else {
      }
      %ge3A = arith.constant 2 : i32
      %ge3A_422 = arith.cmpi sge, %add3A_395, %ge3A : i32
      %convert_element_type3A_423 = arith.extui %ge3A_422 : i1 to i32
      %cond3A_424 = arith.constant 0 : i32
      %cond3A_425 = arith.cmpi ne, %convert_element_type3A_423, %cond3A_424 : i32
      scf.if %cond3A_425 {
        %dma_wait3A_660 = arith.constant 0 : i32
        %dma_wait3A_661 = arith.constant 0 : i32
        %dma_wait3A_662 = arith.constant 0 : i32
        %dma_wait3A_663 = arith.constant 0 : i32
        %dma_wait3A_664 = arith.constant 0 : i32
        %dma_wait3A_665 = arith.constant 0 : i32
        %dma_wait3A_666 = tpu.memref_slice %arg7[%dma_wait3A_661, %dma_wait3A_662, %dma_wait3A_663, %dma_wait3A_664, %dma_wait3A_665] : memref<2x4x4x8x129xf32, #tpu.memory_space<vmem>> -> memref<1x4x4x8x128xf32, #tpu.memory_space<vmem>>
        %dma_wait3A_667 = tpu.memref_squeeze %dma_wait3A_666 : memref<1x4x4x8x128xf32, #tpu.memory_space<vmem>> -> memref<4x4x8x128xf32, #tpu.memory_space<vmem>>
        %dma_wait3A_668 = arith.constant 0 : i32
        %dma_wait3A_669 = arith.constant 0 : i32
        %dma_wait3A_670 = arith.constant 0 : i32
        %dma_wait3A_671 = arith.constant 0 : i32
        %dma_wait3A_672 = tpu.memref_slice %arg4[%dma_wait3A_660, %dma_wait3A_668, %dma_wait3A_669, %dma_wait3A_670, %dma_wait3A_671] : memref<200x4x128x8x128xf32, #tpu.memory_space<hbm>> -> memref<1x4x4x8x128xf32, #tpu.memory_space<hbm>>
        %dma_wait3A_673 = tpu.memref_squeeze %dma_wait3A_672 : memref<1x4x4x8x128xf32, #tpu.memory_space<hbm>> -> memref<4x4x8x128xf32, #tpu.memory_space<hbm>>
        %dma_wait3A_674 = arith.constant 0 : i32
        %dma_wait3A_675 = arith.constant 0 : i32
        %dma_wait3A_676 = arith.constant 0 : i32
        %dma_wait3A_677 = arith.constant 0 : i32
        %dma_wait3A_678 = tpu.memref_slice %arg7[%dma_wait3A_661, %dma_wait3A_674, %dma_wait3A_675, %dma_wait3A_676, %dma_wait3A_677] : memref<2x4x4x8x129xf32, #tpu.memory_space<vmem>> -> memref<1x4x4x8x128xf32, #tpu.memory_space<vmem>>
        %dma_wait3A_679 = tpu.memref_squeeze %dma_wait3A_678 : memref<1x4x4x8x128xf32, #tpu.memory_space<vmem>> -> memref<4x4x8x128xf32, #tpu.memory_space<vmem>>
        %dma_wait3A_680 = arith.constant 0 : i32
        %dma_wait3A_681 = arith.constant 0 : i32
        %dma_wait3A_682 = arith.constant 0 : i32
        %dma_wait3A_683 = arith.constant 0 : i32
        %dma_wait3A_684 = tpu.memref_slice %arg4[%dma_wait3A_660, %dma_wait3A_680, %dma_wait3A_681, %dma_wait3A_682, %dma_wait3A_683] : memref<200x4x128x8x128xf32, #tpu.memory_space<hbm>> -> memref<1x4x4x8x128xf32, #tpu.memory_space<hbm>>
        %dma_wait3A_685 = tpu.memref_squeeze %dma_wait3A_684 : memref<1x4x4x8x128xf32, #tpu.memory_space<hbm>> -> memref<4x4x8x128xf32, #tpu.memory_space<hbm>>
        tpu.wait_dma2 semaphore(%arg16 : memref<!tpu.dma_semaphore, #tpu.memory_space<semaphore_mem>>) src(%dma_wait3A_685 : memref<4x4x8x128xf32, #tpu.memory_space<hbm>>) dst(%dma_wait3A_679 : memref<4x4x8x128xf32, #tpu.memory_space<vmem>>)
      } else {
      }
      %scan3A_426 = arith.constant 0 : i32
      %scan3A_427 = arith.constant 0 : i32
      %scan3A_428 = arith.constant 0 : i32
      %scan3A_429 = arith.constant 4 : i32
      %scan3A_430 = arith.addi %scan3A_428, %scan3A_429 : i32
      %scan3A_431 = arith.constant 1 : i32
      scf.for %scan3A_660 = %scan3A_428 to %scan3A_430 step %scan3A_431  : i32 {
        %broadcast_in_dim3A = vector.broadcast %scan3A_660 : i32 to vector<16xi32>
        %mul3A_661 = arith.constant 128 : i32
        %mul3A_662 = arith.muli %scan3A_660, %mul3A_661 : i32
        %scan3A_663 = arith.constant 0 : i32
        %scan3A_664 = arith.constant 0 : i32
        %scan3A_665 = arith.constant 128 : i32
        %scan3A_666 = arith.addi %scan3A_664, %scan3A_665 : i32
        %scan3A_667 = arith.constant 4 : i32
        scf.for %scan3A_669 = %scan3A_664 to %scan3A_666 step %scan3A_667  : i32 {
          %add3A_670 = arith.addi %mul3A_662, %scan3A_669 : i32
          %get3A = arith.constant 0 : i32
          %get3A_671 = arith.index_cast %get3A : i32 to index
          %get3A_672 = arith.index_cast %add3A_670 : i32 to index
          %get3A_673 = arith.constant 0 : index
          %get3A_674 = tpu.vector_load %arg6[%get3A_671, %get3A_672, %get3A_673] {strides = array<i32>} : memref<4x512x32xf32, #tpu.memory_space<vmem>>, vector<16xf32>,
          %mul3A_675 = arith.constant 5.65685415 : f32
          %mul3A_676 = vector.broadcast %mul3A_675 : f32 to vector<16xf32>
          %mul3A_677 = arith.mulf %get3A_674, %mul3A_676 : vector<16xf32>
          %get3A_678 = arith.constant 0 : i32
          %get3A_679 = arith.index_cast %get3A_678 : i32 to index
          %get3A_680 = arith.index_cast %add3A_670 : i32 to index
          %get3A_681 = arith.constant 16 : index
          %get3A_682 = tpu.vector_load %arg6[%get3A_679, %get3A_680, %get3A_681] {strides = array<i32>} : memref<4x512x32xf32, #tpu.memory_space<vmem>>, vector<16xf32>,
          %mul3A_683 = arith.constant 5.65685415 : f32
          %mul3A_684 = vector.broadcast %mul3A_683 : f32 to vector<16xf32>
          %mul3A_685 = arith.mulf %get3A_682, %mul3A_684 : vector<16xf32>
          %broadcast_in_dim3A_686 = vector.broadcast %scan3A_669 : i32 to vector<16xi32>
          %scatter3A = arith.constant 0 : i32
          %scatter3A_687 = arith.constant 0 : i32
          %scatter3A_688 = arith.constant 0 : i32
          %scatter3A_689 = arith.constant 0 : i32
          %scatter3A_690 = tpu.memref_slice %arg7[%scan3A_427, %scatter3A, %scatter3A_687, %scatter3A_688, %scatter3A_689] : memref<2x4x4x8x129xf32, #tpu.memory_space<vmem>> -> memref<1x4x4x8x129xf32, #tpu.memory_space<vmem>>
          %scatter3A_691 = tpu.memref_squeeze %scatter3A_690 : memref<1x4x4x8x129xf32, #tpu.memory_space<vmem>> -> memref<4x4x8x129xf32, #tpu.memory_space<vmem>>
          tpu.vector_store_idx %scatter3A_691[%shift_right_logical3A_4, %broadcast_in_dim3A, %and3A_9, %broadcast_in_dim3A_686], %mul3A_677 : memref<4x4x8x129xf32, #tpu.memory_space<vmem>>[vector<16xi32>, vector<16xi32>, vector<16xi32>, vector<16xi32>], vector<16xf32>,
          %scatter3A_692 = arith.constant 0 : i32
          %scatter3A_693 = arith.constant 0 : i32
          %scatter3A_694 = arith.constant 0 : i32
          %scatter3A_695 = arith.constant 0 : i32
          %scatter3A_696 = tpu.memref_slice %arg7[%scan3A_427, %scatter3A_692, %scatter3A_693, %scatter3A_694, %scatter3A_695] : memref<2x4x4x8x129xf32, #tpu.memory_space<vmem>> -> memref<1x4x4x8x129xf32, #tpu.memory_space<vmem>>
          %scatter3A_697 = tpu.memref_squeeze %scatter3A_696 : memref<1x4x4x8x129xf32, #tpu.memory_space<vmem>> -> memref<4x4x8x129xf32, #tpu.memory_space<vmem>>
          tpu.vector_store_idx %scatter3A_697[%add3A_7, %broadcast_in_dim3A, %and3A_9, %broadcast_in_dim3A_686], %mul3A_685 : memref<4x4x8x129xf32, #tpu.memory_space<vmem>>[vector<16xi32>, vector<16xi32>, vector<16xi32>, vector<16xi32>], vector<16xf32>,
          %scan3A_698 = arith.constant 1 : i32
          %scan3A_699 = arith.addi %scan3A_669, %scan3A_698 : i32
          %add3A_700 = arith.addi %mul3A_662, %scan3A_699 : i32
          %get3A_701 = arith.constant 0 : i32
          %get3A_702 = arith.index_cast %get3A_701 : i32 to index
          %get3A_703 = arith.index_cast %add3A_700 : i32 to index
          %get3A_704 = arith.constant 0 : index
          %get3A_705 = tpu.vector_load %arg6[%get3A_702, %get3A_703, %get3A_704] {strides = array<i32>} : memref<4x512x32xf32, #tpu.memory_space<vmem>>, vector<16xf32>,
          %mul3A_706 = arith.constant 5.65685415 : f32
          %mul3A_707 = vector.broadcast %mul3A_706 : f32 to vector<16xf32>
          %mul3A_708 = arith.mulf %get3A_705, %mul3A_707 : vector<16xf32>
          %get3A_709 = arith.constant 0 : i32
          %get3A_710 = arith.index_cast %get3A_709 : i32 to index
          %get3A_711 = arith.index_cast %add3A_700 : i32 to index
          %get3A_712 = arith.constant 16 : index
          %get3A_713 = tpu.vector_load %arg6[%get3A_710, %get3A_711, %get3A_712] {strides = array<i32>} : memref<4x512x32xf32, #tpu.memory_space<vmem>>, vector<16xf32>,
          %mul3A_714 = arith.constant 5.65685415 : f32
          %mul3A_715 = vector.broadcast %mul3A_714 : f32 to vector<16xf32>
          %mul3A_716 = arith.mulf %get3A_713, %mul3A_715 : vector<16xf32>
          %broadcast_in_dim3A_717 = vector.broadcast %scan3A_699 : i32 to vector<16xi32>
          %scatter3A_718 = arith.constant 0 : i32
          %scatter3A_719 = arith.constant 0 : i32
          %scatter3A_720 = arith.constant 0 : i32
          %scatter3A_721 = arith.constant 0 : i32
          %scatter3A_722 = tpu.memref_slice %arg7[%scan3A_427, %scatter3A_718, %scatter3A_719, %scatter3A_720, %scatter3A_721] : memref<2x4x4x8x129xf32, #tpu.memory_space<vmem>> -> memref<1x4x4x8x129xf32, #tpu.memory_space<vmem>>
          %scatter3A_723 = tpu.memref_squeeze %scatter3A_722 : memref<1x4x4x8x129xf32, #tpu.memory_space<vmem>> -> memref<4x4x8x129xf32, #tpu.memory_space<vmem>>
          tpu.vector_store_idx %scatter3A_723[%shift_right_logical3A_4, %broadcast_in_dim3A, %and3A_9, %broadcast_in_dim3A_717], %mul3A_708 : memref<4x4x8x129xf32, #tpu.memory_space<vmem>>[vector<16xi32>, vector<16xi32>, vector<16xi32>, vector<16xi32>], vector<16xf32>,
          %scatter3A_724 = arith.constant 0 : i32
          %scatter3A_725 = arith.constant 0 : i32
          %scatter3A_726 = arith.constant 0 : i32
          %scatter3A_727 = arith.constant 0 : i32
          %scatter3A_728 = tpu.memref_slice %arg7[%scan3A_427, %scatter3A_724, %scatter3A_725, %scatter3A_726, %scatter3A_727] : memref<2x4x4x8x129xf32, #tpu.memory_space<vmem>> -> memref<1x4x4x8x129xf32, #tpu.memory_space<vmem>>
          %scatter3A_729 = tpu.memref_squeeze %scatter3A_728 : memref<1x4x4x8x129xf32, #tpu.memory_space<vmem>> -> memref<4x4x8x129xf32, #tpu.memory_space<vmem>>
          tpu.vector_store_idx %scatter3A_729[%add3A_7, %broadcast_in_dim3A, %and3A_9, %broadcast_in_dim3A_717], %mul3A_716 : memref<4x4x8x129xf32, #tpu.memory_space<vmem>>[vector<16xi32>, vector<16xi32>, vector<16xi32>, vector<16xi32>], vector<16xf32>,
          %scan3A_730 = arith.constant 2 : i32
          %scan3A_731 = arith.addi %scan3A_669, %scan3A_730 : i32
          %add3A_732 = arith.addi %mul3A_662, %scan3A_731 : i32
          %get3A_733 = arith.constant 0 : i32
          %get3A_734 = arith.index_cast %get3A_733 : i32 to index
          %get3A_735 = arith.index_cast %add3A_732 : i32 to index
          %get3A_736 = arith.constant 0 : index
          %get3A_737 = tpu.vector_load %arg6[%get3A_734, %get3A_735, %get3A_736] {strides = array<i32>} : memref<4x512x32xf32, #tpu.memory_space<vmem>>, vector<16xf32>,
          %mul3A_738 = arith.constant 5.65685415 : f32
          %mul3A_739 = vector.broadcast %mul3A_738 : f32 to vector<16xf32>
          %mul3A_740 = arith.mulf %get3A_737, %mul3A_739 : vector<16xf32>
          %get3A_741 = arith.constant 0 : i32
          %get3A_742 = arith.index_cast %get3A_741 : i32 to index
          %get3A_743 = arith.index_cast %add3A_732 : i32 to index
          %get3A_744 = arith.constant 16 : index
          %get3A_745 = tpu.vector_load %arg6[%get3A_742, %get3A_743, %get3A_744] {strides = array<i32>} : memref<4x512x32xf32, #tpu.memory_space<vmem>>, vector<16xf32>,
          %mul3A_746 = arith.constant 5.65685415 : f32
          %mul3A_747 = vector.broadcast %mul3A_746 : f32 to vector<16xf32>
          %mul3A_748 = arith.mulf %get3A_745, %mul3A_747 : vector<16xf32>
          %broadcast_in_dim3A_749 = vector.broadcast %scan3A_731 : i32 to vector<16xi32>
          %scatter3A_750 = arith.constant 0 : i32
          %scatter3A_751 = arith.constant 0 : i32
          %scatter3A_752 = arith.constant 0 : i32
          %scatter3A_753 = arith.constant 0 : i32
          %scatter3A_754 = tpu.memref_slice %arg7[%scan3A_427, %scatter3A_750, %scatter3A_751, %scatter3A_752, %scatter3A_753] : memref<2x4x4x8x129xf32, #tpu.memory_space<vmem>> -> memref<1x4x4x8x129xf32, #tpu.memory_space<vmem>>
          %scatter3A_755 = tpu.memref_squeeze %scatter3A_754 : memref<1x4x4x8x129xf32, #tpu.memory_space<vmem>> -> memref<4x4x8x129xf32, #tpu.memory_space<vmem>>
          tpu.vector_store_idx %scatter3A_755[%shift_right_logical3A_4, %broadcast_in_dim3A, %and3A_9, %broadcast_in_dim3A_749], %mul3A_740 : memref<4x4x8x129xf32, #tpu.memory_space<vmem>>[vector<16xi32>, vector<16xi32>, vector<16xi32>, vector<16xi32>], vector<16xf32>,
          %scatter3A_756 = arith.constant 0 : i32
          %scatter3A_757 = arith.constant 0 : i32
          %scatter3A_758 = arith.constant 0 : i32
          %scatter3A_759 = arith.constant 0 : i32
          %scatter3A_760 = tpu.memref_slice %arg7[%scan3A_427, %scatter3A_756, %scatter3A_757, %scatter3A_758, %scatter3A_759] : memref<2x4x4x8x129xf32, #tpu.memory_space<vmem>> -> memref<1x4x4x8x129xf32, #tpu.memory_space<vmem>>
          %scatter3A_761 = tpu.memref_squeeze %scatter3A_760 : memref<1x4x4x8x129xf32, #tpu.memory_space<vmem>> -> memref<4x4x8x129xf32, #tpu.memory_space<vmem>>
          tpu.vector_store_idx %scatter3A_761[%add3A_7, %broadcast_in_dim3A, %and3A_9, %broadcast_in_dim3A_749], %mul3A_748 : memref<4x4x8x129xf32, #tpu.memory_space<vmem>>[vector<16xi32>, vector<16xi32>, vector<16xi32>, vector<16xi32>], vector<16xf32>,
          %scan3A_762 = arith.constant 3 : i32
          %scan3A_763 = arith.addi %scan3A_669, %scan3A_762 : i32
          %add3A_764 = arith.addi %mul3A_662, %scan3A_763 : i32
          %get3A_765 = arith.constant 0 : i32
          %get3A_766 = arith.index_cast %get3A_765 : i32 to index
          %get3A_767 = arith.index_cast %add3A_764 : i32 to index
          %get3A_768 = arith.constant 0 : index
          %get3A_769 = tpu.vector_load %arg6[%get3A_766, %get3A_767, %get3A_768] {strides = array<i32>} : memref<4x512x32xf32, #tpu.memory_space<vmem>>, vector<16xf32>,
          %mul3A_770 = arith.constant 5.65685415 : f32
          %mul3A_771 = vector.broadcast %mul3A_770 : f32 to vector<16xf32>
          %mul3A_772 = arith.mulf %get3A_769, %mul3A_771 : vector<16xf32>
          %get3A_773 = arith.constant 0 : i32
          %get3A_774 = arith.index_cast %get3A_773 : i32 to index
          %get3A_775 = arith.index_cast %add3A_764 : i32 to index
          %get3A_776 = arith.constant 16 : index
          %get3A_777 = tpu.vector_load %arg6[%get3A_774, %get3A_775, %get3A_776] {strides = array<i32>} : memref<4x512x32xf32, #tpu.memory_space<vmem>>, vector<16xf32>,
          %mul3A_778 = arith.constant 5.65685415 : f32
          %mul3A_779 = vector.broadcast %mul3A_778 : f32 to vector<16xf32>
          %mul3A_780 = arith.mulf %get3A_777, %mul3A_779 : vector<16xf32>
          %broadcast_in_dim3A_781 = vector.broadcast %scan3A_763 : i32 to vector<16xi32>
          %scatter3A_782 = arith.constant 0 : i32
          %scatter3A_783 = arith.constant 0 : i32
          %scatter3A_784 = arith.constant 0 : i32
          %scatter3A_785 = arith.constant 0 : i32
          %scatter3A_786 = tpu.memref_slice %arg7[%scan3A_427, %scatter3A_782, %scatter3A_783, %scatter3A_784, %scatter3A_785] : memref<2x4x4x8x129xf32, #tpu.memory_space<vmem>> -> memref<1x4x4x8x129xf32, #tpu.memory_space<vmem>>
          %scatter3A_787 = tpu.memref_squeeze %scatter3A_786 : memref<1x4x4x8x129xf32, #tpu.memory_space<vmem>> -> memref<4x4x8x129xf32, #tpu.memory_space<vmem>>
          tpu.vector_store_idx %scatter3A_787[%shift_right_logical3A_4, %broadcast_in_dim3A, %and3A_9, %broadcast_in_dim3A_781], %mul3A_772 : memref<4x4x8x129xf32, #tpu.memory_space<vmem>>[vector<16xi32>, vector<16xi32>, vector<16xi32>, vector<16xi32>], vector<16xf32>,
          %scatter3A_788 = arith.constant 0 : i32
          %scatter3A_789 = arith.constant 0 : i32
          %scatter3A_790 = arith.constant 0 : i32
          %scatter3A_791 = arith.constant 0 : i32
          %scatter3A_792 = tpu.memref_slice %arg7[%scan3A_427, %scatter3A_788, %scatter3A_789, %scatter3A_790, %scatter3A_791] : memref<2x4x4x8x129xf32, #tpu.memory_space<vmem>> -> memref<1x4x4x8x129xf32, #tpu.memory_space<vmem>>
          %scatter3A_793 = tpu.memref_squeeze %scatter3A_792 : memref<1x4x4x8x129xf32, #tpu.memory_space<vmem>> -> memref<4x4x8x129xf32, #tpu.memory_space<vmem>>
          tpu.vector_store_idx %scatter3A_793[%add3A_7, %broadcast_in_dim3A, %and3A_9, %broadcast_in_dim3A_781], %mul3A_780 : memref<4x4x8x129xf32, #tpu.memory_space<vmem>>[vector<16xi32>, vector<16xi32>, vector<16xi32>, vector<16xi32>], vector<16xf32>,
        }
        %scan3A_668 = arith.constant 128 : i32
      }
      %scan3A_432 = arith.constant 4 : i32
      %dma_start3A_433 = arith.constant 0 : i32
      %dma_start3A_434 = arith.constant 0 : i32
      %dma_start3A_435 = arith.constant 0 : i32
      %dma_start3A_436 = arith.constant 0 : i32
      %dma_start3A_437 = arith.constant 0 : i32
      %dma_start3A_438 = tpu.memref_slice %arg7[%dma_start3A_433, %dma_start3A_434, %dma_start3A_435, %dma_start3A_436, %dma_start3A_437] : memref<2x4x4x8x129xf32, #tpu.memory_space<vmem>> -> memref<1x4x4x8x128xf32, #tpu.memory_space<vmem>>
      %dma_start3A_439 = tpu.memref_squeeze %dma_start3A_438 : memref<1x4x4x8x128xf32, #tpu.memory_space<vmem>> -> memref<4x4x8x128xf32, #tpu.memory_space<vmem>>
      %dma_start3A_440 = arith.constant 0 : i32
      %dma_start3A_441 = arith.constant 0 : i32
      %dma_start3A_442 = arith.constant 0 : i32
      %dma_start3A_443 = tpu.memref_slice %arg4[%add3A_395, %dma_start3A_440, %multiple_of3A, %dma_start3A_441, %dma_start3A_442] : memref<200x4x128x8x128xf32, #tpu.memory_space<hbm>> -> memref<1x4x4x8x128xf32, #tpu.memory_space<hbm>>
      %dma_start3A_444 = tpu.memref_squeeze %dma_start3A_443 : memref<1x4x4x8x128xf32, #tpu.memory_space<hbm>> -> memref<4x4x8x128xf32, #tpu.memory_space<hbm>>
      %dma_start3A_445 = arith.constant 0 : i32
      %dma_start3A_446 = arith.constant 0 : i32
      %dma_start3A_447 = arith.constant 0 : i32
      %dma_start3A_448 = tpu.memref_slice %arg4[%add3A_395, %dma_start3A_445, %multiple_of3A, %dma_start3A_446, %dma_start3A_447] : memref<200x4x128x8x128xf32, #tpu.memory_space<hbm>> -> memref<1x4x4x8x128xf32, #tpu.memory_space<hbm>>
      %dma_start3A_449 = tpu.memref_squeeze %dma_start3A_448 : memref<1x4x4x8x128xf32, #tpu.memory_space<hbm>> -> memref<4x4x8x128xf32, #tpu.memory_space<hbm>>
      %dma_start3A_450 = arith.constant 0 : i32
      %dma_start3A_451 = arith.constant 0 : i32
      %dma_start3A_452 = arith.constant 0 : i32
      %dma_start3A_453 = arith.constant 0 : i32
      %dma_start3A_454 = tpu.memref_slice %arg7[%dma_start3A_433, %dma_start3A_450, %dma_start3A_451, %dma_start3A_452, %dma_start3A_453] : memref<2x4x4x8x129xf32, #tpu.memory_space<vmem>> -> memref<1x4x4x8x128xf32, #tpu.memory_space<vmem>>
      %dma_start3A_455 = tpu.memref_squeeze %dma_start3A_454 : memref<1x4x4x8x128xf32, #tpu.memory_space<vmem>> -> memref<4x4x8x128xf32, #tpu.memory_space<vmem>>
      tpu.enqueue_dma source(%dma_start3A_455 : memref<4x4x8x128xf32, #tpu.memory_space<vmem>>) target(%dma_start3A_449 : memref<4x4x8x128xf32, #tpu.memory_space<hbm>>) target_semaphore(%arg16 : memref<!tpu.dma_semaphore, #tpu.memory_space<semaphore_mem>>)
      %mul3A_456 = arith.constant 4 : i32
      %mul3A_457 = arith.muli %scan3A_391, %mul3A_456 : i32
      %add3A_458 = arith.constant 1 : i32
      %add3A_459 = arith.addi %mul3A_457, %add3A_458 : i32
      %dma_wait3A_460 = arith.constant 1 : i32
      %dma_wait3A_461 = arith.constant 0 : i32
      %dma_wait3A_462 = arith.constant 0 : i32
      %dma_wait3A_463 = tpu.memref_slice %arg6[%dma_wait3A_460, %dma_wait3A_461, %dma_wait3A_462] : memref<4x512x32xf32, #tpu.memory_space<vmem>> -> memref<1x512x32xf32, #tpu.memory_space<vmem>>
      %dma_wait3A_464 = tpu.memref_squeeze %dma_wait3A_463 : memref<1x512x32xf32, #tpu.memory_space<vmem>> -> memref<512x32xf32, #tpu.memory_space<vmem>>
      %dma_wait3A_465 = arith.constant 0 : i32
      %dma_wait3A_466 = arith.constant 0 : i32
      %dma_wait3A_467 = tpu.memref_slice %arg3[%dma_wait3A_465, %dma_wait3A_466] : memref<1000000x32xf32, #tpu.memory_space<hbm>> -> memref<512x32xf32, #tpu.memory_space<hbm>>
      %dma_wait3A_468 = arith.constant 0 : i32
      %dma_wait3A_469 = arith.constant 0 : i32
      %dma_wait3A_470 = tpu.memref_slice %arg6[%dma_wait3A_460, %dma_wait3A_468, %dma_wait3A_469] : memref<4x512x32xf32, #tpu.memory_space<vmem>> -> memref<1x512x32xf32, #tpu.memory_space<vmem>>
      %dma_wait3A_471 = tpu.memref_squeeze %dma_wait3A_470 : memref<1x512x32xf32, #tpu.memory_space<vmem>> -> memref<512x32xf32, #tpu.memory_space<vmem>>
      %dma_wait3A_472 = arith.constant 0 : i32
      %dma_wait3A_473 = arith.constant 0 : i32
      %dma_wait3A_474 = tpu.memref_slice %arg3[%dma_wait3A_472, %dma_wait3A_473] : memref<1000000x32xf32, #tpu.memory_space<hbm>> -> memref<512x32xf32, #tpu.memory_space<hbm>>
      tpu.wait_dma2 semaphore(%arg9 : memref<!tpu.dma_semaphore, #tpu.memory_space<semaphore_mem>>) src(%dma_wait3A_474 : memref<512x32xf32, #tpu.memory_space<hbm>>) dst(%dma_wait3A_471 : memref<512x32xf32, #tpu.memory_space<vmem>>)
      %add3A_475 = arith.constant 4 : i32
      %add3A_476 = arith.addi %add3A_459, %add3A_475 : i32
      %lt3A_477 = arith.constant 200 : i32
      %lt3A_478 = arith.cmpi slt, %add3A_476, %lt3A_477 : i32
      %convert_element_type3A_479 = arith.extui %lt3A_478 : i1 to i32
      %cond3A_480 = arith.constant 0 : i32
      %cond3A_481 = arith.cmpi ne, %convert_element_type3A_479, %cond3A_480 : i32
      scf.if %cond3A_481 {
        %add3A_660 = arith.constant 4 : i32
        %add3A_661 = arith.addi %add3A_459, %add3A_660 : i32
        %shift_right_logical3A_662 = arith.constant 3 : i32
        %shift_right_logical3A_663 = arith.shrui %add3A_661, %shift_right_logical3A_662 : i32
        %and3A_664 = arith.constant 7 : i32
        %and3A_665 = arith.andi %add3A_661, %and3A_664 : i32
        %dma_start3A_666 = arith.constant 1 : i32
        %dma_start3A_667 = arith.constant 0 : i32
        %dma_start3A_668 = arith.constant 0 : i32
        %dma_start3A_669 = arith.constant 0 : i32
        %dma_start3A_670 = tpu.memref_slice %arg5[%dma_start3A_666, %dma_start3A_667, %dma_start3A_668, %dma_start3A_669] : memref<4x4x1x128xi32, #tpu.memory_space<vmem>> -> memref<1x4x1x128xi32, #tpu.memory_space<vmem>>
        %dma_start3A_671 = tpu.memref_squeeze %dma_start3A_670 : memref<1x4x1x128xi32, #tpu.memory_space<vmem>> -> memref<4x1x128xi32, #tpu.memory_space<vmem>>
        %dma_start3A_672 = arith.constant 0 : i32
        %dma_start3A_673 = tpu.memref_slice %arg2[%shift_right_logical3A_663, %multiple_of3A, %and3A_665, %dma_start3A_672] : memref<25x128x8x128xi32, #tpu.memory_space<hbm>> -> memref<1x4x1x128xi32, #tpu.memory_space<hbm>>
        %dma_start3A_674 = tpu.memref_squeeze %dma_start3A_673 : memref<1x4x1x128xi32, #tpu.memory_space<hbm>> -> memref<4x1x128xi32, #tpu.memory_space<hbm>>
        %dma_start3A_675 = arith.constant 0 : i32
        %dma_start3A_676 = arith.constant 0 : i32
        %dma_start3A_677 = arith.constant 0 : i32
        %dma_start3A_678 = tpu.memref_slice %arg5[%dma_start3A_666, %dma_start3A_675, %dma_start3A_676, %dma_start3A_677] : memref<4x4x1x128xi32, #tpu.memory_space<vmem>> -> memref<1x4x1x128xi32, #tpu.memory_space<vmem>>
        %dma_start3A_679 = tpu.memref_squeeze %dma_start3A_678 : memref<1x4x1x128xi32, #tpu.memory_space<vmem>> -> memref<4x1x128xi32, #tpu.memory_space<vmem>>
        %dma_start3A_680 = arith.constant 0 : i32
        %dma_start3A_681 = tpu.memref_slice %arg2[%shift_right_logical3A_663, %multiple_of3A, %and3A_665, %dma_start3A_680] : memref<25x128x8x128xi32, #tpu.memory_space<hbm>> -> memref<1x4x1x128xi32, #tpu.memory_space<hbm>>
        %dma_start3A_682 = tpu.memref_squeeze %dma_start3A_681 : memref<1x4x1x128xi32, #tpu.memory_space<hbm>> -> memref<4x1x128xi32, #tpu.memory_space<hbm>>
        tpu.enqueue_dma source(%dma_start3A_682 : memref<4x1x128xi32, #tpu.memory_space<hbm>>) target(%dma_start3A_679 : memref<4x1x128xi32, #tpu.memory_space<vmem>>) target_semaphore(%arg13 : memref<!tpu.dma_semaphore, #tpu.memory_space<semaphore_mem>>)
      } else {
      }
      %add3A_482 = arith.constant 3 : i32
      %add3A_483 = arith.addi %add3A_459, %add3A_482 : i32
      %lt3A_484 = arith.constant 200 : i32
      %lt3A_485 = arith.cmpi slt, %add3A_483, %lt3A_484 : i32
      %convert_element_type3A_486 = arith.extui %lt3A_485 : i1 to i32
      %cond3A_487 = arith.constant 0 : i32
      %cond3A_488 = arith.cmpi ne, %convert_element_type3A_486, %cond3A_487 : i32
      scf.if %cond3A_488 {
        %dma_wait3A_660 = arith.constant 0 : i32
        %dma_wait3A_661 = arith.constant 0 : i32
        %dma_wait3A_662 = arith.constant 0 : i32
        %dma_wait3A_663 = arith.constant 0 : i32
        %dma_wait3A_664 = arith.constant 0 : i32
        %dma_wait3A_665 = tpu.memref_slice %arg5[%dma_wait3A_661, %dma_wait3A_662, %dma_wait3A_663, %dma_wait3A_664] : memref<4x4x1x128xi32, #tpu.memory_space<vmem>> -> memref<1x4x1x128xi32, #tpu.memory_space<vmem>>
        %dma_wait3A_666 = tpu.memref_squeeze %dma_wait3A_665 : memref<1x4x1x128xi32, #tpu.memory_space<vmem>> -> memref<4x1x128xi32, #tpu.memory_space<vmem>>
        %dma_wait3A_667 = arith.constant 0 : i32
        %dma_wait3A_668 = arith.constant 0 : i32
        %dma_wait3A_669 = arith.constant 0 : i32
        %dma_wait3A_670 = tpu.memref_slice %arg2[%dma_wait3A_660, %dma_wait3A_667, %dma_wait3A_668, %dma_wait3A_669] : memref<25x128x8x128xi32, #tpu.memory_space<hbm>> -> memref<1x4x1x128xi32, #tpu.memory_space<hbm>>
        %dma_wait3A_671 = tpu.memref_squeeze %dma_wait3A_670 : memref<1x4x1x128xi32, #tpu.memory_space<hbm>> -> memref<4x1x128xi32, #tpu.memory_space<hbm>>
        %dma_wait3A_672 = arith.constant 0 : i32
        %dma_wait3A_673 = arith.constant 0 : i32
        %dma_wait3A_674 = arith.constant 0 : i32
        %dma_wait3A_675 = tpu.memref_slice %arg5[%dma_wait3A_661, %dma_wait3A_672, %dma_wait3A_673, %dma_wait3A_674] : memref<4x4x1x128xi32, #tpu.memory_space<vmem>> -> memref<1x4x1x128xi32, #tpu.memory_space<vmem>>
        %dma_wait3A_676 = tpu.memref_squeeze %dma_wait3A_675 : memref<1x4x1x128xi32, #tpu.memory_space<vmem>> -> memref<4x1x128xi32, #tpu.memory_space<vmem>>
        %dma_wait3A_677 = arith.constant 0 : i32
        %dma_wait3A_678 = arith.constant 0 : i32
        %dma_wait3A_679 = arith.constant 0 : i32
        %dma_wait3A_680 = tpu.memref_slice %arg2[%dma_wait3A_660, %dma_wait3A_677, %dma_wait3A_678, %dma_wait3A_679] : memref<25x128x8x128xi32, #tpu.memory_space<hbm>> -> memref<1x4x1x128xi32, #tpu.memory_space<hbm>>
        %dma_wait3A_681 = tpu.memref_squeeze %dma_wait3A_680 : memref<1x4x1x128xi32, #tpu.memory_space<hbm>> -> memref<4x1x128xi32, #tpu.memory_space<hbm>>
        tpu.wait_dma2 semaphore(%arg12 : memref<!tpu.dma_semaphore, #tpu.memory_space<semaphore_mem>>) src(%dma_wait3A_681 : memref<4x1x128xi32, #tpu.memory_space<hbm>>) dst(%dma_wait3A_676 : memref<4x1x128xi32, #tpu.memory_space<vmem>>)
        %dma_start3A_682 = arith.constant 0 : i32
        %dma_start3A_683 = arith.constant 0 : i32
        %dma_start3A_684 = arith.constant 0 : i32
        %dma_start3A_685 = arith.constant 0 : i32
        %dma_start3A_686 = arith.constant 0 : i32
        %dma_start3A_687 = arith.constant 0 : i32
        %dma_start3A_688 = tpu.memref_slice %arg6[%dma_start3A_685, %dma_start3A_686, %dma_start3A_687] : memref<4x512x32xf32, #tpu.memory_space<vmem>> -> memref<1x128x32xf32, #tpu.memory_space<vmem>>
        %dma_start3A_689 = tpu.memref_squeeze %dma_start3A_688 : memref<1x128x32xf32, #tpu.memory_space<vmem>> -> memref<128x32xf32, #tpu.memory_space<vmem>>
        %dma_start3A_690 = arith.constant 0 : i32
        %dma_start3A_691 = tpu.memref_slice %arg5[%dma_start3A_682, %dma_start3A_683, %dma_start3A_684, %dma_start3A_690] : memref<4x4x1x128xi32, #tpu.memory_space<vmem>> -> memref<1x1x1x128xi32, #tpu.memory_space<vmem>>
        %dma_start3A_692 = tpu.memref_squeeze %dma_start3A_691 : memref<1x1x1x128xi32, #tpu.memory_space<vmem>> -> memref<128xi32, #tpu.memory_space<vmem>>
        %dma_start3A_693 = arith.constant 0 : i32
        %dma_start3A_694 = arith.constant 0 : i32
        %dma_start3A_695 = tpu.memref_slice %arg3[%dma_start3A_693, %dma_start3A_694] : memref<1000000x32xf32, #tpu.memory_space<hbm>> -> memref<1000000x32xf32, #tpu.memory_space<hbm>>
        tpu.enqueue_indirect_dma source(%dma_start3A_695 : memref<1000000x32xf32, #tpu.memory_space<hbm>>) target(%dma_start3A_689 : memref<128x32xf32, #tpu.memory_space<vmem>>) offsets(%dma_start3A_692 : memref<128xi32, #tpu.memory_space<vmem>>) semaphore(%arg8 : memref<!tpu.dma_semaphore, #tpu.memory_space<semaphore_mem>>)
        %dma_start3A_696 = arith.constant 0 : i32
        %dma_start3A_697 = arith.constant 1 : i32
        %dma_start3A_698 = arith.constant 0 : i32
        %dma_start3A_699 = arith.constant 0 : i32
        %dma_start3A_700 = arith.constant 128 : i32
        %dma_start3A_701 = arith.constant 0 : i32
        %dma_start3A_702 = tpu.memref_slice %arg6[%dma_start3A_699, %dma_start3A_700, %dma_start3A_701] : memref<4x512x32xf32, #tpu.memory_space<vmem>> -> memref<1x128x32xf32, #tpu.memory_space<vmem>>
        %dma_start3A_703 = tpu.memref_squeeze %dma_start3A_702 : memref<1x128x32xf32, #tpu.memory_space<vmem>> -> memref<128x32xf32, #tpu.memory_space<vmem>>
        %dma_start3A_704 = arith.constant 0 : i32
        %dma_start3A_705 = tpu.memref_slice %arg5[%dma_start3A_696, %dma_start3A_697, %dma_start3A_698, %dma_start3A_704] : memref<4x4x1x128xi32, #tpu.memory_space<vmem>> -> memref<1x1x1x128xi32, #tpu.memory_space<vmem>>
        %dma_start3A_706 = tpu.memref_squeeze %dma_start3A_705 : memref<1x1x1x128xi32, #tpu.memory_space<vmem>> -> memref<128xi32, #tpu.memory_space<vmem>>
        %dma_start3A_707 = arith.constant 0 : i32
        %dma_start3A_708 = arith.constant 0 : i32
        %dma_start3A_709 = tpu.memref_slice %arg3[%dma_start3A_707, %dma_start3A_708] : memref<1000000x32xf32, #tpu.memory_space<hbm>> -> memref<1000000x32xf32, #tpu.memory_space<hbm>>
        tpu.enqueue_indirect_dma source(%dma_start3A_709 : memref<1000000x32xf32, #tpu.memory_space<hbm>>) target(%dma_start3A_703 : memref<128x32xf32, #tpu.memory_space<vmem>>) offsets(%dma_start3A_706 : memref<128xi32, #tpu.memory_space<vmem>>) semaphore(%arg8 : memref<!tpu.dma_semaphore, #tpu.memory_space<semaphore_mem>>)
        %dma_start3A_710 = arith.constant 0 : i32
        %dma_start3A_711 = arith.constant 2 : i32
        %dma_start3A_712 = arith.constant 0 : i32
        %dma_start3A_713 = arith.constant 0 : i32
        %dma_start3A_714 = arith.constant 256 : i32
        %dma_start3A_715 = arith.constant 0 : i32
        %dma_start3A_716 = tpu.memref_slice %arg6[%dma_start3A_713, %dma_start3A_714, %dma_start3A_715] : memref<4x512x32xf32, #tpu.memory_space<vmem>> -> memref<1x128x32xf32, #tpu.memory_space<vmem>>
        %dma_start3A_717 = tpu.memref_squeeze %dma_start3A_716 : memref<1x128x32xf32, #tpu.memory_space<vmem>> -> memref<128x32xf32, #tpu.memory_space<vmem>>
        %dma_start3A_718 = arith.constant 0 : i32
        %dma_start3A_719 = tpu.memref_slice %arg5[%dma_start3A_710, %dma_start3A_711, %dma_start3A_712, %dma_start3A_718] : memref<4x4x1x128xi32, #tpu.memory_space<vmem>> -> memref<1x1x1x128xi32, #tpu.memory_space<vmem>>
        %dma_start3A_720 = tpu.memref_squeeze %dma_start3A_719 : memref<1x1x1x128xi32, #tpu.memory_space<vmem>> -> memref<128xi32, #tpu.memory_space<vmem>>
        %dma_start3A_721 = arith.constant 0 : i32
        %dma_start3A_722 = arith.constant 0 : i32
        %dma_start3A_723 = tpu.memref_slice %arg3[%dma_start3A_721, %dma_start3A_722] : memref<1000000x32xf32, #tpu.memory_space<hbm>> -> memref<1000000x32xf32, #tpu.memory_space<hbm>>
        tpu.enqueue_indirect_dma source(%dma_start3A_723 : memref<1000000x32xf32, #tpu.memory_space<hbm>>) target(%dma_start3A_717 : memref<128x32xf32, #tpu.memory_space<vmem>>) offsets(%dma_start3A_720 : memref<128xi32, #tpu.memory_space<vmem>>) semaphore(%arg8 : memref<!tpu.dma_semaphore, #tpu.memory_space<semaphore_mem>>)
        %dma_start3A_724 = arith.constant 0 : i32
        %dma_start3A_725 = arith.constant 3 : i32
        %dma_start3A_726 = arith.constant 0 : i32
        %dma_start3A_727 = arith.constant 0 : i32
        %dma_start3A_728 = arith.constant 384 : i32
        %dma_start3A_729 = arith.constant 0 : i32
        %dma_start3A_730 = tpu.memref_slice %arg6[%dma_start3A_727, %dma_start3A_728, %dma_start3A_729] : memref<4x512x32xf32, #tpu.memory_space<vmem>> -> memref<1x128x32xf32, #tpu.memory_space<vmem>>
        %dma_start3A_731 = tpu.memref_squeeze %dma_start3A_730 : memref<1x128x32xf32, #tpu.memory_space<vmem>> -> memref<128x32xf32, #tpu.memory_space<vmem>>
        %dma_start3A_732 = arith.constant 0 : i32
        %dma_start3A_733 = tpu.memref_slice %arg5[%dma_start3A_724, %dma_start3A_725, %dma_start3A_726, %dma_start3A_732] : memref<4x4x1x128xi32, #tpu.memory_space<vmem>> -> memref<1x1x1x128xi32, #tpu.memory_space<vmem>>
        %dma_start3A_734 = tpu.memref_squeeze %dma_start3A_733 : memref<1x1x1x128xi32, #tpu.memory_space<vmem>> -> memref<128xi32, #tpu.memory_space<vmem>>
        %dma_start3A_735 = arith.constant 0 : i32
        %dma_start3A_736 = arith.constant 0 : i32
        %dma_start3A_737 = tpu.memref_slice %arg3[%dma_start3A_735, %dma_start3A_736] : memref<1000000x32xf32, #tpu.memory_space<hbm>> -> memref<1000000x32xf32, #tpu.memory_space<hbm>>
        tpu.enqueue_indirect_dma source(%dma_start3A_737 : memref<1000000x32xf32, #tpu.memory_space<hbm>>) target(%dma_start3A_731 : memref<128x32xf32, #tpu.memory_space<vmem>>) offsets(%dma_start3A_734 : memref<128xi32, #tpu.memory_space<vmem>>) semaphore(%arg8 : memref<!tpu.dma_semaphore, #tpu.memory_space<semaphore_mem>>)
      } else {
      }
      %ge3A_489 = arith.constant 2 : i32
      %ge3A_490 = arith.cmpi sge, %add3A_459, %ge3A_489 : i32
      %convert_element_type3A_491 = arith.extui %ge3A_490 : i1 to i32
      %cond3A_492 = arith.constant 0 : i32
      %cond3A_493 = arith.cmpi ne, %convert_element_type3A_491, %cond3A_492 : i32
      scf.if %cond3A_493 {
        %dma_wait3A_660 = arith.constant 0 : i32
        %dma_wait3A_661 = arith.constant 1 : i32
        %dma_wait3A_662 = arith.constant 0 : i32
        %dma_wait3A_663 = arith.constant 0 : i32
        %dma_wait3A_664 = arith.constant 0 : i32
        %dma_wait3A_665 = arith.constant 0 : i32
        %dma_wait3A_666 = tpu.memref_slice %arg7[%dma_wait3A_661, %dma_wait3A_662, %dma_wait3A_663, %dma_wait3A_664, %dma_wait3A_665] : memref<2x4x4x8x129xf32, #tpu.memory_space<vmem>> -> memref<1x4x4x8x128xf32, #tpu.memory_space<vmem>>
        %dma_wait3A_667 = tpu.memref_squeeze %dma_wait3A_666 : memref<1x4x4x8x128xf32, #tpu.memory_space<vmem>> -> memref<4x4x8x128xf32, #tpu.memory_space<vmem>>
        %dma_wait3A_668 = arith.constant 0 : i32
        %dma_wait3A_669 = arith.constant 0 : i32
        %dma_wait3A_670 = arith.constant 0 : i32
        %dma_wait3A_671 = arith.constant 0 : i32
        %dma_wait3A_672 = tpu.memref_slice %arg4[%dma_wait3A_660, %dma_wait3A_668, %dma_wait3A_669, %dma_wait3A_670, %dma_wait3A_671] : memref<200x4x128x8x128xf32, #tpu.memory_space<hbm>> -> memref<1x4x4x8x128xf32, #tpu.memory_space<hbm>>
        %dma_wait3A_673 = tpu.memref_squeeze %dma_wait3A_672 : memref<1x4x4x8x128xf32, #tpu.memory_space<hbm>> -> memref<4x4x8x128xf32, #tpu.memory_space<hbm>>
        %dma_wait3A_674 = arith.constant 0 : i32
        %dma_wait3A_675 = arith.constant 0 : i32
        %dma_wait3A_676 = arith.constant 0 : i32
        %dma_wait3A_677 = arith.constant 0 : i32
        %dma_wait3A_678 = tpu.memref_slice %arg7[%dma_wait3A_661, %dma_wait3A_674, %dma_wait3A_675, %dma_wait3A_676, %dma_wait3A_677] : memref<2x4x4x8x129xf32, #tpu.memory_space<vmem>> -> memref<1x4x4x8x128xf32, #tpu.memory_space<vmem>>
        %dma_wait3A_679 = tpu.memref_squeeze %dma_wait3A_678 : memref<1x4x4x8x128xf32, #tpu.memory_space<vmem>> -> memref<4x4x8x128xf32, #tpu.memory_space<vmem>>
        %dma_wait3A_680 = arith.constant 0 : i32
        %dma_wait3A_681 = arith.constant 0 : i32
        %dma_wait3A_682 = arith.constant 0 : i32
        %dma_wait3A_683 = arith.constant 0 : i32
        %dma_wait3A_684 = tpu.memref_slice %arg4[%dma_wait3A_660, %dma_wait3A_680, %dma_wait3A_681, %dma_wait3A_682, %dma_wait3A_683] : memref<200x4x128x8x128xf32, #tpu.memory_space<hbm>> -> memref<1x4x4x8x128xf32, #tpu.memory_space<hbm>>
        %dma_wait3A_685 = tpu.memref_squeeze %dma_wait3A_684 : memref<1x4x4x8x128xf32, #tpu.memory_space<hbm>> -> memref<4x4x8x128xf32, #tpu.memory_space<hbm>>
        tpu.wait_dma2 semaphore(%arg17 : memref<!tpu.dma_semaphore, #tpu.memory_space<semaphore_mem>>) src(%dma_wait3A_685 : memref<4x4x8x128xf32, #tpu.memory_space<hbm>>) dst(%dma_wait3A_679 : memref<4x4x8x128xf32, #tpu.memory_space<vmem>>)
      } else {
      }
      %scan3A_494 = arith.constant 0 : i32
      %scan3A_495 = arith.constant 1 : i32
      %scan3A_496 = arith.constant 0 : i32
      %scan3A_497 = arith.constant 4 : i32
      %scan3A_498 = arith.addi %scan3A_496, %scan3A_497 : i32
      %scan3A_499 = arith.constant 1 : i32
      scf.for %scan3A_660 = %scan3A_496 to %scan3A_498 step %scan3A_499  : i32 {
        %broadcast_in_dim3A = vector.broadcast %scan3A_660 : i32 to vector<16xi32>
        %mul3A_661 = arith.constant 128 : i32
        %mul3A_662 = arith.muli %scan3A_660, %mul3A_661 : i32
        %scan3A_663 = arith.constant 0 : i32
        %scan3A_664 = arith.constant 0 : i32
        %scan3A_665 = arith.constant 128 : i32
        %scan3A_666 = arith.addi %scan3A_664, %scan3A_665 : i32
        %scan3A_667 = arith.constant 4 : i32
        scf.for %scan3A_669 = %scan3A_664 to %scan3A_666 step %scan3A_667  : i32 {
          %add3A_670 = arith.addi %mul3A_662, %scan3A_669 : i32
          %get3A = arith.constant 1 : i32
          %get3A_671 = arith.index_cast %get3A : i32 to index
          %get3A_672 = arith.index_cast %add3A_670 : i32 to index
          %get3A_673 = arith.constant 0 : index
          %get3A_674 = tpu.vector_load %arg6[%get3A_671, %get3A_672, %get3A_673] {strides = array<i32>} : memref<4x512x32xf32, #tpu.memory_space<vmem>>, vector<16xf32>,
          %mul3A_675 = arith.constant 5.65685415 : f32
          %mul3A_676 = vector.broadcast %mul3A_675 : f32 to vector<16xf32>
          %mul3A_677 = arith.mulf %get3A_674, %mul3A_676 : vector<16xf32>
          %get3A_678 = arith.constant 1 : i32
          %get3A_679 = arith.index_cast %get3A_678 : i32 to index
          %get3A_680 = arith.index_cast %add3A_670 : i32 to index
          %get3A_681 = arith.constant 16 : index
          %get3A_682 = tpu.vector_load %arg6[%get3A_679, %get3A_680, %get3A_681] {strides = array<i32>} : memref<4x512x32xf32, #tpu.memory_space<vmem>>, vector<16xf32>,
          %mul3A_683 = arith.constant 5.65685415 : f32
          %mul3A_684 = vector.broadcast %mul3A_683 : f32 to vector<16xf32>
          %mul3A_685 = arith.mulf %get3A_682, %mul3A_684 : vector<16xf32>
          %broadcast_in_dim3A_686 = vector.broadcast %scan3A_669 : i32 to vector<16xi32>
          %scatter3A = arith.constant 0 : i32
          %scatter3A_687 = arith.constant 0 : i32
          %scatter3A_688 = arith.constant 0 : i32
          %scatter3A_689 = arith.constant 0 : i32
          %scatter3A_690 = tpu.memref_slice %arg7[%scan3A_495, %scatter3A, %scatter3A_687, %scatter3A_688, %scatter3A_689] : memref<2x4x4x8x129xf32, #tpu.memory_space<vmem>> -> memref<1x4x4x8x129xf32, #tpu.memory_space<vmem>>
          %scatter3A_691 = tpu.memref_squeeze %scatter3A_690 : memref<1x4x4x8x129xf32, #tpu.memory_space<vmem>> -> memref<4x4x8x129xf32, #tpu.memory_space<vmem>>
          tpu.vector_store_idx %scatter3A_691[%shift_right_logical3A_4, %broadcast_in_dim3A, %and3A_9, %broadcast_in_dim3A_686], %mul3A_677 : memref<4x4x8x129xf32, #tpu.memory_space<vmem>>[vector<16xi32>, vector<16xi32>, vector<16xi32>, vector<16xi32>], vector<16xf32>,
          %scatter3A_692 = arith.constant 0 : i32
          %scatter3A_693 = arith.constant 0 : i32
          %scatter3A_694 = arith.constant 0 : i32
          %scatter3A_695 = arith.constant 0 : i32
          %scatter3A_696 = tpu.memref_slice %arg7[%scan3A_495, %scatter3A_692, %scatter3A_693, %scatter3A_694, %scatter3A_695] : memref<2x4x4x8x129xf32, #tpu.memory_space<vmem>> -> memref<1x4x4x8x129xf32, #tpu.memory_space<vmem>>
          %scatter3A_697 = tpu.memref_squeeze %scatter3A_696 : memref<1x4x4x8x129xf32, #tpu.memory_space<vmem>> -> memref<4x4x8x129xf32, #tpu.memory_space<vmem>>
          tpu.vector_store_idx %scatter3A_697[%add3A_7, %broadcast_in_dim3A, %and3A_9, %broadcast_in_dim3A_686], %mul3A_685 : memref<4x4x8x129xf32, #tpu.memory_space<vmem>>[vector<16xi32>, vector<16xi32>, vector<16xi32>, vector<16xi32>], vector<16xf32>,
          %scan3A_698 = arith.constant 1 : i32
          %scan3A_699 = arith.addi %scan3A_669, %scan3A_698 : i32
          %add3A_700 = arith.addi %mul3A_662, %scan3A_699 : i32
          %get3A_701 = arith.constant 1 : i32
          %get3A_702 = arith.index_cast %get3A_701 : i32 to index
          %get3A_703 = arith.index_cast %add3A_700 : i32 to index
          %get3A_704 = arith.constant 0 : index
          %get3A_705 = tpu.vector_load %arg6[%get3A_702, %get3A_703, %get3A_704] {strides = array<i32>} : memref<4x512x32xf32, #tpu.memory_space<vmem>>, vector<16xf32>,
          %mul3A_706 = arith.constant 5.65685415 : f32
          %mul3A_707 = vector.broadcast %mul3A_706 : f32 to vector<16xf32>
          %mul3A_708 = arith.mulf %get3A_705, %mul3A_707 : vector<16xf32>
          %get3A_709 = arith.constant 1 : i32
          %get3A_710 = arith.index_cast %get3A_709 : i32 to index
          %get3A_711 = arith.index_cast %add3A_700 : i32 to index
          %get3A_712 = arith.constant 16 : index
          %get3A_713 = tpu.vector_load %arg6[%get3A_710, %get3A_711, %get3A_712] {strides = array<i32>} : memref<4x512x32xf32, #tpu.memory_space<vmem>>, vector<16xf32>,
          %mul3A_714 = arith.constant 5.65685415 : f32
          %mul3A_715 = vector.broadcast %mul3A_714 : f32 to vector<16xf32>
          %mul3A_716 = arith.mulf %get3A_713, %mul3A_715 : vector<16xf32>
          %broadcast_in_dim3A_717 = vector.broadcast %scan3A_699 : i32 to vector<16xi32>
          %scatter3A_718 = arith.constant 0 : i32
          %scatter3A_719 = arith.constant 0 : i32
          %scatter3A_720 = arith.constant 0 : i32
          %scatter3A_721 = arith.constant 0 : i32
          %scatter3A_722 = tpu.memref_slice %arg7[%scan3A_495, %scatter3A_718, %scatter3A_719, %scatter3A_720, %scatter3A_721] : memref<2x4x4x8x129xf32, #tpu.memory_space<vmem>> -> memref<1x4x4x8x129xf32, #tpu.memory_space<vmem>>
          %scatter3A_723 = tpu.memref_squeeze %scatter3A_722 : memref<1x4x4x8x129xf32, #tpu.memory_space<vmem>> -> memref<4x4x8x129xf32, #tpu.memory_space<vmem>>
          tpu.vector_store_idx %scatter3A_723[%shift_right_logical3A_4, %broadcast_in_dim3A, %and3A_9, %broadcast_in_dim3A_717], %mul3A_708 : memref<4x4x8x129xf32, #tpu.memory_space<vmem>>[vector<16xi32>, vector<16xi32>, vector<16xi32>, vector<16xi32>], vector<16xf32>,
          %scatter3A_724 = arith.constant 0 : i32
          %scatter3A_725 = arith.constant 0 : i32
          %scatter3A_726 = arith.constant 0 : i32
          %scatter3A_727 = arith.constant 0 : i32
          %scatter3A_728 = tpu.memref_slice %arg7[%scan3A_495, %scatter3A_724, %scatter3A_725, %scatter3A_726, %scatter3A_727] : memref<2x4x4x8x129xf32, #tpu.memory_space<vmem>> -> memref<1x4x4x8x129xf32, #tpu.memory_space<vmem>>
          %scatter3A_729 = tpu.memref_squeeze %scatter3A_728 : memref<1x4x4x8x129xf32, #tpu.memory_space<vmem>> -> memref<4x4x8x129xf32, #tpu.memory_space<vmem>>
          tpu.vector_store_idx %scatter3A_729[%add3A_7, %broadcast_in_dim3A, %and3A_9, %broadcast_in_dim3A_717], %mul3A_716 : memref<4x4x8x129xf32, #tpu.memory_space<vmem>>[vector<16xi32>, vector<16xi32>, vector<16xi32>, vector<16xi32>], vector<16xf32>,
          %scan3A_730 = arith.constant 2 : i32
          %scan3A_731 = arith.addi %scan3A_669, %scan3A_730 : i32
          %add3A_732 = arith.addi %mul3A_662, %scan3A_731 : i32
          %get3A_733 = arith.constant 1 : i32
          %get3A_734 = arith.index_cast %get3A_733 : i32 to index
          %get3A_735 = arith.index_cast %add3A_732 : i32 to index
          %get3A_736 = arith.constant 0 : index
          %get3A_737 = tpu.vector_load %arg6[%get3A_734, %get3A_735, %get3A_736] {strides = array<i32>} : memref<4x512x32xf32, #tpu.memory_space<vmem>>, vector<16xf32>,
          %mul3A_738 = arith.constant 5.65685415 : f32
          %mul3A_739 = vector.broadcast %mul3A_738 : f32 to vector<16xf32>
          %mul3A_740 = arith.mulf %get3A_737, %mul3A_739 : vector<16xf32>
          %get3A_741 = arith.constant 1 : i32
          %get3A_742 = arith.index_cast %get3A_741 : i32 to index
          %get3A_743 = arith.index_cast %add3A_732 : i32 to index
          %get3A_744 = arith.constant 16 : index
          %get3A_745 = tpu.vector_load %arg6[%get3A_742, %get3A_743, %get3A_744] {strides = array<i32>} : memref<4x512x32xf32, #tpu.memory_space<vmem>>, vector<16xf32>,
          %mul3A_746 = arith.constant 5.65685415 : f32
          %mul3A_747 = vector.broadcast %mul3A_746 : f32 to vector<16xf32>
          %mul3A_748 = arith.mulf %get3A_745, %mul3A_747 : vector<16xf32>
          %broadcast_in_dim3A_749 = vector.broadcast %scan3A_731 : i32 to vector<16xi32>
          %scatter3A_750 = arith.constant 0 : i32
          %scatter3A_751 = arith.constant 0 : i32
          %scatter3A_752 = arith.constant 0 : i32
          %scatter3A_753 = arith.constant 0 : i32
          %scatter3A_754 = tpu.memref_slice %arg7[%scan3A_495, %scatter3A_750, %scatter3A_751, %scatter3A_752, %scatter3A_753] : memref<2x4x4x8x129xf32, #tpu.memory_space<vmem>> -> memref<1x4x4x8x129xf32, #tpu.memory_space<vmem>>
          %scatter3A_755 = tpu.memref_squeeze %scatter3A_754 : memref<1x4x4x8x129xf32, #tpu.memory_space<vmem>> -> memref<4x4x8x129xf32, #tpu.memory_space<vmem>>
          tpu.vector_store_idx %scatter3A_755[%shift_right_logical3A_4, %broadcast_in_dim3A, %and3A_9, %broadcast_in_dim3A_749], %mul3A_740 : memref<4x4x8x129xf32, #tpu.memory_space<vmem>>[vector<16xi32>, vector<16xi32>, vector<16xi32>, vector<16xi32>], vector<16xf32>,
          %scatter3A_756 = arith.constant 0 : i32
          %scatter3A_757 = arith.constant 0 : i32
          %scatter3A_758 = arith.constant 0 : i32
          %scatter3A_759 = arith.constant 0 : i32
          %scatter3A_760 = tpu.memref_slice %arg7[%scan3A_495, %scatter3A_756, %scatter3A_757, %scatter3A_758, %scatter3A_759] : memref<2x4x4x8x129xf32, #tpu.memory_space<vmem>> -> memref<1x4x4x8x129xf32, #tpu.memory_space<vmem>>
          %scatter3A_761 = tpu.memref_squeeze %scatter3A_760 : memref<1x4x4x8x129xf32, #tpu.memory_space<vmem>> -> memref<4x4x8x129xf32, #tpu.memory_space<vmem>>
          tpu.vector_store_idx %scatter3A_761[%add3A_7, %broadcast_in_dim3A, %and3A_9, %broadcast_in_dim3A_749], %mul3A_748 : memref<4x4x8x129xf32, #tpu.memory_space<vmem>>[vector<16xi32>, vector<16xi32>, vector<16xi32>, vector<16xi32>], vector<16xf32>,
          %scan3A_762 = arith.constant 3 : i32
          %scan3A_763 = arith.addi %scan3A_669, %scan3A_762 : i32
          %add3A_764 = arith.addi %mul3A_662, %scan3A_763 : i32
          %get3A_765 = arith.constant 1 : i32
          %get3A_766 = arith.index_cast %get3A_765 : i32 to index
          %get3A_767 = arith.index_cast %add3A_764 : i32 to index
          %get3A_768 = arith.constant 0 : index
          %get3A_769 = tpu.vector_load %arg6[%get3A_766, %get3A_767, %get3A_768] {strides = array<i32>} : memref<4x512x32xf32, #tpu.memory_space<vmem>>, vector<16xf32>,
          %mul3A_770 = arith.constant 5.65685415 : f32
          %mul3A_771 = vector.broadcast %mul3A_770 : f32 to vector<16xf32>
          %mul3A_772 = arith.mulf %get3A_769, %mul3A_771 : vector<16xf32>
          %get3A_773 = arith.constant 1 : i32
          %get3A_774 = arith.index_cast %get3A_773 : i32 to index
          %get3A_775 = arith.index_cast %add3A_764 : i32 to index
          %get3A_776 = arith.constant 16 : index
          %get3A_777 = tpu.vector_load %arg6[%get3A_774, %get3A_775, %get3A_776] {strides = array<i32>} : memref<4x512x32xf32, #tpu.memory_space<vmem>>, vector<16xf32>,
          %mul3A_778 = arith.constant 5.65685415 : f32
          %mul3A_779 = vector.broadcast %mul3A_778 : f32 to vector<16xf32>
          %mul3A_780 = arith.mulf %get3A_777, %mul3A_779 : vector<16xf32>
          %broadcast_in_dim3A_781 = vector.broadcast %scan3A_763 : i32 to vector<16xi32>
          %scatter3A_782 = arith.constant 0 : i32
          %scatter3A_783 = arith.constant 0 : i32
          %scatter3A_784 = arith.constant 0 : i32
          %scatter3A_785 = arith.constant 0 : i32
          %scatter3A_786 = tpu.memref_slice %arg7[%scan3A_495, %scatter3A_782, %scatter3A_783, %scatter3A_784, %scatter3A_785] : memref<2x4x4x8x129xf32, #tpu.memory_space<vmem>> -> memref<1x4x4x8x129xf32, #tpu.memory_space<vmem>>
          %scatter3A_787 = tpu.memref_squeeze %scatter3A_786 : memref<1x4x4x8x129xf32, #tpu.memory_space<vmem>> -> memref<4x4x8x129xf32, #tpu.memory_space<vmem>>
          tpu.vector_store_idx %scatter3A_787[%shift_right_logical3A_4, %broadcast_in_dim3A, %and3A_9, %broadcast_in_dim3A_781], %mul3A_772 : memref<4x4x8x129xf32, #tpu.memory_space<vmem>>[vector<16xi32>, vector<16xi32>, vector<16xi32>, vector<16xi32>], vector<16xf32>,
          %scatter3A_788 = arith.constant 0 : i32
          %scatter3A_789 = arith.constant 0 : i32
          %scatter3A_790 = arith.constant 0 : i32
          %scatter3A_791 = arith.constant 0 : i32
          %scatter3A_792 = tpu.memref_slice %arg7[%scan3A_495, %scatter3A_788, %scatter3A_789, %scatter3A_790, %scatter3A_791] : memref<2x4x4x8x129xf32, #tpu.memory_space<vmem>> -> memref<1x4x4x8x129xf32, #tpu.memory_space<vmem>>
          %scatter3A_793 = tpu.memref_squeeze %scatter3A_792 : memref<1x4x4x8x129xf32, #tpu.memory_space<vmem>> -> memref<4x4x8x129xf32, #tpu.memory_space<vmem>>
          tpu.vector_store_idx %scatter3A_793[%add3A_7, %broadcast_in_dim3A, %and3A_9, %broadcast_in_dim3A_781], %mul3A_780 : memref<4x4x8x129xf32, #tpu.memory_space<vmem>>[vector<16xi32>, vector<16xi32>, vector<16xi32>, vector<16xi32>], vector<16xf32>,
        }
        %scan3A_668 = arith.constant 128 : i32
      }
      %scan3A_500 = arith.constant 4 : i32
      %dma_start3A_501 = arith.constant 1 : i32
      %dma_start3A_502 = arith.constant 0 : i32
      %dma_start3A_503 = arith.constant 0 : i32
      %dma_start3A_504 = arith.constant 0 : i32
      %dma_start3A_505 = arith.constant 0 : i32
      %dma_start3A_506 = tpu.memref_slice %arg7[%dma_start3A_501, %dma_start3A_502, %dma_start3A_503, %dma_start3A_504, %dma_start3A_505] : memref<2x4x4x8x129xf32, #tpu.memory_space<vmem>> -> memref<1x4x4x8x128xf32, #tpu.memory_space<vmem>>
      %dma_start3A_507 = tpu.memref_squeeze %dma_start3A_506 : memref<1x4x4x8x128xf32, #tpu.memory_space<vmem>> -> memref<4x4x8x128xf32, #tpu.memory_space<vmem>>
      %dma_start3A_508 = arith.constant 0 : i32
      %dma_start3A_509 = arith.constant 0 : i32
      %dma_start3A_510 = arith.constant 0 : i32
      %dma_start3A_511 = tpu.memref_slice %arg4[%add3A_459, %dma_start3A_508, %multiple_of3A, %dma_start3A_509, %dma_start3A_510] : memref<200x4x128x8x128xf32, #tpu.memory_space<hbm>> -> memref<1x4x4x8x128xf32, #tpu.memory_space<hbm>>
      %dma_start3A_512 = tpu.memref_squeeze %dma_start3A_511 : memref<1x4x4x8x128xf32, #tpu.memory_space<hbm>> -> memref<4x4x8x128xf32, #tpu.memory_space<hbm>>
      %dma_start3A_513 = arith.constant 0 : i32
      %dma_start3A_514 = arith.constant 0 : i32
      %dma_start3A_515 = arith.constant 0 : i32
      %dma_start3A_516 = tpu.memref_slice %arg4[%add3A_459, %dma_start3A_513, %multiple_of3A, %dma_start3A_514, %dma_start3A_515] : memref<200x4x128x8x128xf32, #tpu.memory_space<hbm>> -> memref<1x4x4x8x128xf32, #tpu.memory_space<hbm>>
      %dma_start3A_517 = tpu.memref_squeeze %dma_start3A_516 : memref<1x4x4x8x128xf32, #tpu.memory_space<hbm>> -> memref<4x4x8x128xf32, #tpu.memory_space<hbm>>
      %dma_start3A_518 = arith.constant 0 : i32
      %dma_start3A_519 = arith.constant 0 : i32
      %dma_start3A_520 = arith.constant 0 : i32
      %dma_start3A_521 = arith.constant 0 : i32
      %dma_start3A_522 = tpu.memref_slice %arg7[%dma_start3A_501, %dma_start3A_518, %dma_start3A_519, %dma_start3A_520, %dma_start3A_521] : memref<2x4x4x8x129xf32, #tpu.memory_space<vmem>> -> memref<1x4x4x8x128xf32, #tpu.memory_space<vmem>>
      %dma_start3A_523 = tpu.memref_squeeze %dma_start3A_522 : memref<1x4x4x8x128xf32, #tpu.memory_space<vmem>> -> memref<4x4x8x128xf32, #tpu.memory_space<vmem>>
      tpu.enqueue_dma source(%dma_start3A_523 : memref<4x4x8x128xf32, #tpu.memory_space<vmem>>) target(%dma_start3A_517 : memref<4x4x8x128xf32, #tpu.memory_space<hbm>>) target_semaphore(%arg17 : memref<!tpu.dma_semaphore, #tpu.memory_space<semaphore_mem>>)
      %mul3A_524 = arith.constant 4 : i32
      %mul3A_525 = arith.muli %scan3A_391, %mul3A_524 : i32
      %add3A_526 = arith.constant 2 : i32
      %add3A_527 = arith.addi %mul3A_525, %add3A_526 : i32
      %dma_wait3A_528 = arith.constant 2 : i32
      %dma_wait3A_529 = arith.constant 0 : i32
      %dma_wait3A_530 = arith.constant 0 : i32
      %dma_wait3A_531 = tpu.memref_slice %arg6[%dma_wait3A_528, %dma_wait3A_529, %dma_wait3A_530] : memref<4x512x32xf32, #tpu.memory_space<vmem>> -> memref<1x512x32xf32, #tpu.memory_space<vmem>>
      %dma_wait3A_532 = tpu.memref_squeeze %dma_wait3A_531 : memref<1x512x32xf32, #tpu.memory_space<vmem>> -> memref<512x32xf32, #tpu.memory_space<vmem>>
      %dma_wait3A_533 = arith.constant 0 : i32
      %dma_wait3A_534 = arith.constant 0 : i32
      %dma_wait3A_535 = tpu.memref_slice %arg3[%dma_wait3A_533, %dma_wait3A_534] : memref<1000000x32xf32, #tpu.memory_space<hbm>> -> memref<512x32xf32, #tpu.memory_space<hbm>>
      %dma_wait3A_536 = arith.constant 0 : i32
      %dma_wait3A_537 = arith.constant 0 : i32
      %dma_wait3A_538 = tpu.memref_slice %arg6[%dma_wait3A_528, %dma_wait3A_536, %dma_wait3A_537] : memref<4x512x32xf32, #tpu.memory_space<vmem>> -> memref<1x512x32xf32, #tpu.memory_space<vmem>>
      %dma_wait3A_539 = tpu.memref_squeeze %dma_wait3A_538 : memref<1x512x32xf32, #tpu.memory_space<vmem>> -> memref<512x32xf32, #tpu.memory_space<vmem>>
      %dma_wait3A_540 = arith.constant 0 : i32
      %dma_wait3A_541 = arith.constant 0 : i32
      %dma_wait3A_542 = tpu.memref_slice %arg3[%dma_wait3A_540, %dma_wait3A_541] : memref<1000000x32xf32, #tpu.memory_space<hbm>> -> memref<512x32xf32, #tpu.memory_space<hbm>>
      tpu.wait_dma2 semaphore(%arg10 : memref<!tpu.dma_semaphore, #tpu.memory_space<semaphore_mem>>) src(%dma_wait3A_542 : memref<512x32xf32, #tpu.memory_space<hbm>>) dst(%dma_wait3A_539 : memref<512x32xf32, #tpu.memory_space<vmem>>)
      %add3A_543 = arith.constant 4 : i32
      %add3A_544 = arith.addi %add3A_527, %add3A_543 : i32
      %lt3A_545 = arith.constant 200 : i32
      %lt3A_546 = arith.cmpi slt, %add3A_544, %lt3A_545 : i32
      %convert_element_type3A_547 = arith.extui %lt3A_546 : i1 to i32
      %cond3A_548 = arith.constant 0 : i32
      %cond3A_549 = arith.cmpi ne, %convert_element_type3A_547, %cond3A_548 : i32
      scf.if %cond3A_549 {
        %add3A_660 = arith.constant 4 : i32
        %add3A_661 = arith.addi %add3A_527, %add3A_660 : i32
        %shift_right_logical3A_662 = arith.constant 3 : i32
        %shift_right_logical3A_663 = arith.shrui %add3A_661, %shift_right_logical3A_662 : i32
        %and3A_664 = arith.constant 7 : i32
        %and3A_665 = arith.andi %add3A_661, %and3A_664 : i32
        %dma_start3A_666 = arith.constant 2 : i32
        %dma_start3A_667 = arith.constant 0 : i32
        %dma_start3A_668 = arith.constant 0 : i32
        %dma_start3A_669 = arith.constant 0 : i32
        %dma_start3A_670 = tpu.memref_slice %arg5[%dma_start3A_666, %dma_start3A_667, %dma_start3A_668, %dma_start3A_669] : memref<4x4x1x128xi32, #tpu.memory_space<vmem>> -> memref<1x4x1x128xi32, #tpu.memory_space<vmem>>
        %dma_start3A_671 = tpu.memref_squeeze %dma_start3A_670 : memref<1x4x1x128xi32, #tpu.memory_space<vmem>> -> memref<4x1x128xi32, #tpu.memory_space<vmem>>
        %dma_start3A_672 = arith.constant 0 : i32
        %dma_start3A_673 = tpu.memref_slice %arg2[%shift_right_logical3A_663, %multiple_of3A, %and3A_665, %dma_start3A_672] : memref<25x128x8x128xi32, #tpu.memory_space<hbm>> -> memref<1x4x1x128xi32, #tpu.memory_space<hbm>>
        %dma_start3A_674 = tpu.memref_squeeze %dma_start3A_673 : memref<1x4x1x128xi32, #tpu.memory_space<hbm>> -> memref<4x1x128xi32, #tpu.memory_space<hbm>>
        %dma_start3A_675 = arith.constant 0 : i32
        %dma_start3A_676 = arith.constant 0 : i32
        %dma_start3A_677 = arith.constant 0 : i32
        %dma_start3A_678 = tpu.memref_slice %arg5[%dma_start3A_666, %dma_start3A_675, %dma_start3A_676, %dma_start3A_677] : memref<4x4x1x128xi32, #tpu.memory_space<vmem>> -> memref<1x4x1x128xi32, #tpu.memory_space<vmem>>
        %dma_start3A_679 = tpu.memref_squeeze %dma_start3A_678 : memref<1x4x1x128xi32, #tpu.memory_space<vmem>> -> memref<4x1x128xi32, #tpu.memory_space<vmem>>
        %dma_start3A_680 = arith.constant 0 : i32
        %dma_start3A_681 = tpu.memref_slice %arg2[%shift_right_logical3A_663, %multiple_of3A, %and3A_665, %dma_start3A_680] : memref<25x128x8x128xi32, #tpu.memory_space<hbm>> -> memref<1x4x1x128xi32, #tpu.memory_space<hbm>>
        %dma_start3A_682 = tpu.memref_squeeze %dma_start3A_681 : memref<1x4x1x128xi32, #tpu.memory_space<hbm>> -> memref<4x1x128xi32, #tpu.memory_space<hbm>>
        tpu.enqueue_dma source(%dma_start3A_682 : memref<4x1x128xi32, #tpu.memory_space<hbm>>) target(%dma_start3A_679 : memref<4x1x128xi32, #tpu.memory_space<vmem>>) target_semaphore(%arg14 : memref<!tpu.dma_semaphore, #tpu.memory_space<semaphore_mem>>)
      } else {
      }
      %add3A_550 = arith.constant 3 : i32
      %add3A_551 = arith.addi %add3A_527, %add3A_550 : i32
      %lt3A_552 = arith.constant 200 : i32
      %lt3A_553 = arith.cmpi slt, %add3A_551, %lt3A_552 : i32
      %convert_element_type3A_554 = arith.extui %lt3A_553 : i1 to i32
      %cond3A_555 = arith.constant 0 : i32
      %cond3A_556 = arith.cmpi ne, %convert_element_type3A_554, %cond3A_555 : i32
      scf.if %cond3A_556 {
        %dma_wait3A_660 = arith.constant 0 : i32
        %dma_wait3A_661 = arith.constant 1 : i32
        %dma_wait3A_662 = arith.constant 0 : i32
        %dma_wait3A_663 = arith.constant 0 : i32
        %dma_wait3A_664 = arith.constant 0 : i32
        %dma_wait3A_665 = tpu.memref_slice %arg5[%dma_wait3A_661, %dma_wait3A_662, %dma_wait3A_663, %dma_wait3A_664] : memref<4x4x1x128xi32, #tpu.memory_space<vmem>> -> memref<1x4x1x128xi32, #tpu.memory_space<vmem>>
        %dma_wait3A_666 = tpu.memref_squeeze %dma_wait3A_665 : memref<1x4x1x128xi32, #tpu.memory_space<vmem>> -> memref<4x1x128xi32, #tpu.memory_space<vmem>>
        %dma_wait3A_667 = arith.constant 0 : i32
        %dma_wait3A_668 = arith.constant 0 : i32
        %dma_wait3A_669 = arith.constant 0 : i32
        %dma_wait3A_670 = tpu.memref_slice %arg2[%dma_wait3A_660, %dma_wait3A_667, %dma_wait3A_668, %dma_wait3A_669] : memref<25x128x8x128xi32, #tpu.memory_space<hbm>> -> memref<1x4x1x128xi32, #tpu.memory_space<hbm>>
        %dma_wait3A_671 = tpu.memref_squeeze %dma_wait3A_670 : memref<1x4x1x128xi32, #tpu.memory_space<hbm>> -> memref<4x1x128xi32, #tpu.memory_space<hbm>>
        %dma_wait3A_672 = arith.constant 0 : i32
        %dma_wait3A_673 = arith.constant 0 : i32
        %dma_wait3A_674 = arith.constant 0 : i32
        %dma_wait3A_675 = tpu.memref_slice %arg5[%dma_wait3A_661, %dma_wait3A_672, %dma_wait3A_673, %dma_wait3A_674] : memref<4x4x1x128xi32, #tpu.memory_space<vmem>> -> memref<1x4x1x128xi32, #tpu.memory_space<vmem>>
        %dma_wait3A_676 = tpu.memref_squeeze %dma_wait3A_675 : memref<1x4x1x128xi32, #tpu.memory_space<vmem>> -> memref<4x1x128xi32, #tpu.memory_space<vmem>>
        %dma_wait3A_677 = arith.constant 0 : i32
        %dma_wait3A_678 = arith.constant 0 : i32
        %dma_wait3A_679 = arith.constant 0 : i32
        %dma_wait3A_680 = tpu.memref_slice %arg2[%dma_wait3A_660, %dma_wait3A_677, %dma_wait3A_678, %dma_wait3A_679] : memref<25x128x8x128xi32, #tpu.memory_space<hbm>> -> memref<1x4x1x128xi32, #tpu.memory_space<hbm>>
        %dma_wait3A_681 = tpu.memref_squeeze %dma_wait3A_680 : memref<1x4x1x128xi32, #tpu.memory_space<hbm>> -> memref<4x1x128xi32, #tpu.memory_space<hbm>>
        tpu.wait_dma2 semaphore(%arg13 : memref<!tpu.dma_semaphore, #tpu.memory_space<semaphore_mem>>) src(%dma_wait3A_681 : memref<4x1x128xi32, #tpu.memory_space<hbm>>) dst(%dma_wait3A_676 : memref<4x1x128xi32, #tpu.memory_space<vmem>>)
        %dma_start3A_682 = arith.constant 1 : i32
        %dma_start3A_683 = arith.constant 0 : i32
        %dma_start3A_684 = arith.constant 0 : i32
        %dma_start3A_685 = arith.constant 1 : i32
        %dma_start3A_686 = arith.constant 0 : i32
        %dma_start3A_687 = arith.constant 0 : i32
        %dma_start3A_688 = tpu.memref_slice %arg6[%dma_start3A_685, %dma_start3A_686, %dma_start3A_687] : memref<4x512x32xf32, #tpu.memory_space<vmem>> -> memref<1x128x32xf32, #tpu.memory_space<vmem>>
        %dma_start3A_689 = tpu.memref_squeeze %dma_start3A_688 : memref<1x128x32xf32, #tpu.memory_space<vmem>> -> memref<128x32xf32, #tpu.memory_space<vmem>>
        %dma_start3A_690 = arith.constant 0 : i32
        %dma_start3A_691 = tpu.memref_slice %arg5[%dma_start3A_682, %dma_start3A_683, %dma_start3A_684, %dma_start3A_690] : memref<4x4x1x128xi32, #tpu.memory_space<vmem>> -> memref<1x1x1x128xi32, #tpu.memory_space<vmem>>
        %dma_start3A_692 = tpu.memref_squeeze %dma_start3A_691 : memref<1x1x1x128xi32, #tpu.memory_space<vmem>> -> memref<128xi32, #tpu.memory_space<vmem>>
        %dma_start3A_693 = arith.constant 0 : i32
        %dma_start3A_694 = arith.constant 0 : i32
        %dma_start3A_695 = tpu.memref_slice %arg3[%dma_start3A_693, %dma_start3A_694] : memref<1000000x32xf32, #tpu.memory_space<hbm>> -> memref<1000000x32xf32, #tpu.memory_space<hbm>>
        tpu.enqueue_indirect_dma source(%dma_start3A_695 : memref<1000000x32xf32, #tpu.memory_space<hbm>>) target(%dma_start3A_689 : memref<128x32xf32, #tpu.memory_space<vmem>>) offsets(%dma_start3A_692 : memref<128xi32, #tpu.memory_space<vmem>>) semaphore(%arg9 : memref<!tpu.dma_semaphore, #tpu.memory_space<semaphore_mem>>)
        %dma_start3A_696 = arith.constant 1 : i32
        %dma_start3A_697 = arith.constant 1 : i32
        %dma_start3A_698 = arith.constant 0 : i32
        %dma_start3A_699 = arith.constant 1 : i32
        %dma_start3A_700 = arith.constant 128 : i32
        %dma_start3A_701 = arith.constant 0 : i32
        %dma_start3A_702 = tpu.memref_slice %arg6[%dma_start3A_699, %dma_start3A_700, %dma_start3A_701] : memref<4x512x32xf32, #tpu.memory_space<vmem>> -> memref<1x128x32xf32, #tpu.memory_space<vmem>>
        %dma_start3A_703 = tpu.memref_squeeze %dma_start3A_702 : memref<1x128x32xf32, #tpu.memory_space<vmem>> -> memref<128x32xf32, #tpu.memory_space<vmem>>
        %dma_start3A_704 = arith.constant 0 : i32
        %dma_start3A_705 = tpu.memref_slice %arg5[%dma_start3A_696, %dma_start3A_697, %dma_start3A_698, %dma_start3A_704] : memref<4x4x1x128xi32, #tpu.memory_space<vmem>> -> memref<1x1x1x128xi32, #tpu.memory_space<vmem>>
        %dma_start3A_706 = tpu.memref_squeeze %dma_start3A_705 : memref<1x1x1x128xi32, #tpu.memory_space<vmem>> -> memref<128xi32, #tpu.memory_space<vmem>>
        %dma_start3A_707 = arith.constant 0 : i32
        %dma_start3A_708 = arith.constant 0 : i32
        %dma_start3A_709 = tpu.memref_slice %arg3[%dma_start3A_707, %dma_start3A_708] : memref<1000000x32xf32, #tpu.memory_space<hbm>> -> memref<1000000x32xf32, #tpu.memory_space<hbm>>
        tpu.enqueue_indirect_dma source(%dma_start3A_709 : memref<1000000x32xf32, #tpu.memory_space<hbm>>) target(%dma_start3A_703 : memref<128x32xf32, #tpu.memory_space<vmem>>) offsets(%dma_start3A_706 : memref<128xi32, #tpu.memory_space<vmem>>) semaphore(%arg9 : memref<!tpu.dma_semaphore, #tpu.memory_space<semaphore_mem>>)
        %dma_start3A_710 = arith.constant 1 : i32
        %dma_start3A_711 = arith.constant 2 : i32
        %dma_start3A_712 = arith.constant 0 : i32
        %dma_start3A_713 = arith.constant 1 : i32
        %dma_start3A_714 = arith.constant 256 : i32
        %dma_start3A_715 = arith.constant 0 : i32
        %dma_start3A_716 = tpu.memref_slice %arg6[%dma_start3A_713, %dma_start3A_714, %dma_start3A_715] : memref<4x512x32xf32, #tpu.memory_space<vmem>> -> memref<1x128x32xf32, #tpu.memory_space<vmem>>
        %dma_start3A_717 = tpu.memref_squeeze %dma_start3A_716 : memref<1x128x32xf32, #tpu.memory_space<vmem>> -> memref<128x32xf32, #tpu.memory_space<vmem>>
        %dma_start3A_718 = arith.constant 0 : i32
        %dma_start3A_719 = tpu.memref_slice %arg5[%dma_start3A_710, %dma_start3A_711, %dma_start3A_712, %dma_start3A_718] : memref<4x4x1x128xi32, #tpu.memory_space<vmem>> -> memref<1x1x1x128xi32, #tpu.memory_space<vmem>>
        %dma_start3A_720 = tpu.memref_squeeze %dma_start3A_719 : memref<1x1x1x128xi32, #tpu.memory_space<vmem>> -> memref<128xi32, #tpu.memory_space<vmem>>
        %dma_start3A_721 = arith.constant 0 : i32
        %dma_start3A_722 = arith.constant 0 : i32
        %dma_start3A_723 = tpu.memref_slice %arg3[%dma_start3A_721, %dma_start3A_722] : memref<1000000x32xf32, #tpu.memory_space<hbm>> -> memref<1000000x32xf32, #tpu.memory_space<hbm>>
        tpu.enqueue_indirect_dma source(%dma_start3A_723 : memref<1000000x32xf32, #tpu.memory_space<hbm>>) target(%dma_start3A_717 : memref<128x32xf32, #tpu.memory_space<vmem>>) offsets(%dma_start3A_720 : memref<128xi32, #tpu.memory_space<vmem>>) semaphore(%arg9 : memref<!tpu.dma_semaphore, #tpu.memory_space<semaphore_mem>>)
        %dma_start3A_724 = arith.constant 1 : i32
        %dma_start3A_725 = arith.constant 3 : i32
        %dma_start3A_726 = arith.constant 0 : i32
        %dma_start3A_727 = arith.constant 1 : i32
        %dma_start3A_728 = arith.constant 384 : i32
        %dma_start3A_729 = arith.constant 0 : i32
        %dma_start3A_730 = tpu.memref_slice %arg6[%dma_start3A_727, %dma_start3A_728, %dma_start3A_729] : memref<4x512x32xf32, #tpu.memory_space<vmem>> -> memref<1x128x32xf32, #tpu.memory_space<vmem>>
        %dma_start3A_731 = tpu.memref_squeeze %dma_start3A_730 : memref<1x128x32xf32, #tpu.memory_space<vmem>> -> memref<128x32xf32, #tpu.memory_space<vmem>>
        %dma_start3A_732 = arith.constant 0 : i32
        %dma_start3A_733 = tpu.memref_slice %arg5[%dma_start3A_724, %dma_start3A_725, %dma_start3A_726, %dma_start3A_732] : memref<4x4x1x128xi32, #tpu.memory_space<vmem>> -> memref<1x1x1x128xi32, #tpu.memory_space<vmem>>
        %dma_start3A_734 = tpu.memref_squeeze %dma_start3A_733 : memref<1x1x1x128xi32, #tpu.memory_space<vmem>> -> memref<128xi32, #tpu.memory_space<vmem>>
        %dma_start3A_735 = arith.constant 0 : i32
        %dma_start3A_736 = arith.constant 0 : i32
        %dma_start3A_737 = tpu.memref_slice %arg3[%dma_start3A_735, %dma_start3A_736] : memref<1000000x32xf32, #tpu.memory_space<hbm>> -> memref<1000000x32xf32, #tpu.memory_space<hbm>>
        tpu.enqueue_indirect_dma source(%dma_start3A_737 : memref<1000000x32xf32, #tpu.memory_space<hbm>>) target(%dma_start3A_731 : memref<128x32xf32, #tpu.memory_space<vmem>>) offsets(%dma_start3A_734 : memref<128xi32, #tpu.memory_space<vmem>>) semaphore(%arg9 : memref<!tpu.dma_semaphore, #tpu.memory_space<semaphore_mem>>)
      } else {
      }
      %ge3A_557 = arith.constant 2 : i32
      %ge3A_558 = arith.cmpi sge, %add3A_527, %ge3A_557 : i32
      %convert_element_type3A_559 = arith.extui %ge3A_558 : i1 to i32
      %cond3A_560 = arith.constant 0 : i32
      %cond3A_561 = arith.cmpi ne, %convert_element_type3A_559, %cond3A_560 : i32
      scf.if %cond3A_561 {
        %dma_wait3A_660 = arith.constant 0 : i32
        %dma_wait3A_661 = arith.constant 0 : i32
        %dma_wait3A_662 = arith.constant 0 : i32
        %dma_wait3A_663 = arith.constant 0 : i32
        %dma_wait3A_664 = arith.constant 0 : i32
        %dma_wait3A_665 = arith.constant 0 : i32
        %dma_wait3A_666 = tpu.memref_slice %arg7[%dma_wait3A_661, %dma_wait3A_662, %dma_wait3A_663, %dma_wait3A_664, %dma_wait3A_665] : memref<2x4x4x8x129xf32, #tpu.memory_space<vmem>> -> memref<1x4x4x8x128xf32, #tpu.memory_space<vmem>>
        %dma_wait3A_667 = tpu.memref_squeeze %dma_wait3A_666 : memref<1x4x4x8x128xf32, #tpu.memory_space<vmem>> -> memref<4x4x8x128xf32, #tpu.memory_space<vmem>>
        %dma_wait3A_668 = arith.constant 0 : i32
        %dma_wait3A_669 = arith.constant 0 : i32
        %dma_wait3A_670 = arith.constant 0 : i32
        %dma_wait3A_671 = arith.constant 0 : i32
        %dma_wait3A_672 = tpu.memref_slice %arg4[%dma_wait3A_660, %dma_wait3A_668, %dma_wait3A_669, %dma_wait3A_670, %dma_wait3A_671] : memref<200x4x128x8x128xf32, #tpu.memory_space<hbm>> -> memref<1x4x4x8x128xf32, #tpu.memory_space<hbm>>
        %dma_wait3A_673 = tpu.memref_squeeze %dma_wait3A_672 : memref<1x4x4x8x128xf32, #tpu.memory_space<hbm>> -> memref<4x4x8x128xf32, #tpu.memory_space<hbm>>
        %dma_wait3A_674 = arith.constant 0 : i32
        %dma_wait3A_675 = arith.constant 0 : i32
        %dma_wait3A_676 = arith.constant 0 : i32
        %dma_wait3A_677 = arith.constant 0 : i32
        %dma_wait3A_678 = tpu.memref_slice %arg7[%dma_wait3A_661, %dma_wait3A_674, %dma_wait3A_675, %dma_wait3A_676, %dma_wait3A_677] : memref<2x4x4x8x129xf32, #tpu.memory_space<vmem>> -> memref<1x4x4x8x128xf32, #tpu.memory_space<vmem>>
        %dma_wait3A_679 = tpu.memref_squeeze %dma_wait3A_678 : memref<1x4x4x8x128xf32, #tpu.memory_space<vmem>> -> memref<4x4x8x128xf32, #tpu.memory_space<vmem>>
        %dma_wait3A_680 = arith.constant 0 : i32
        %dma_wait3A_681 = arith.constant 0 : i32
        %dma_wait3A_682 = arith.constant 0 : i32
        %dma_wait3A_683 = arith.constant 0 : i32
        %dma_wait3A_684 = tpu.memref_slice %arg4[%dma_wait3A_660, %dma_wait3A_680, %dma_wait3A_681, %dma_wait3A_682, %dma_wait3A_683] : memref<200x4x128x8x128xf32, #tpu.memory_space<hbm>> -> memref<1x4x4x8x128xf32, #tpu.memory_space<hbm>>
        %dma_wait3A_685 = tpu.memref_squeeze %dma_wait3A_684 : memref<1x4x4x8x128xf32, #tpu.memory_space<hbm>> -> memref<4x4x8x128xf32, #tpu.memory_space<hbm>>
        tpu.wait_dma2 semaphore(%arg16 : memref<!tpu.dma_semaphore, #tpu.memory_space<semaphore_mem>>) src(%dma_wait3A_685 : memref<4x4x8x128xf32, #tpu.memory_space<hbm>>) dst(%dma_wait3A_679 : memref<4x4x8x128xf32, #tpu.memory_space<vmem>>)
      } else {
      }
      %scan3A_562 = arith.constant 0 : i32
      %scan3A_563 = arith.constant 0 : i32
      %scan3A_564 = arith.constant 0 : i32
      %scan3A_565 = arith.constant 4 : i32
      %scan3A_566 = arith.addi %scan3A_564, %scan3A_565 : i32
      %scan3A_567 = arith.constant 1 : i32
      scf.for %scan3A_660 = %scan3A_564 to %scan3A_566 step %scan3A_567  : i32 {
        %broadcast_in_dim3A = vector.broadcast %scan3A_660 : i32 to vector<16xi32>
        %mul3A_661 = arith.constant 128 : i32
        %mul3A_662 = arith.muli %scan3A_660, %mul3A_661 : i32
        %scan3A_663 = arith.constant 0 : i32
        %scan3A_664 = arith.constant 0 : i32
        %scan3A_665 = arith.constant 128 : i32
        %scan3A_666 = arith.addi %scan3A_664, %scan3A_665 : i32
        %scan3A_667 = arith.constant 4 : i32
        scf.for %scan3A_669 = %scan3A_664 to %scan3A_666 step %scan3A_667  : i32 {
          %add3A_670 = arith.addi %mul3A_662, %scan3A_669 : i32
          %get3A = arith.constant 2 : i32
          %get3A_671 = arith.index_cast %get3A : i32 to index
          %get3A_672 = arith.index_cast %add3A_670 : i32 to index
          %get3A_673 = arith.constant 0 : index
          %get3A_674 = tpu.vector_load %arg6[%get3A_671, %get3A_672, %get3A_673] {strides = array<i32>} : memref<4x512x32xf32, #tpu.memory_space<vmem>>, vector<16xf32>,
          %mul3A_675 = arith.constant 5.65685415 : f32
          %mul3A_676 = vector.broadcast %mul3A_675 : f32 to vector<16xf32>
          %mul3A_677 = arith.mulf %get3A_674, %mul3A_676 : vector<16xf32>
          %get3A_678 = arith.constant 2 : i32
          %get3A_679 = arith.index_cast %get3A_678 : i32 to index
          %get3A_680 = arith.index_cast %add3A_670 : i32 to index
          %get3A_681 = arith.constant 16 : index
          %get3A_682 = tpu.vector_load %arg6[%get3A_679, %get3A_680, %get3A_681] {strides = array<i32>} : memref<4x512x32xf32, #tpu.memory_space<vmem>>, vector<16xf32>,
          %mul3A_683 = arith.constant 5.65685415 : f32
          %mul3A_684 = vector.broadcast %mul3A_683 : f32 to vector<16xf32>
          %mul3A_685 = arith.mulf %get3A_682, %mul3A_684 : vector<16xf32>
          %broadcast_in_dim3A_686 = vector.broadcast %scan3A_669 : i32 to vector<16xi32>
          %scatter3A = arith.constant 0 : i32
          %scatter3A_687 = arith.constant 0 : i32
          %scatter3A_688 = arith.constant 0 : i32
          %scatter3A_689 = arith.constant 0 : i32
          %scatter3A_690 = tpu.memref_slice %arg7[%scan3A_563, %scatter3A, %scatter3A_687, %scatter3A_688, %scatter3A_689] : memref<2x4x4x8x129xf32, #tpu.memory_space<vmem>> -> memref<1x4x4x8x129xf32, #tpu.memory_space<vmem>>
          %scatter3A_691 = tpu.memref_squeeze %scatter3A_690 : memref<1x4x4x8x129xf32, #tpu.memory_space<vmem>> -> memref<4x4x8x129xf32, #tpu.memory_space<vmem>>
          tpu.vector_store_idx %scatter3A_691[%shift_right_logical3A_4, %broadcast_in_dim3A, %and3A_9, %broadcast_in_dim3A_686], %mul3A_677 : memref<4x4x8x129xf32, #tpu.memory_space<vmem>>[vector<16xi32>, vector<16xi32>, vector<16xi32>, vector<16xi32>], vector<16xf32>,
          %scatter3A_692 = arith.constant 0 : i32
          %scatter3A_693 = arith.constant 0 : i32
          %scatter3A_694 = arith.constant 0 : i32
          %scatter3A_695 = arith.constant 0 : i32
          %scatter3A_696 = tpu.memref_slice %arg7[%scan3A_563, %scatter3A_692, %scatter3A_693, %scatter3A_694, %scatter3A_695] : memref<2x4x4x8x129xf32, #tpu.memory_space<vmem>> -> memref<1x4x4x8x129xf32, #tpu.memory_space<vmem>>
          %scatter3A_697 = tpu.memref_squeeze %scatter3A_696 : memref<1x4x4x8x129xf32, #tpu.memory_space<vmem>> -> memref<4x4x8x129xf32, #tpu.memory_space<vmem>>
          tpu.vector_store_idx %scatter3A_697[%add3A_7, %broadcast_in_dim3A, %and3A_9, %broadcast_in_dim3A_686], %mul3A_685 : memref<4x4x8x129xf32, #tpu.memory_space<vmem>>[vector<16xi32>, vector<16xi32>, vector<16xi32>, vector<16xi32>], vector<16xf32>,
          %scan3A_698 = arith.constant 1 : i32
          %scan3A_699 = arith.addi %scan3A_669, %scan3A_698 : i32
          %add3A_700 = arith.addi %mul3A_662, %scan3A_699 : i32
          %get3A_701 = arith.constant 2 : i32
          %get3A_702 = arith.index_cast %get3A_701 : i32 to index
          %get3A_703 = arith.index_cast %add3A_700 : i32 to index
          %get3A_704 = arith.constant 0 : index
          %get3A_705 = tpu.vector_load %arg6[%get3A_702, %get3A_703, %get3A_704] {strides = array<i32>} : memref<4x512x32xf32, #tpu.memory_space<vmem>>, vector<16xf32>,
          %mul3A_706 = arith.constant 5.65685415 : f32
          %mul3A_707 = vector.broadcast %mul3A_706 : f32 to vector<16xf32>
          %mul3A_708 = arith.mulf %get3A_705, %mul3A_707 : vector<16xf32>
          %get3A_709 = arith.constant 2 : i32
          %get3A_710 = arith.index_cast %get3A_709 : i32 to index
          %get3A_711 = arith.index_cast %add3A_700 : i32 to index
          %get3A_712 = arith.constant 16 : index
          %get3A_713 = tpu.vector_load %arg6[%get3A_710, %get3A_711, %get3A_712] {strides = array<i32>} : memref<4x512x32xf32, #tpu.memory_space<vmem>>, vector<16xf32>,
          %mul3A_714 = arith.constant 5.65685415 : f32
          %mul3A_715 = vector.broadcast %mul3A_714 : f32 to vector<16xf32>
          %mul3A_716 = arith.mulf %get3A_713, %mul3A_715 : vector<16xf32>
          %broadcast_in_dim3A_717 = vector.broadcast %scan3A_699 : i32 to vector<16xi32>
          %scatter3A_718 = arith.constant 0 : i32
          %scatter3A_719 = arith.constant 0 : i32
          %scatter3A_720 = arith.constant 0 : i32
          %scatter3A_721 = arith.constant 0 : i32
          %scatter3A_722 = tpu.memref_slice %arg7[%scan3A_563, %scatter3A_718, %scatter3A_719, %scatter3A_720, %scatter3A_721] : memref<2x4x4x8x129xf32, #tpu.memory_space<vmem>> -> memref<1x4x4x8x129xf32, #tpu.memory_space<vmem>>
          %scatter3A_723 = tpu.memref_squeeze %scatter3A_722 : memref<1x4x4x8x129xf32, #tpu.memory_space<vmem>> -> memref<4x4x8x129xf32, #tpu.memory_space<vmem>>
          tpu.vector_store_idx %scatter3A_723[%shift_right_logical3A_4, %broadcast_in_dim3A, %and3A_9, %broadcast_in_dim3A_717], %mul3A_708 : memref<4x4x8x129xf32, #tpu.memory_space<vmem>>[vector<16xi32>, vector<16xi32>, vector<16xi32>, vector<16xi32>], vector<16xf32>,
          %scatter3A_724 = arith.constant 0 : i32
          %scatter3A_725 = arith.constant 0 : i32
          %scatter3A_726 = arith.constant 0 : i32
          %scatter3A_727 = arith.constant 0 : i32
          %scatter3A_728 = tpu.memref_slice %arg7[%scan3A_563, %scatter3A_724, %scatter3A_725, %scatter3A_726, %scatter3A_727] : memref<2x4x4x8x129xf32, #tpu.memory_space<vmem>> -> memref<1x4x4x8x129xf32, #tpu.memory_space<vmem>>
          %scatter3A_729 = tpu.memref_squeeze %scatter3A_728 : memref<1x4x4x8x129xf32, #tpu.memory_space<vmem>> -> memref<4x4x8x129xf32, #tpu.memory_space<vmem>>
          tpu.vector_store_idx %scatter3A_729[%add3A_7, %broadcast_in_dim3A, %and3A_9, %broadcast_in_dim3A_717], %mul3A_716 : memref<4x4x8x129xf32, #tpu.memory_space<vmem>>[vector<16xi32>, vector<16xi32>, vector<16xi32>, vector<16xi32>], vector<16xf32>,
          %scan3A_730 = arith.constant 2 : i32
          %scan3A_731 = arith.addi %scan3A_669, %scan3A_730 : i32
          %add3A_732 = arith.addi %mul3A_662, %scan3A_731 : i32
          %get3A_733 = arith.constant 2 : i32
          %get3A_734 = arith.index_cast %get3A_733 : i32 to index
          %get3A_735 = arith.index_cast %add3A_732 : i32 to index
          %get3A_736 = arith.constant 0 : index
          %get3A_737 = tpu.vector_load %arg6[%get3A_734, %get3A_735, %get3A_736] {strides = array<i32>} : memref<4x512x32xf32, #tpu.memory_space<vmem>>, vector<16xf32>,
          %mul3A_738 = arith.constant 5.65685415 : f32
          %mul3A_739 = vector.broadcast %mul3A_738 : f32 to vector<16xf32>
          %mul3A_740 = arith.mulf %get3A_737, %mul3A_739 : vector<16xf32>
          %get3A_741 = arith.constant 2 : i32
          %get3A_742 = arith.index_cast %get3A_741 : i32 to index
          %get3A_743 = arith.index_cast %add3A_732 : i32 to index
          %get3A_744 = arith.constant 16 : index
          %get3A_745 = tpu.vector_load %arg6[%get3A_742, %get3A_743, %get3A_744] {strides = array<i32>} : memref<4x512x32xf32, #tpu.memory_space<vmem>>, vector<16xf32>,
          %mul3A_746 = arith.constant 5.65685415 : f32
          %mul3A_747 = vector.broadcast %mul3A_746 : f32 to vector<16xf32>
          %mul3A_748 = arith.mulf %get3A_745, %mul3A_747 : vector<16xf32>
          %broadcast_in_dim3A_749 = vector.broadcast %scan3A_731 : i32 to vector<16xi32>
          %scatter3A_750 = arith.constant 0 : i32
          %scatter3A_751 = arith.constant 0 : i32
          %scatter3A_752 = arith.constant 0 : i32
          %scatter3A_753 = arith.constant 0 : i32
          %scatter3A_754 = tpu.memref_slice %arg7[%scan3A_563, %scatter3A_750, %scatter3A_751, %scatter3A_752, %scatter3A_753] : memref<2x4x4x8x129xf32, #tpu.memory_space<vmem>> -> memref<1x4x4x8x129xf32, #tpu.memory_space<vmem>>
          %scatter3A_755 = tpu.memref_squeeze %scatter3A_754 : memref<1x4x4x8x129xf32, #tpu.memory_space<vmem>> -> memref<4x4x8x129xf32, #tpu.memory_space<vmem>>
          tpu.vector_store_idx %scatter3A_755[%shift_right_logical3A_4, %broadcast_in_dim3A, %and3A_9, %broadcast_in_dim3A_749], %mul3A_740 : memref<4x4x8x129xf32, #tpu.memory_space<vmem>>[vector<16xi32>, vector<16xi32>, vector<16xi32>, vector<16xi32>], vector<16xf32>,
          %scatter3A_756 = arith.constant 0 : i32
          %scatter3A_757 = arith.constant 0 : i32
          %scatter3A_758 = arith.constant 0 : i32
          %scatter3A_759 = arith.constant 0 : i32
          %scatter3A_760 = tpu.memref_slice %arg7[%scan3A_563, %scatter3A_756, %scatter3A_757, %scatter3A_758, %scatter3A_759] : memref<2x4x4x8x129xf32, #tpu.memory_space<vmem>> -> memref<1x4x4x8x129xf32, #tpu.memory_space<vmem>>
          %scatter3A_761 = tpu.memref_squeeze %scatter3A_760 : memref<1x4x4x8x129xf32, #tpu.memory_space<vmem>> -> memref<4x4x8x129xf32, #tpu.memory_space<vmem>>
          tpu.vector_store_idx %scatter3A_761[%add3A_7, %broadcast_in_dim3A, %and3A_9, %broadcast_in_dim3A_749], %mul3A_748 : memref<4x4x8x129xf32, #tpu.memory_space<vmem>>[vector<16xi32>, vector<16xi32>, vector<16xi32>, vector<16xi32>], vector<16xf32>,
          %scan3A_762 = arith.constant 3 : i32
          %scan3A_763 = arith.addi %scan3A_669, %scan3A_762 : i32
          %add3A_764 = arith.addi %mul3A_662, %scan3A_763 : i32
          %get3A_765 = arith.constant 2 : i32
          %get3A_766 = arith.index_cast %get3A_765 : i32 to index
          %get3A_767 = arith.index_cast %add3A_764 : i32 to index
          %get3A_768 = arith.constant 0 : index
          %get3A_769 = tpu.vector_load %arg6[%get3A_766, %get3A_767, %get3A_768] {strides = array<i32>} : memref<4x512x32xf32, #tpu.memory_space<vmem>>, vector<16xf32>,
          %mul3A_770 = arith.constant 5.65685415 : f32
          %mul3A_771 = vector.broadcast %mul3A_770 : f32 to vector<16xf32>
          %mul3A_772 = arith.mulf %get3A_769, %mul3A_771 : vector<16xf32>
          %get3A_773 = arith.constant 2 : i32
          %get3A_774 = arith.index_cast %get3A_773 : i32 to index
          %get3A_775 = arith.index_cast %add3A_764 : i32 to index
          %get3A_776 = arith.constant 16 : index
          %get3A_777 = tpu.vector_load %arg6[%get3A_774, %get3A_775, %get3A_776] {strides = array<i32>} : memref<4x512x32xf32, #tpu.memory_space<vmem>>, vector<16xf32>,
          %mul3A_778 = arith.constant 5.65685415 : f32
          %mul3A_779 = vector.broadcast %mul3A_778 : f32 to vector<16xf32>
          %mul3A_780 = arith.mulf %get3A_777, %mul3A_779 : vector<16xf32>
          %broadcast_in_dim3A_781 = vector.broadcast %scan3A_763 : i32 to vector<16xi32>
          %scatter3A_782 = arith.constant 0 : i32
          %scatter3A_783 = arith.constant 0 : i32
          %scatter3A_784 = arith.constant 0 : i32
          %scatter3A_785 = arith.constant 0 : i32
          %scatter3A_786 = tpu.memref_slice %arg7[%scan3A_563, %scatter3A_782, %scatter3A_783, %scatter3A_784, %scatter3A_785] : memref<2x4x4x8x129xf32, #tpu.memory_space<vmem>> -> memref<1x4x4x8x129xf32, #tpu.memory_space<vmem>>
          %scatter3A_787 = tpu.memref_squeeze %scatter3A_786 : memref<1x4x4x8x129xf32, #tpu.memory_space<vmem>> -> memref<4x4x8x129xf32, #tpu.memory_space<vmem>>
          tpu.vector_store_idx %scatter3A_787[%shift_right_logical3A_4, %broadcast_in_dim3A, %and3A_9, %broadcast_in_dim3A_781], %mul3A_772 : memref<4x4x8x129xf32, #tpu.memory_space<vmem>>[vector<16xi32>, vector<16xi32>, vector<16xi32>, vector<16xi32>], vector<16xf32>,
          %scatter3A_788 = arith.constant 0 : i32
          %scatter3A_789 = arith.constant 0 : i32
          %scatter3A_790 = arith.constant 0 : i32
          %scatter3A_791 = arith.constant 0 : i32
          %scatter3A_792 = tpu.memref_slice %arg7[%scan3A_563, %scatter3A_788, %scatter3A_789, %scatter3A_790, %scatter3A_791] : memref<2x4x4x8x129xf32, #tpu.memory_space<vmem>> -> memref<1x4x4x8x129xf32, #tpu.memory_space<vmem>>
          %scatter3A_793 = tpu.memref_squeeze %scatter3A_792 : memref<1x4x4x8x129xf32, #tpu.memory_space<vmem>> -> memref<4x4x8x129xf32, #tpu.memory_space<vmem>>
          tpu.vector_store_idx %scatter3A_793[%add3A_7, %broadcast_in_dim3A, %and3A_9, %broadcast_in_dim3A_781], %mul3A_780 : memref<4x4x8x129xf32, #tpu.memory_space<vmem>>[vector<16xi32>, vector<16xi32>, vector<16xi32>, vector<16xi32>], vector<16xf32>,
        }
        %scan3A_668 = arith.constant 128 : i32
      }
      %scan3A_568 = arith.constant 4 : i32
      %dma_start3A_569 = arith.constant 0 : i32
      %dma_start3A_570 = arith.constant 0 : i32
      %dma_start3A_571 = arith.constant 0 : i32
      %dma_start3A_572 = arith.constant 0 : i32
      %dma_start3A_573 = arith.constant 0 : i32
      %dma_start3A_574 = tpu.memref_slice %arg7[%dma_start3A_569, %dma_start3A_570, %dma_start3A_571, %dma_start3A_572, %dma_start3A_573] : memref<2x4x4x8x129xf32, #tpu.memory_space<vmem>> -> memref<1x4x4x8x128xf32, #tpu.memory_space<vmem>>
      %dma_start3A_575 = tpu.memref_squeeze %dma_start3A_574 : memref<1x4x4x8x128xf32, #tpu.memory_space<vmem>> -> memref<4x4x8x128xf32, #tpu.memory_space<vmem>>
      %dma_start3A_576 = arith.constant 0 : i32
      %dma_start3A_577 = arith.constant 0 : i32
      %dma_start3A_578 = arith.constant 0 : i32
      %dma_start3A_579 = tpu.memref_slice %arg4[%add3A_527, %dma_start3A_576, %multiple_of3A, %dma_start3A_577, %dma_start3A_578] : memref<200x4x128x8x128xf32, #tpu.memory_space<hbm>> -> memref<1x4x4x8x128xf32, #tpu.memory_space<hbm>>
      %dma_start3A_580 = tpu.memref_squeeze %dma_start3A_579 : memref<1x4x4x8x128xf32, #tpu.memory_space<hbm>> -> memref<4x4x8x128xf32, #tpu.memory_space<hbm>>
      %dma_start3A_581 = arith.constant 0 : i32
      %dma_start3A_582 = arith.constant 0 : i32
      %dma_start3A_583 = arith.constant 0 : i32
      %dma_start3A_584 = tpu.memref_slice %arg4[%add3A_527, %dma_start3A_581, %multiple_of3A, %dma_start3A_582, %dma_start3A_583] : memref<200x4x128x8x128xf32, #tpu.memory_space<hbm>> -> memref<1x4x4x8x128xf32, #tpu.memory_space<hbm>>
      %dma_start3A_585 = tpu.memref_squeeze %dma_start3A_584 : memref<1x4x4x8x128xf32, #tpu.memory_space<hbm>> -> memref<4x4x8x128xf32, #tpu.memory_space<hbm>>
      %dma_start3A_586 = arith.constant 0 : i32
      %dma_start3A_587 = arith.constant 0 : i32
      %dma_start3A_588 = arith.constant 0 : i32
      %dma_start3A_589 = arith.constant 0 : i32
      %dma_start3A_590 = tpu.memref_slice %arg7[%dma_start3A_569, %dma_start3A_586, %dma_start3A_587, %dma_start3A_588, %dma_start3A_589] : memref<2x4x4x8x129xf32, #tpu.memory_space<vmem>> -> memref<1x4x4x8x128xf32, #tpu.memory_space<vmem>>
      %dma_start3A_591 = tpu.memref_squeeze %dma_start3A_590 : memref<1x4x4x8x128xf32, #tpu.memory_space<vmem>> -> memref<4x4x8x128xf32, #tpu.memory_space<vmem>>
      tpu.enqueue_dma source(%dma_start3A_591 : memref<4x4x8x128xf32, #tpu.memory_space<vmem>>) target(%dma_start3A_585 : memref<4x4x8x128xf32, #tpu.memory_space<hbm>>) target_semaphore(%arg16 : memref<!tpu.dma_semaphore, #tpu.memory_space<semaphore_mem>>)
      %mul3A_592 = arith.constant 4 : i32
      %mul3A_593 = arith.muli %scan3A_391, %mul3A_592 : i32
      %add3A_594 = arith.constant 3 : i32
      %add3A_595 = arith.addi %mul3A_593, %add3A_594 : i32
      %dma_wait3A_596 = arith.constant 3 : i32
      %dma_wait3A_597 = arith.constant 0 : i32
      %dma_wait3A_598 = arith.constant 0 : i32
      %dma_wait3A_599 = tpu.memref_slice %arg6[%dma_wait3A_596, %dma_wait3A_597, %dma_wait3A_598] : memref<4x512x32xf32, #tpu.memory_space<vmem>> -> memref<1x512x32xf32, #tpu.memory_space<vmem>>
      %dma_wait3A_600 = tpu.memref_squeeze %dma_wait3A_599 : memref<1x512x32xf32, #tpu.memory_space<vmem>> -> memref<512x32xf32, #tpu.memory_space<vmem>>
      %dma_wait3A_601 = arith.constant 0 : i32
      %dma_wait3A_602 = arith.constant 0 : i32
      %dma_wait3A_603 = tpu.memref_slice %arg3[%dma_wait3A_601, %dma_wait3A_602] : memref<1000000x32xf32, #tpu.memory_space<hbm>> -> memref<512x32xf32, #tpu.memory_space<hbm>>
      %dma_wait3A_604 = arith.constant 0 : i32
      %dma_wait3A_605 = arith.constant 0 : i32
      %dma_wait3A_606 = tpu.memref_slice %arg6[%dma_wait3A_596, %dma_wait3A_604, %dma_wait3A_605] : memref<4x512x32xf32, #tpu.memory_space<vmem>> -> memref<1x512x32xf32, #tpu.memory_space<vmem>>
      %dma_wait3A_607 = tpu.memref_squeeze %dma_wait3A_606 : memref<1x512x32xf32, #tpu.memory_space<vmem>> -> memref<512x32xf32, #tpu.memory_space<vmem>>
      %dma_wait3A_608 = arith.constant 0 : i32
      %dma_wait3A_609 = arith.constant 0 : i32
      %dma_wait3A_610 = tpu.memref_slice %arg3[%dma_wait3A_608, %dma_wait3A_609] : memref<1000000x32xf32, #tpu.memory_space<hbm>> -> memref<512x32xf32, #tpu.memory_space<hbm>>
      tpu.wait_dma2 semaphore(%arg11 : memref<!tpu.dma_semaphore, #tpu.memory_space<semaphore_mem>>) src(%dma_wait3A_610 : memref<512x32xf32, #tpu.memory_space<hbm>>) dst(%dma_wait3A_607 : memref<512x32xf32, #tpu.memory_space<vmem>>)
      %add3A_611 = arith.constant 4 : i32
      %add3A_612 = arith.addi %add3A_595, %add3A_611 : i32
      %lt3A_613 = arith.constant 200 : i32
      %lt3A_614 = arith.cmpi slt, %add3A_612, %lt3A_613 : i32
      %convert_element_type3A_615 = arith.extui %lt3A_614 : i1 to i32
      %cond3A_616 = arith.constant 0 : i32
      %cond3A_617 = arith.cmpi ne, %convert_element_type3A_615, %cond3A_616 : i32
      scf.if %cond3A_617 {
        %add3A_660 = arith.constant 4 : i32
        %add3A_661 = arith.addi %add3A_595, %add3A_660 : i32
        %shift_right_logical3A_662 = arith.constant 3 : i32
        %shift_right_logical3A_663 = arith.shrui %add3A_661, %shift_right_logical3A_662 : i32
        %and3A_664 = arith.constant 7 : i32
        %and3A_665 = arith.andi %add3A_661, %and3A_664 : i32
        %dma_start3A_666 = arith.constant 3 : i32
        %dma_start3A_667 = arith.constant 0 : i32
        %dma_start3A_668 = arith.constant 0 : i32
        %dma_start3A_669 = arith.constant 0 : i32
        %dma_start3A_670 = tpu.memref_slice %arg5[%dma_start3A_666, %dma_start3A_667, %dma_start3A_668, %dma_start3A_669] : memref<4x4x1x128xi32, #tpu.memory_space<vmem>> -> memref<1x4x1x128xi32, #tpu.memory_space<vmem>>
        %dma_start3A_671 = tpu.memref_squeeze %dma_start3A_670 : memref<1x4x1x128xi32, #tpu.memory_space<vmem>> -> memref<4x1x128xi32, #tpu.memory_space<vmem>>
        %dma_start3A_672 = arith.constant 0 : i32
        %dma_start3A_673 = tpu.memref_slice %arg2[%shift_right_logical3A_663, %multiple_of3A, %and3A_665, %dma_start3A_672] : memref<25x128x8x128xi32, #tpu.memory_space<hbm>> -> memref<1x4x1x128xi32, #tpu.memory_space<hbm>>
        %dma_start3A_674 = tpu.memref_squeeze %dma_start3A_673 : memref<1x4x1x128xi32, #tpu.memory_space<hbm>> -> memref<4x1x128xi32, #tpu.memory_space<hbm>>
        %dma_start3A_675 = arith.constant 0 : i32
        %dma_start3A_676 = arith.constant 0 : i32
        %dma_start3A_677 = arith.constant 0 : i32
        %dma_start3A_678 = tpu.memref_slice %arg5[%dma_start3A_666, %dma_start3A_675, %dma_start3A_676, %dma_start3A_677] : memref<4x4x1x128xi32, #tpu.memory_space<vmem>> -> memref<1x4x1x128xi32, #tpu.memory_space<vmem>>
        %dma_start3A_679 = tpu.memref_squeeze %dma_start3A_678 : memref<1x4x1x128xi32, #tpu.memory_space<vmem>> -> memref<4x1x128xi32, #tpu.memory_space<vmem>>
        %dma_start3A_680 = arith.constant 0 : i32
        %dma_start3A_681 = tpu.memref_slice %arg2[%shift_right_logical3A_663, %multiple_of3A, %and3A_665, %dma_start3A_680] : memref<25x128x8x128xi32, #tpu.memory_space<hbm>> -> memref<1x4x1x128xi32, #tpu.memory_space<hbm>>
        %dma_start3A_682 = tpu.memref_squeeze %dma_start3A_681 : memref<1x4x1x128xi32, #tpu.memory_space<hbm>> -> memref<4x1x128xi32, #tpu.memory_space<hbm>>
        tpu.enqueue_dma source(%dma_start3A_682 : memref<4x1x128xi32, #tpu.memory_space<hbm>>) target(%dma_start3A_679 : memref<4x1x128xi32, #tpu.memory_space<vmem>>) target_semaphore(%arg15 : memref<!tpu.dma_semaphore, #tpu.memory_space<semaphore_mem>>)
      } else {
      }
      %add3A_618 = arith.constant 3 : i32
      %add3A_619 = arith.addi %add3A_595, %add3A_618 : i32
      %lt3A_620 = arith.constant 200 : i32
      %lt3A_621 = arith.cmpi slt, %add3A_619, %lt3A_620 : i32
      %convert_element_type3A_622 = arith.extui %lt3A_621 : i1 to i32
      %cond3A_623 = arith.constant 0 : i32
      %cond3A_624 = arith.cmpi ne, %convert_element_type3A_622, %cond3A_623 : i32
      scf.if %cond3A_624 {
        %dma_wait3A_660 = arith.constant 0 : i32
        %dma_wait3A_661 = arith.constant 2 : i32
        %dma_wait3A_662 = arith.constant 0 : i32
        %dma_wait3A_663 = arith.constant 0 : i32
        %dma_wait3A_664 = arith.constant 0 : i32
        %dma_wait3A_665 = tpu.memref_slice %arg5[%dma_wait3A_661, %dma_wait3A_662, %dma_wait3A_663, %dma_wait3A_664] : memref<4x4x1x128xi32, #tpu.memory_space<vmem>> -> memref<1x4x1x128xi32, #tpu.memory_space<vmem>>
        %dma_wait3A_666 = tpu.memref_squeeze %dma_wait3A_665 : memref<1x4x1x128xi32, #tpu.memory_space<vmem>> -> memref<4x1x128xi32, #tpu.memory_space<vmem>>
        %dma_wait3A_667 = arith.constant 0 : i32
        %dma_wait3A_668 = arith.constant 0 : i32
        %dma_wait3A_669 = arith.constant 0 : i32
        %dma_wait3A_670 = tpu.memref_slice %arg2[%dma_wait3A_660, %dma_wait3A_667, %dma_wait3A_668, %dma_wait3A_669] : memref<25x128x8x128xi32, #tpu.memory_space<hbm>> -> memref<1x4x1x128xi32, #tpu.memory_space<hbm>>
        %dma_wait3A_671 = tpu.memref_squeeze %dma_wait3A_670 : memref<1x4x1x128xi32, #tpu.memory_space<hbm>> -> memref<4x1x128xi32, #tpu.memory_space<hbm>>
        %dma_wait3A_672 = arith.constant 0 : i32
        %dma_wait3A_673 = arith.constant 0 : i32
        %dma_wait3A_674 = arith.constant 0 : i32
        %dma_wait3A_675 = tpu.memref_slice %arg5[%dma_wait3A_661, %dma_wait3A_672, %dma_wait3A_673, %dma_wait3A_674] : memref<4x4x1x128xi32, #tpu.memory_space<vmem>> -> memref<1x4x1x128xi32, #tpu.memory_space<vmem>>
        %dma_wait3A_676 = tpu.memref_squeeze %dma_wait3A_675 : memref<1x4x1x128xi32, #tpu.memory_space<vmem>> -> memref<4x1x128xi32, #tpu.memory_space<vmem>>
        %dma_wait3A_677 = arith.constant 0 : i32
        %dma_wait3A_678 = arith.constant 0 : i32
        %dma_wait3A_679 = arith.constant 0 : i32
        %dma_wait3A_680 = tpu.memref_slice %arg2[%dma_wait3A_660, %dma_wait3A_677, %dma_wait3A_678, %dma_wait3A_679] : memref<25x128x8x128xi32, #tpu.memory_space<hbm>> -> memref<1x4x1x128xi32, #tpu.memory_space<hbm>>
        %dma_wait3A_681 = tpu.memref_squeeze %dma_wait3A_680 : memref<1x4x1x128xi32, #tpu.memory_space<hbm>> -> memref<4x1x128xi32, #tpu.memory_space<hbm>>
        tpu.wait_dma2 semaphore(%arg14 : memref<!tpu.dma_semaphore, #tpu.memory_space<semaphore_mem>>) src(%dma_wait3A_681 : memref<4x1x128xi32, #tpu.memory_space<hbm>>) dst(%dma_wait3A_676 : memref<4x1x128xi32, #tpu.memory_space<vmem>>)
        %dma_start3A_682 = arith.constant 2 : i32
        %dma_start3A_683 = arith.constant 0 : i32
        %dma_start3A_684 = arith.constant 0 : i32
        %dma_start3A_685 = arith.constant 2 : i32
        %dma_start3A_686 = arith.constant 0 : i32
        %dma_start3A_687 = arith.constant 0 : i32
        %dma_start3A_688 = tpu.memref_slice %arg6[%dma_start3A_685, %dma_start3A_686, %dma_start3A_687] : memref<4x512x32xf32, #tpu.memory_space<vmem>> -> memref<1x128x32xf32, #tpu.memory_space<vmem>>
        %dma_start3A_689 = tpu.memref_squeeze %dma_start3A_688 : memref<1x128x32xf32, #tpu.memory_space<vmem>> -> memref<128x32xf32, #tpu.memory_space<vmem>>
        %dma_start3A_690 = arith.constant 0 : i32
        %dma_start3A_691 = tpu.memref_slice %arg5[%dma_start3A_682, %dma_start3A_683, %dma_start3A_684, %dma_start3A_690] : memref<4x4x1x128xi32, #tpu.memory_space<vmem>> -> memref<1x1x1x128xi32, #tpu.memory_space<vmem>>
        %dma_start3A_692 = tpu.memref_squeeze %dma_start3A_691 : memref<1x1x1x128xi32, #tpu.memory_space<vmem>> -> memref<128xi32, #tpu.memory_space<vmem>>
        %dma_start3A_693 = arith.constant 0 : i32
        %dma_start3A_694 = arith.constant 0 : i32
        %dma_start3A_695 = tpu.memref_slice %arg3[%dma_start3A_693, %dma_start3A_694] : memref<1000000x32xf32, #tpu.memory_space<hbm>> -> memref<1000000x32xf32, #tpu.memory_space<hbm>>
        tpu.enqueue_indirect_dma source(%dma_start3A_695 : memref<1000000x32xf32, #tpu.memory_space<hbm>>) target(%dma_start3A_689 : memref<128x32xf32, #tpu.memory_space<vmem>>) offsets(%dma_start3A_692 : memref<128xi32, #tpu.memory_space<vmem>>) semaphore(%arg10 : memref<!tpu.dma_semaphore, #tpu.memory_space<semaphore_mem>>)
        %dma_start3A_696 = arith.constant 2 : i32
        %dma_start3A_697 = arith.constant 1 : i32
        %dma_start3A_698 = arith.constant 0 : i32
        %dma_start3A_699 = arith.constant 2 : i32
        %dma_start3A_700 = arith.constant 128 : i32
        %dma_start3A_701 = arith.constant 0 : i32
        %dma_start3A_702 = tpu.memref_slice %arg6[%dma_start3A_699, %dma_start3A_700, %dma_start3A_701] : memref<4x512x32xf32, #tpu.memory_space<vmem>> -> memref<1x128x32xf32, #tpu.memory_space<vmem>>
        %dma_start3A_703 = tpu.memref_squeeze %dma_start3A_702 : memref<1x128x32xf32, #tpu.memory_space<vmem>> -> memref<128x32xf32, #tpu.memory_space<vmem>>
        %dma_start3A_704 = arith.constant 0 : i32
        %dma_start3A_705 = tpu.memref_slice %arg5[%dma_start3A_696, %dma_start3A_697, %dma_start3A_698, %dma_start3A_704] : memref<4x4x1x128xi32, #tpu.memory_space<vmem>> -> memref<1x1x1x128xi32, #tpu.memory_space<vmem>>
        %dma_start3A_706 = tpu.memref_squeeze %dma_start3A_705 : memref<1x1x1x128xi32, #tpu.memory_space<vmem>> -> memref<128xi32, #tpu.memory_space<vmem>>
        %dma_start3A_707 = arith.constant 0 : i32
        %dma_start3A_708 = arith.constant 0 : i32
        %dma_start3A_709 = tpu.memref_slice %arg3[%dma_start3A_707, %dma_start3A_708] : memref<1000000x32xf32, #tpu.memory_space<hbm>> -> memref<1000000x32xf32, #tpu.memory_space<hbm>>
        tpu.enqueue_indirect_dma source(%dma_start3A_709 : memref<1000000x32xf32, #tpu.memory_space<hbm>>) target(%dma_start3A_703 : memref<128x32xf32, #tpu.memory_space<vmem>>) offsets(%dma_start3A_706 : memref<128xi32, #tpu.memory_space<vmem>>) semaphore(%arg10 : memref<!tpu.dma_semaphore, #tpu.memory_space<semaphore_mem>>)
        %dma_start3A_710 = arith.constant 2 : i32
        %dma_start3A_711 = arith.constant 2 : i32
        %dma_start3A_712 = arith.constant 0 : i32
        %dma_start3A_713 = arith.constant 2 : i32
        %dma_start3A_714 = arith.constant 256 : i32
        %dma_start3A_715 = arith.constant 0 : i32
        %dma_start3A_716 = tpu.memref_slice %arg6[%dma_start3A_713, %dma_start3A_714, %dma_start3A_715] : memref<4x512x32xf32, #tpu.memory_space<vmem>> -> memref<1x128x32xf32, #tpu.memory_space<vmem>>
        %dma_start3A_717 = tpu.memref_squeeze %dma_start3A_716 : memref<1x128x32xf32, #tpu.memory_space<vmem>> -> memref<128x32xf32, #tpu.memory_space<vmem>>
        %dma_start3A_718 = arith.constant 0 : i32
        %dma_start3A_719 = tpu.memref_slice %arg5[%dma_start3A_710, %dma_start3A_711, %dma_start3A_712, %dma_start3A_718] : memref<4x4x1x128xi32, #tpu.memory_space<vmem>> -> memref<1x1x1x128xi32, #tpu.memory_space<vmem>>
        %dma_start3A_720 = tpu.memref_squeeze %dma_start3A_719 : memref<1x1x1x128xi32, #tpu.memory_space<vmem>> -> memref<128xi32, #tpu.memory_space<vmem>>
        %dma_start3A_721 = arith.constant 0 : i32
        %dma_start3A_722 = arith.constant 0 : i32
        %dma_start3A_723 = tpu.memref_slice %arg3[%dma_start3A_721, %dma_start3A_722] : memref<1000000x32xf32, #tpu.memory_space<hbm>> -> memref<1000000x32xf32, #tpu.memory_space<hbm>>
        tpu.enqueue_indirect_dma source(%dma_start3A_723 : memref<1000000x32xf32, #tpu.memory_space<hbm>>) target(%dma_start3A_717 : memref<128x32xf32, #tpu.memory_space<vmem>>) offsets(%dma_start3A_720 : memref<128xi32, #tpu.memory_space<vmem>>) semaphore(%arg10 : memref<!tpu.dma_semaphore, #tpu.memory_space<semaphore_mem>>)
        %dma_start3A_724 = arith.constant 2 : i32
        %dma_start3A_725 = arith.constant 3 : i32
        %dma_start3A_726 = arith.constant 0 : i32
        %dma_start3A_727 = arith.constant 2 : i32
        %dma_start3A_728 = arith.constant 384 : i32
        %dma_start3A_729 = arith.constant 0 : i32
        %dma_start3A_730 = tpu.memref_slice %arg6[%dma_start3A_727, %dma_start3A_728, %dma_start3A_729] : memref<4x512x32xf32, #tpu.memory_space<vmem>> -> memref<1x128x32xf32, #tpu.memory_space<vmem>>
        %dma_start3A_731 = tpu.memref_squeeze %dma_start3A_730 : memref<1x128x32xf32, #tpu.memory_space<vmem>> -> memref<128x32xf32, #tpu.memory_space<vmem>>
        %dma_start3A_732 = arith.constant 0 : i32
        %dma_start3A_733 = tpu.memref_slice %arg5[%dma_start3A_724, %dma_start3A_725, %dma_start3A_726, %dma_start3A_732] : memref<4x4x1x128xi32, #tpu.memory_space<vmem>> -> memref<1x1x1x128xi32, #tpu.memory_space<vmem>>
        %dma_start3A_734 = tpu.memref_squeeze %dma_start3A_733 : memref<1x1x1x128xi32, #tpu.memory_space<vmem>> -> memref<128xi32, #tpu.memory_space<vmem>>
        %dma_start3A_735 = arith.constant 0 : i32
        %dma_start3A_736 = arith.constant 0 : i32
        %dma_start3A_737 = tpu.memref_slice %arg3[%dma_start3A_735, %dma_start3A_736] : memref<1000000x32xf32, #tpu.memory_space<hbm>> -> memref<1000000x32xf32, #tpu.memory_space<hbm>>
        tpu.enqueue_indirect_dma source(%dma_start3A_737 : memref<1000000x32xf32, #tpu.memory_space<hbm>>) target(%dma_start3A_731 : memref<128x32xf32, #tpu.memory_space<vmem>>) offsets(%dma_start3A_734 : memref<128xi32, #tpu.memory_space<vmem>>) semaphore(%arg10 : memref<!tpu.dma_semaphore, #tpu.memory_space<semaphore_mem>>)
      } else {
      }
      %ge3A_625 = arith.constant 2 : i32
      %ge3A_626 = arith.cmpi sge, %add3A_595, %ge3A_625 : i32
      %convert_element_type3A_627 = arith.extui %ge3A_626 : i1 to i32
      %cond3A_628 = arith.constant 0 : i32
      %cond3A_629 = arith.cmpi ne, %convert_element_type3A_627, %cond3A_628 : i32
      scf.if %cond3A_629 {
        %dma_wait3A_660 = arith.constant 0 : i32
        %dma_wait3A_661 = arith.constant 1 : i32
        %dma_wait3A_662 = arith.constant 0 : i32
        %dma_wait3A_663 = arith.constant 0 : i32
        %dma_wait3A_664 = arith.constant 0 : i32
        %dma_wait3A_665 = arith.constant 0 : i32
        %dma_wait3A_666 = tpu.memref_slice %arg7[%dma_wait3A_661, %dma_wait3A_662, %dma_wait3A_663, %dma_wait3A_664, %dma_wait3A_665] : memref<2x4x4x8x129xf32, #tpu.memory_space<vmem>> -> memref<1x4x4x8x128xf32, #tpu.memory_space<vmem>>
        %dma_wait3A_667 = tpu.memref_squeeze %dma_wait3A_666 : memref<1x4x4x8x128xf32, #tpu.memory_space<vmem>> -> memref<4x4x8x128xf32, #tpu.memory_space<vmem>>
        %dma_wait3A_668 = arith.constant 0 : i32
        %dma_wait3A_669 = arith.constant 0 : i32
        %dma_wait3A_670 = arith.constant 0 : i32
        %dma_wait3A_671 = arith.constant 0 : i32
        %dma_wait3A_672 = tpu.memref_slice %arg4[%dma_wait3A_660, %dma_wait3A_668, %dma_wait3A_669, %dma_wait3A_670, %dma_wait3A_671] : memref<200x4x128x8x128xf32, #tpu.memory_space<hbm>> -> memref<1x4x4x8x128xf32, #tpu.memory_space<hbm>>
        %dma_wait3A_673 = tpu.memref_squeeze %dma_wait3A_672 : memref<1x4x4x8x128xf32, #tpu.memory_space<hbm>> -> memref<4x4x8x128xf32, #tpu.memory_space<hbm>>
        %dma_wait3A_674 = arith.constant 0 : i32
        %dma_wait3A_675 = arith.constant 0 : i32
        %dma_wait3A_676 = arith.constant 0 : i32
        %dma_wait3A_677 = arith.constant 0 : i32
        %dma_wait3A_678 = tpu.memref_slice %arg7[%dma_wait3A_661, %dma_wait3A_674, %dma_wait3A_675, %dma_wait3A_676, %dma_wait3A_677] : memref<2x4x4x8x129xf32, #tpu.memory_space<vmem>> -> memref<1x4x4x8x128xf32, #tpu.memory_space<vmem>>
        %dma_wait3A_679 = tpu.memref_squeeze %dma_wait3A_678 : memref<1x4x4x8x128xf32, #tpu.memory_space<vmem>> -> memref<4x4x8x128xf32, #tpu.memory_space<vmem>>
        %dma_wait3A_680 = arith.constant 0 : i32
        %dma_wait3A_681 = arith.constant 0 : i32
        %dma_wait3A_682 = arith.constant 0 : i32
        %dma_wait3A_683 = arith.constant 0 : i32
        %dma_wait3A_684 = tpu.memref_slice %arg4[%dma_wait3A_660, %dma_wait3A_680, %dma_wait3A_681, %dma_wait3A_682, %dma_wait3A_683] : memref<200x4x128x8x128xf32, #tpu.memory_space<hbm>> -> memref<1x4x4x8x128xf32, #tpu.memory_space<hbm>>
        %dma_wait3A_685 = tpu.memref_squeeze %dma_wait3A_684 : memref<1x4x4x8x128xf32, #tpu.memory_space<hbm>> -> memref<4x4x8x128xf32, #tpu.memory_space<hbm>>
        tpu.wait_dma2 semaphore(%arg17 : memref<!tpu.dma_semaphore, #tpu.memory_space<semaphore_mem>>) src(%dma_wait3A_685 : memref<4x4x8x128xf32, #tpu.memory_space<hbm>>) dst(%dma_wait3A_679 : memref<4x4x8x128xf32, #tpu.memory_space<vmem>>)
      } else {
      }
      %scan3A_630 = arith.constant 0 : i32
      %scan3A_631 = arith.constant 1 : i32
      %scan3A_632 = arith.constant 0 : i32
      %scan3A_633 = arith.constant 4 : i32
      %scan3A_634 = arith.addi %scan3A_632, %scan3A_633 : i32
      %scan3A_635 = arith.constant 1 : i32
      scf.for %scan3A_660 = %scan3A_632 to %scan3A_634 step %scan3A_635  : i32 {
        %broadcast_in_dim3A = vector.broadcast %scan3A_660 : i32 to vector<16xi32>
        %mul3A_661 = arith.constant 128 : i32
        %mul3A_662 = arith.muli %scan3A_660, %mul3A_661 : i32
        %scan3A_663 = arith.constant 0 : i32
        %scan3A_664 = arith.constant 0 : i32
        %scan3A_665 = arith.constant 128 : i32
        %scan3A_666 = arith.addi %scan3A_664, %scan3A_665 : i32
        %scan3A_667 = arith.constant 4 : i32
        scf.for %scan3A_669 = %scan3A_664 to %scan3A_666 step %scan3A_667  : i32 {
          %add3A_670 = arith.addi %mul3A_662, %scan3A_669 : i32
          %get3A = arith.constant 3 : i32
          %get3A_671 = arith.index_cast %get3A : i32 to index
          %get3A_672 = arith.index_cast %add3A_670 : i32 to index
          %get3A_673 = arith.constant 0 : index
          %get3A_674 = tpu.vector_load %arg6[%get3A_671, %get3A_672, %get3A_673] {strides = array<i32>} : memref<4x512x32xf32, #tpu.memory_space<vmem>>, vector<16xf32>,
          %mul3A_675 = arith.constant 5.65685415 : f32
          %mul3A_676 = vector.broadcast %mul3A_675 : f32 to vector<16xf32>
          %mul3A_677 = arith.mulf %get3A_674, %mul3A_676 : vector<16xf32>
          %get3A_678 = arith.constant 3 : i32
          %get3A_679 = arith.index_cast %get3A_678 : i32 to index
          %get3A_680 = arith.index_cast %add3A_670 : i32 to index
          %get3A_681 = arith.constant 16 : index
          %get3A_682 = tpu.vector_load %arg6[%get3A_679, %get3A_680, %get3A_681] {strides = array<i32>} : memref<4x512x32xf32, #tpu.memory_space<vmem>>, vector<16xf32>,
          %mul3A_683 = arith.constant 5.65685415 : f32
          %mul3A_684 = vector.broadcast %mul3A_683 : f32 to vector<16xf32>
          %mul3A_685 = arith.mulf %get3A_682, %mul3A_684 : vector<16xf32>
          %broadcast_in_dim3A_686 = vector.broadcast %scan3A_669 : i32 to vector<16xi32>
          %scatter3A = arith.constant 0 : i32
          %scatter3A_687 = arith.constant 0 : i32
          %scatter3A_688 = arith.constant 0 : i32
          %scatter3A_689 = arith.constant 0 : i32
          %scatter3A_690 = tpu.memref_slice %arg7[%scan3A_631, %scatter3A, %scatter3A_687, %scatter3A_688, %scatter3A_689] : memref<2x4x4x8x129xf32, #tpu.memory_space<vmem>> -> memref<1x4x4x8x129xf32, #tpu.memory_space<vmem>>
          %scatter3A_691 = tpu.memref_squeeze %scatter3A_690 : memref<1x4x4x8x129xf32, #tpu.memory_space<vmem>> -> memref<4x4x8x129xf32, #tpu.memory_space<vmem>>
          tpu.vector_store_idx %scatter3A_691[%shift_right_logical3A_4, %broadcast_in_dim3A, %and3A_9, %broadcast_in_dim3A_686], %mul3A_677 : memref<4x4x8x129xf32, #tpu.memory_space<vmem>>[vector<16xi32>, vector<16xi32>, vector<16xi32>, vector<16xi32>], vector<16xf32>,
          %scatter3A_692 = arith.constant 0 : i32
          %scatter3A_693 = arith.constant 0 : i32
          %scatter3A_694 = arith.constant 0 : i32
          %scatter3A_695 = arith.constant 0 : i32
          %scatter3A_696 = tpu.memref_slice %arg7[%scan3A_631, %scatter3A_692, %scatter3A_693, %scatter3A_694, %scatter3A_695] : memref<2x4x4x8x129xf32, #tpu.memory_space<vmem>> -> memref<1x4x4x8x129xf32, #tpu.memory_space<vmem>>
          %scatter3A_697 = tpu.memref_squeeze %scatter3A_696 : memref<1x4x4x8x129xf32, #tpu.memory_space<vmem>> -> memref<4x4x8x129xf32, #tpu.memory_space<vmem>>
          tpu.vector_store_idx %scatter3A_697[%add3A_7, %broadcast_in_dim3A, %and3A_9, %broadcast_in_dim3A_686], %mul3A_685 : memref<4x4x8x129xf32, #tpu.memory_space<vmem>>[vector<16xi32>, vector<16xi32>, vector<16xi32>, vector<16xi32>], vector<16xf32>,
          %scan3A_698 = arith.constant 1 : i32
          %scan3A_699 = arith.addi %scan3A_669, %scan3A_698 : i32
          %add3A_700 = arith.addi %mul3A_662, %scan3A_699 : i32
          %get3A_701 = arith.constant 3 : i32
          %get3A_702 = arith.index_cast %get3A_701 : i32 to index
          %get3A_703 = arith.index_cast %add3A_700 : i32 to index
          %get3A_704 = arith.constant 0 : index
          %get3A_705 = tpu.vector_load %arg6[%get3A_702, %get3A_703, %get3A_704] {strides = array<i32>} : memref<4x512x32xf32, #tpu.memory_space<vmem>>, vector<16xf32>,
          %mul3A_706 = arith.constant 5.65685415 : f32
          %mul3A_707 = vector.broadcast %mul3A_706 : f32 to vector<16xf32>
          %mul3A_708 = arith.mulf %get3A_705, %mul3A_707 : vector<16xf32>
          %get3A_709 = arith.constant 3 : i32
          %get3A_710 = arith.index_cast %get3A_709 : i32 to index
          %get3A_711 = arith.index_cast %add3A_700 : i32 to index
          %get3A_712 = arith.constant 16 : index
          %get3A_713 = tpu.vector_load %arg6[%get3A_710, %get3A_711, %get3A_712] {strides = array<i32>} : memref<4x512x32xf32, #tpu.memory_space<vmem>>, vector<16xf32>,
          %mul3A_714 = arith.constant 5.65685415 : f32
          %mul3A_715 = vector.broadcast %mul3A_714 : f32 to vector<16xf32>
          %mul3A_716 = arith.mulf %get3A_713, %mul3A_715 : vector<16xf32>
          %broadcast_in_dim3A_717 = vector.broadcast %scan3A_699 : i32 to vector<16xi32>
          %scatter3A_718 = arith.constant 0 : i32
          %scatter3A_719 = arith.constant 0 : i32
          %scatter3A_720 = arith.constant 0 : i32
          %scatter3A_721 = arith.constant 0 : i32
          %scatter3A_722 = tpu.memref_slice %arg7[%scan3A_631, %scatter3A_718, %scatter3A_719, %scatter3A_720, %scatter3A_721] : memref<2x4x4x8x129xf32, #tpu.memory_space<vmem>> -> memref<1x4x4x8x129xf32, #tpu.memory_space<vmem>>
          %scatter3A_723 = tpu.memref_squeeze %scatter3A_722 : memref<1x4x4x8x129xf32, #tpu.memory_space<vmem>> -> memref<4x4x8x129xf32, #tpu.memory_space<vmem>>
          tpu.vector_store_idx %scatter3A_723[%shift_right_logical3A_4, %broadcast_in_dim3A, %and3A_9, %broadcast_in_dim3A_717], %mul3A_708 : memref<4x4x8x129xf32, #tpu.memory_space<vmem>>[vector<16xi32>, vector<16xi32>, vector<16xi32>, vector<16xi32>], vector<16xf32>,
          %scatter3A_724 = arith.constant 0 : i32
          %scatter3A_725 = arith.constant 0 : i32
          %scatter3A_726 = arith.constant 0 : i32
          %scatter3A_727 = arith.constant 0 : i32
          %scatter3A_728 = tpu.memref_slice %arg7[%scan3A_631, %scatter3A_724, %scatter3A_725, %scatter3A_726, %scatter3A_727] : memref<2x4x4x8x129xf32, #tpu.memory_space<vmem>> -> memref<1x4x4x8x129xf32, #tpu.memory_space<vmem>>
          %scatter3A_729 = tpu.memref_squeeze %scatter3A_728 : memref<1x4x4x8x129xf32, #tpu.memory_space<vmem>> -> memref<4x4x8x129xf32, #tpu.memory_space<vmem>>
          tpu.vector_store_idx %scatter3A_729[%add3A_7, %broadcast_in_dim3A, %and3A_9, %broadcast_in_dim3A_717], %mul3A_716 : memref<4x4x8x129xf32, #tpu.memory_space<vmem>>[vector<16xi32>, vector<16xi32>, vector<16xi32>, vector<16xi32>], vector<16xf32>,
          %scan3A_730 = arith.constant 2 : i32
          %scan3A_731 = arith.addi %scan3A_669, %scan3A_730 : i32
          %add3A_732 = arith.addi %mul3A_662, %scan3A_731 : i32
          %get3A_733 = arith.constant 3 : i32
          %get3A_734 = arith.index_cast %get3A_733 : i32 to index
          %get3A_735 = arith.index_cast %add3A_732 : i32 to index
          %get3A_736 = arith.constant 0 : index
          %get3A_737 = tpu.vector_load %arg6[%get3A_734, %get3A_735, %get3A_736] {strides = array<i32>} : memref<4x512x32xf32, #tpu.memory_space<vmem>>, vector<16xf32>,
          %mul3A_738 = arith.constant 5.65685415 : f32
          %mul3A_739 = vector.broadcast %mul3A_738 : f32 to vector<16xf32>
          %mul3A_740 = arith.mulf %get3A_737, %mul3A_739 : vector<16xf32>
          %get3A_741 = arith.constant 3 : i32
          %get3A_742 = arith.index_cast %get3A_741 : i32 to index
          %get3A_743 = arith.index_cast %add3A_732 : i32 to index
          %get3A_744 = arith.constant 16 : index
          %get3A_745 = tpu.vector_load %arg6[%get3A_742, %get3A_743, %get3A_744] {strides = array<i32>} : memref<4x512x32xf32, #tpu.memory_space<vmem>>, vector<16xf32>,
          %mul3A_746 = arith.constant 5.65685415 : f32
          %mul3A_747 = vector.broadcast %mul3A_746 : f32 to vector<16xf32>
          %mul3A_748 = arith.mulf %get3A_745, %mul3A_747 : vector<16xf32>
          %broadcast_in_dim3A_749 = vector.broadcast %scan3A_731 : i32 to vector<16xi32>
          %scatter3A_750 = arith.constant 0 : i32
          %scatter3A_751 = arith.constant 0 : i32
          %scatter3A_752 = arith.constant 0 : i32
          %scatter3A_753 = arith.constant 0 : i32
          %scatter3A_754 = tpu.memref_slice %arg7[%scan3A_631, %scatter3A_750, %scatter3A_751, %scatter3A_752, %scatter3A_753] : memref<2x4x4x8x129xf32, #tpu.memory_space<vmem>> -> memref<1x4x4x8x129xf32, #tpu.memory_space<vmem>>
          %scatter3A_755 = tpu.memref_squeeze %scatter3A_754 : memref<1x4x4x8x129xf32, #tpu.memory_space<vmem>> -> memref<4x4x8x129xf32, #tpu.memory_space<vmem>>
          tpu.vector_store_idx %scatter3A_755[%shift_right_logical3A_4, %broadcast_in_dim3A, %and3A_9, %broadcast_in_dim3A_749], %mul3A_740 : memref<4x4x8x129xf32, #tpu.memory_space<vmem>>[vector<16xi32>, vector<16xi32>, vector<16xi32>, vector<16xi32>], vector<16xf32>,
          %scatter3A_756 = arith.constant 0 : i32
          %scatter3A_757 = arith.constant 0 : i32
          %scatter3A_758 = arith.constant 0 : i32
          %scatter3A_759 = arith.constant 0 : i32
          %scatter3A_760 = tpu.memref_slice %arg7[%scan3A_631, %scatter3A_756, %scatter3A_757, %scatter3A_758, %scatter3A_759] : memref<2x4x4x8x129xf32, #tpu.memory_space<vmem>> -> memref<1x4x4x8x129xf32, #tpu.memory_space<vmem>>
          %scatter3A_761 = tpu.memref_squeeze %scatter3A_760 : memref<1x4x4x8x129xf32, #tpu.memory_space<vmem>> -> memref<4x4x8x129xf32, #tpu.memory_space<vmem>>
          tpu.vector_store_idx %scatter3A_761[%add3A_7, %broadcast_in_dim3A, %and3A_9, %broadcast_in_dim3A_749], %mul3A_748 : memref<4x4x8x129xf32, #tpu.memory_space<vmem>>[vector<16xi32>, vector<16xi32>, vector<16xi32>, vector<16xi32>], vector<16xf32>,
          %scan3A_762 = arith.constant 3 : i32
          %scan3A_763 = arith.addi %scan3A_669, %scan3A_762 : i32
          %add3A_764 = arith.addi %mul3A_662, %scan3A_763 : i32
          %get3A_765 = arith.constant 3 : i32
          %get3A_766 = arith.index_cast %get3A_765 : i32 to index
          %get3A_767 = arith.index_cast %add3A_764 : i32 to index
          %get3A_768 = arith.constant 0 : index
          %get3A_769 = tpu.vector_load %arg6[%get3A_766, %get3A_767, %get3A_768] {strides = array<i32>} : memref<4x512x32xf32, #tpu.memory_space<vmem>>, vector<16xf32>,
          %mul3A_770 = arith.constant 5.65685415 : f32
          %mul3A_771 = vector.broadcast %mul3A_770 : f32 to vector<16xf32>
          %mul3A_772 = arith.mulf %get3A_769, %mul3A_771 : vector<16xf32>
          %get3A_773 = arith.constant 3 : i32
          %get3A_774 = arith.index_cast %get3A_773 : i32 to index
          %get3A_775 = arith.index_cast %add3A_764 : i32 to index
          %get3A_776 = arith.constant 16 : index
          %get3A_777 = tpu.vector_load %arg6[%get3A_774, %get3A_775, %get3A_776] {strides = array<i32>} : memref<4x512x32xf32, #tpu.memory_space<vmem>>, vector<16xf32>,
          %mul3A_778 = arith.constant 5.65685415 : f32
          %mul3A_779 = vector.broadcast %mul3A_778 : f32 to vector<16xf32>
          %mul3A_780 = arith.mulf %get3A_777, %mul3A_779 : vector<16xf32>
          %broadcast_in_dim3A_781 = vector.broadcast %scan3A_763 : i32 to vector<16xi32>
          %scatter3A_782 = arith.constant 0 : i32
          %scatter3A_783 = arith.constant 0 : i32
          %scatter3A_784 = arith.constant 0 : i32
          %scatter3A_785 = arith.constant 0 : i32
          %scatter3A_786 = tpu.memref_slice %arg7[%scan3A_631, %scatter3A_782, %scatter3A_783, %scatter3A_784, %scatter3A_785] : memref<2x4x4x8x129xf32, #tpu.memory_space<vmem>> -> memref<1x4x4x8x129xf32, #tpu.memory_space<vmem>>
          %scatter3A_787 = tpu.memref_squeeze %scatter3A_786 : memref<1x4x4x8x129xf32, #tpu.memory_space<vmem>> -> memref<4x4x8x129xf32, #tpu.memory_space<vmem>>
          tpu.vector_store_idx %scatter3A_787[%shift_right_logical3A_4, %broadcast_in_dim3A, %and3A_9, %broadcast_in_dim3A_781], %mul3A_772 : memref<4x4x8x129xf32, #tpu.memory_space<vmem>>[vector<16xi32>, vector<16xi32>, vector<16xi32>, vector<16xi32>], vector<16xf32>,
          %scatter3A_788 = arith.constant 0 : i32
          %scatter3A_789 = arith.constant 0 : i32
          %scatter3A_790 = arith.constant 0 : i32
          %scatter3A_791 = arith.constant 0 : i32
          %scatter3A_792 = tpu.memref_slice %arg7[%scan3A_631, %scatter3A_788, %scatter3A_789, %scatter3A_790, %scatter3A_791] : memref<2x4x4x8x129xf32, #tpu.memory_space<vmem>> -> memref<1x4x4x8x129xf32, #tpu.memory_space<vmem>>
          %scatter3A_793 = tpu.memref_squeeze %scatter3A_792 : memref<1x4x4x8x129xf32, #tpu.memory_space<vmem>> -> memref<4x4x8x129xf32, #tpu.memory_space<vmem>>
          tpu.vector_store_idx %scatter3A_793[%add3A_7, %broadcast_in_dim3A, %and3A_9, %broadcast_in_dim3A_781], %mul3A_780 : memref<4x4x8x129xf32, #tpu.memory_space<vmem>>[vector<16xi32>, vector<16xi32>, vector<16xi32>, vector<16xi32>], vector<16xf32>,
        }
        %scan3A_668 = arith.constant 128 : i32
      }
      %scan3A_636 = arith.constant 4 : i32
      %dma_start3A_637 = arith.constant 1 : i32
      %dma_start3A_638 = arith.constant 0 : i32
      %dma_start3A_639 = arith.constant 0 : i32
      %dma_start3A_640 = arith.constant 0 : i32
      %dma_start3A_641 = arith.constant 0 : i32
      %dma_start3A_642 = tpu.memref_slice %arg7[%dma_start3A_637, %dma_start3A_638, %dma_start3A_639, %dma_start3A_640, %dma_start3A_641] : memref<2x4x4x8x129xf32, #tpu.memory_space<vmem>> -> memref<1x4x4x8x128xf32, #tpu.memory_space<vmem>>
      %dma_start3A_643 = tpu.memref_squeeze %dma_start3A_642 : memref<1x4x4x8x128xf32, #tpu.memory_space<vmem>> -> memref<4x4x8x128xf32, #tpu.memory_space<vmem>>
      %dma_start3A_644 = arith.constant 0 : i32
      %dma_start3A_645 = arith.constant 0 : i32
      %dma_start3A_646 = arith.constant 0 : i32
      %dma_start3A_647 = tpu.memref_slice %arg4[%add3A_595, %dma_start3A_644, %multiple_of3A, %dma_start3A_645, %dma_start3A_646] : memref<200x4x128x8x128xf32, #tpu.memory_space<hbm>> -> memref<1x4x4x8x128xf32, #tpu.memory_space<hbm>>
      %dma_start3A_648 = tpu.memref_squeeze %dma_start3A_647 : memref<1x4x4x8x128xf32, #tpu.memory_space<hbm>> -> memref<4x4x8x128xf32, #tpu.memory_space<hbm>>
      %dma_start3A_649 = arith.constant 0 : i32
      %dma_start3A_650 = arith.constant 0 : i32
      %dma_start3A_651 = arith.constant 0 : i32
      %dma_start3A_652 = tpu.memref_slice %arg4[%add3A_595, %dma_start3A_649, %multiple_of3A, %dma_start3A_650, %dma_start3A_651] : memref<200x4x128x8x128xf32, #tpu.memory_space<hbm>> -> memref<1x4x4x8x128xf32, #tpu.memory_space<hbm>>
      %dma_start3A_653 = tpu.memref_squeeze %dma_start3A_652 : memref<1x4x4x8x128xf32, #tpu.memory_space<hbm>> -> memref<4x4x8x128xf32, #tpu.memory_space<hbm>>
      %dma_start3A_654 = arith.constant 0 : i32
      %dma_start3A_655 = arith.constant 0 : i32
      %dma_start3A_656 = arith.constant 0 : i32
      %dma_start3A_657 = arith.constant 0 : i32
      %dma_start3A_658 = tpu.memref_slice %arg7[%dma_start3A_637, %dma_start3A_654, %dma_start3A_655, %dma_start3A_656, %dma_start3A_657] : memref<2x4x4x8x129xf32, #tpu.memory_space<vmem>> -> memref<1x4x4x8x128xf32, #tpu.memory_space<vmem>>
      %dma_start3A_659 = tpu.memref_squeeze %dma_start3A_658 : memref<1x4x4x8x128xf32, #tpu.memory_space<vmem>> -> memref<4x4x8x128xf32, #tpu.memory_space<vmem>>
      tpu.enqueue_dma source(%dma_start3A_659 : memref<4x4x8x128xf32, #tpu.memory_space<vmem>>) target(%dma_start3A_653 : memref<4x4x8x128xf32, #tpu.memory_space<hbm>>) target_semaphore(%arg17 : memref<!tpu.dma_semaphore, #tpu.memory_space<semaphore_mem>>)
    }
    %scan3A_338 = arith.constant 50 : i32
    %dma_wait3A_339 = arith.constant 0 : i32
    %dma_wait3A_340 = arith.constant 0 : i32
    %dma_wait3A_341 = arith.constant 0 : i32
    %dma_wait3A_342 = arith.constant 0 : i32
    %dma_wait3A_343 = arith.constant 0 : i32
    %dma_wait3A_344 = arith.constant 0 : i32
    %dma_wait3A_345 = tpu.memref_slice %arg7[%dma_wait3A_340, %dma_wait3A_341, %dma_wait3A_342, %dma_wait3A_343, %dma_wait3A_344] : memref<2x4x4x8x129xf32, #tpu.memory_space<vmem>> -> memref<1x4x4x8x128xf32, #tpu.memory_space<vmem>>
    %dma_wait3A_346 = tpu.memref_squeeze %dma_wait3A_345 : memref<1x4x4x8x128xf32, #tpu.memory_space<vmem>> -> memref<4x4x8x128xf32, #tpu.memory_space<vmem>>
    %dma_wait3A_347 = arith.constant 0 : i32
    %dma_wait3A_348 = arith.constant 0 : i32
    %dma_wait3A_349 = arith.constant 0 : i32
    %dma_wait3A_350 = arith.constant 0 : i32
    %dma_wait3A_351 = tpu.memref_slice %arg4[%dma_wait3A_339, %dma_wait3A_347, %dma_wait3A_348, %dma_wait3A_349, %dma_wait3A_350] : memref<200x4x128x8x128xf32, #tpu.memory_space<hbm>> -> memref<1x4x4x8x128xf32, #tpu.memory_space<hbm>>
    %dma_wait3A_352 = tpu.memref_squeeze %dma_wait3A_351 : memref<1x4x4x8x128xf32, #tpu.memory_space<hbm>> -> memref<4x4x8x128xf32, #tpu.memory_space<hbm>>
    %dma_wait3A_353 = arith.constant 0 : i32
    %dma_wait3A_354 = arith.constant 0 : i32
    %dma_wait3A_355 = arith.constant 0 : i32
    %dma_wait3A_356 = arith.constant 0 : i32
    %dma_wait3A_357 = tpu.memref_slice %arg7[%dma_wait3A_340, %dma_wait3A_353, %dma_wait3A_354, %dma_wait3A_355, %dma_wait3A_356] : memref<2x4x4x8x129xf32, #tpu.memory_space<vmem>> -> memref<1x4x4x8x128xf32, #tpu.memory_space<vmem>>
    %dma_wait3A_358 = tpu.memref_squeeze %dma_wait3A_357 : memref<1x4x4x8x128xf32, #tpu.memory_space<vmem>> -> memref<4x4x8x128xf32, #tpu.memory_space<vmem>>
    %dma_wait3A_359 = arith.constant 0 : i32
    %dma_wait3A_360 = arith.constant 0 : i32
    %dma_wait3A_361 = arith.constant 0 : i32
    %dma_wait3A_362 = arith.constant 0 : i32
    %dma_wait3A_363 = tpu.memref_slice %arg4[%dma_wait3A_339, %dma_wait3A_359, %dma_wait3A_360, %dma_wait3A_361, %dma_wait3A_362] : memref<200x4x128x8x128xf32, #tpu.memory_space<hbm>> -> memref<1x4x4x8x128xf32, #tpu.memory_space<hbm>>
    %dma_wait3A_364 = tpu.memref_squeeze %dma_wait3A_363 : memref<1x4x4x8x128xf32, #tpu.memory_space<hbm>> -> memref<4x4x8x128xf32, #tpu.memory_space<hbm>>
    tpu.wait_dma2 semaphore(%arg16 : memref<!tpu.dma_semaphore, #tpu.memory_space<semaphore_mem>>) src(%dma_wait3A_364 : memref<4x4x8x128xf32, #tpu.memory_space<hbm>>) dst(%dma_wait3A_358 : memref<4x4x8x128xf32, #tpu.memory_space<vmem>>)
    %dma_wait3A_365 = arith.constant 0 : i32
    %dma_wait3A_366 = arith.constant 1 : i32
    %dma_wait3A_367 = arith.constant 0 : i32
    %dma_wait3A_368 = arith.constant 0 : i32
    %dma_wait3A_369 = arith.constant 0 : i32
    %dma_wait3A_370 = arith.constant 0 : i32
    %dma_wait3A_371 = tpu.memref_slice %arg7[%dma_wait3A_366, %dma_wait3A_367, %dma_wait3A_368, %dma_wait3A_369, %dma_wait3A_370] : memref<2x4x4x8x129xf32, #tpu.memory_space<vmem>> -> memref<1x4x4x8x128xf32, #tpu.memory_space<vmem>>
    %dma_wait3A_372 = tpu.memref_squeeze %dma_wait3A_371 : memref<1x4x4x8x128xf32, #tpu.memory_space<vmem>> -> memref<4x4x8x128xf32, #tpu.memory_space<vmem>>
    %dma_wait3A_373 = arith.constant 0 : i32
    %dma_wait3A_374 = arith.constant 0 : i32
    %dma_wait3A_375 = arith.constant 0 : i32
    %dma_wait3A_376 = arith.constant 0 : i32
    %dma_wait3A_377 = tpu.memref_slice %arg4[%dma_wait3A_365, %dma_wait3A_373, %dma_wait3A_374, %dma_wait3A_375, %dma_wait3A_376] : memref<200x4x128x8x128xf32, #tpu.memory_space<hbm>> -> memref<1x4x4x8x128xf32, #tpu.memory_space<hbm>>
    %dma_wait3A_378 = tpu.memref_squeeze %dma_wait3A_377 : memref<1x4x4x8x128xf32, #tpu.memory_space<hbm>> -> memref<4x4x8x128xf32, #tpu.memory_space<hbm>>
    %dma_wait3A_379 = arith.constant 0 : i32
    %dma_wait3A_380 = arith.constant 0 : i32
    %dma_wait3A_381 = arith.constant 0 : i32
    %dma_wait3A_382 = arith.constant 0 : i32
    %dma_wait3A_383 = tpu.memref_slice %arg7[%dma_wait3A_366, %dma_wait3A_379, %dma_wait3A_380, %dma_wait3A_381, %dma_wait3A_382] : memref<2x4x4x8x129xf32, #tpu.memory_space<vmem>> -> memref<1x4x4x8x128xf32, #tpu.memory_space<vmem>>
    %dma_wait3A_384 = tpu.memref_squeeze %dma_wait3A_383 : memref<1x4x4x8x128xf32, #tpu.memory_space<vmem>> -> memref<4x4x8x128xf32, #tpu.memory_space<vmem>>
    %dma_wait3A_385 = arith.constant 0 : i32
    %dma_wait3A_386 = arith.constant 0 : i32
    %dma_wait3A_387 = arith.constant 0 : i32
    %dma_wait3A_388 = arith.constant 0 : i32
    %dma_wait3A_389 = tpu.memref_slice %arg4[%dma_wait3A_365, %dma_wait3A_385, %dma_wait3A_386, %dma_wait3A_387, %dma_wait3A_388] : memref<200x4x128x8x128xf32, #tpu.memory_space<hbm>> -> memref<1x4x4x8x128xf32, #tpu.memory_space<hbm>>
    %dma_wait3A_390 = tpu.memref_squeeze %dma_wait3A_389 : memref<1x4x4x8x128xf32, #tpu.memory_space<hbm>> -> memref<4x4x8x128xf32, #tpu.memory_space<hbm>>
    tpu.wait_dma2 semaphore(%arg17 : memref<!tpu.dma_semaphore, #tpu.memory_space<semaphore_mem>>) src(%dma_wait3A_390 : memref<4x4x8x128xf32, #tpu.memory_space<hbm>>) dst(%dma_wait3A_384 : memref<4x4x8x128xf32, #tpu.memory_space<vmem>>)
    return
  }
}

</mosaic_0001>

<sc_bundles>
// kernel: kernel.3.cloned.1.call-start
scs
__scs_entry_jumppad:
0x0: {  	(pc) =	sbr.rel $0x88, $3  }
0x1: {  	(tag) =	ssettag $0x0;
	lr =	simm.s32 $0x1  }
0x2: {  	[smem:$0x3F9F] =	sst lr;
	_ =	strace $0xD0000000  }
0x3: {  	_ = 	snop  }
0x4: {  	_ = 	snop  }
0x5: {  	_ = 	snop  }
0x6: {  	_ = 	snop  }
0x7: {  	_ = 	snop  }
__scs_overlays_trampoline_lowered:
0x8: {  	[smem:$0x3FAE] =	sst s0  }
0x9: {  	[smem:$0x3FAF] =	sst s1  }
0xa: {  	[smem:$0x3FB0] =	sst s2  }
0xb: {  	[smem:$0x3FB1] =	sst s3  }
0xc: {  	[smem:$0x3FB2] =	sst s4  }
0xd: {  	[smem:$0x3FB3] =	sst s5  }
0xe: {  	[smem:$0x3FB4] =	sst s6  }
0xf: {  	[smem:$0x3FB5] =	sst s7  }
0x10: {  	[smem:$0x3FB6] =	sst s8  }
0x11: {  	[smem:$0x3FB7] =	sst s9;
	s0 =	simm.s32 @!p0 $0x0  }
0x12: {  	s1 =	sld [smem:$0x3F9D];
	s0 =	simm.s32 @p0 $0x1  }
0x13: {  	[smem:$0x3FB8] =	sst s0;
	s0 =	simm.s32 @!p1 $0x0  }
0x14: {  	s2 =	sld [smem:$0x3F9C];
	s0 =	simm.s32 @p1 $0x1  }
0x15: {  	[smem:$0x3FB9] =	sst s0;
	s0 =	simm.s32 @!p2 $0x0  }
0x16: {  	s3 =	sld [smem:$0x3FDB];
	s0 =	simm.s32 @p2 $0x1  }
0x17: {  	s4 =	simm.s32 $0x1BF5;
	[smem:$0x3FBB] =	sst s0  }
0x18: {  	s0 =	sld [smem:$0x3F9E];
	_ =	swait.ge [sflag:s4], $0x0  }
0x19: {  	s7 =	sld [smem:$0x3F9F]  }
0x1a: {  	s8 =	sadd.s32 $0xFFFFE003, lr  }
0x1b: {  	s9 =	sadd.s32 $0xFFFFFEF7, lr;
	s5 =	simm.s32 $0xFFFFFFFF;
	p2 =	slt.u32 s8, $0xFFFFF086  }
0x1c: {  	p1 =	slt.u32 s9, $0xF7A;
	s5 =	simm.s32 @!p2 $0x0  }
0x1d: {  	s5 =	simm.s32 @p1 $0x1;
	p0 =	seq.s32 s7, s2  }
0x1e: {  	s7 =	smul.u32 @!p0 $0xF7A, s2;
	p2 =	seq.s32 @!p0 s5, $0x0  }
0x1f: {  	s9 =	smul.u32 $0xF7A, s1;
	s8 =	simm.s32 @!p0 $0x1BF5;
	p2 =	por !p2, p0  }
0x20: {  	[sflag:s8] =	ssyncset.s32 @!p0 $0xFFFFF086;
	s6 =	sadd.s32 @!p0 s3, s7;
	s7 =	simm.s32 @!p0 $0x108  }
0x21: {  	s3 =	sadd.s32 s3, s9;
	s6 =	sadd.s32 @!p0 $0x88, s6;
	s7 =	simm.s32 @p2 $0x1082  }
0x22: {  	[simem:s7], [sflag:s8] =	dma.local @!p0 [hbm:s6], $0xF7A  }
0x23: {  	s9 =	sor.u32 $0xD0000000, s2;
	s6 =	simm.s32 $0x108;
	_ =	swait.ge @!p0 [sflag:s8], $0x0  }
0x24: {  	s3 =	sadd.s32 $0x88, s3;
	s6 =	simm.s32 @!p1 $0x1082;
	[sflag:s4] =	ssyncset.s32 $0xFFFFF086  }
0x25: {  	[simem:s6], [sflag:s4] =	dma.local [hbm:s3], $0xF7A  }
0x26: {  	[smem:$0x3F9F] =	sst s1;
	(tag) =	ssettag s2;
	_ =	strace s9  }
0x27: {  	s1 =	sld [smem:$0x3FAF]  }
0x28: {  	s2 =	sld [smem:$0x3FB0]  }
0x29: {  	s4 =	sld [smem:$0x3FB2]  }
0x2a: {  	p0 =	seq.s32 s5, $0x0;
	s5 =	sld [smem:$0x3FB3]  }
0x2b: {  	s6 =	sld [smem:$0x3FB4]  }
0x2c: {  	s7 =	sld [smem:$0x3FB5]  }
0x2d: {  	s3 =	simm.s32 $0x108;
	s8 =	sld [smem:$0x3FB6]  }
0x2e: {  	s3 =	simm.s32 @!p0 $0x1082;
	s9 =	sld [smem:$0x3FB7]  }
0x2f: {  	lr =	sadd.s32 s0, s3;
	s0 =	sld [smem:$0x3FAE]  }
0x30: {  	s3 =	sld [smem:$0x3FB1]  }
0x31: {  	[smem:$0x3FBA] =	sst s10  }
0x32: {  	s10 =	sld [smem:$0x3FB8];
	_ =	sdelay $0x3  }
0x33: {  	p0 =	seq.s32 s10, $0x1;
	s10 =	sld [smem:$0x3FBA];
	_ =	sdelay $0x3  }
0x34: {  	[smem:$0x3FBA] =	sst s10  }
0x35: {  	s10 =	sld [smem:$0x3FB9];
	_ =	sdelay $0x3  }
0x36: {  	p1 =	seq.s32 s10, $0x1;
	s10 =	sld [smem:$0x3FBA];
	_ =	sdelay $0x3  }
0x37: {  	[smem:$0x3FBA] =	sst s10  }
0x38: {  	s10 =	sld [smem:$0x3FBB]  }
0x39: {  	_ = 	snop;
	(pc) =	sbr.ind lr, $3  }
0x3a: {  	_ = 	snop  }
0x3b: {  	_ = 	snop  }
0x3c: {  	p2 =	seq.s32 s10, $0x1;
	s10 =	sld [smem:$0x3FBA]  }
0x3d: {  	_ =	shalt  }
0x3e: {  	_ =	shalt  }
0x3f: {  	_ =	shalt  }
0x40: {  	_ =	shalt  }
0x41: {  	_ =	shalt  }
0x42: {  	_ =	shalt  }
0x43: {  	_ =	shalt  }
0x44: {  	_ =	shalt  }
0x45: {  	_ =	shalt  }
0x46: {  	_ =	shalt  }
0x47: {  	_ =	shalt  }
0x48: {  	_ =	shalt  }
0x49: {  	_ =	shalt  }
0x4a: {  	_ =	shalt  }
0x4b: {  	_ =	shalt  }
0x4c: {  	_ =	shalt  }
0x4d: {  	_ =	shalt  }
0x4e: {  	_ =	shalt  }
0x4f: {  	_ =	shalt  }
0x50: {  	_ =	shalt  }
0x51: {  	_ =	shalt  }
0x52: {  	_ =	shalt  }
0x53: {  	_ =	shalt  }
0x54: {  	_ =	shalt  }
0x55: {  	_ =	shalt  }
0x56: {  	_ =	shalt  }
0x57: {  	_ =	shalt  }
0x58: {  	_ =	shalt  }
0x59: {  	_ =	shalt  }
0x5a: {  	_ =	shalt  }
0x5b: {  	_ =	shalt  }
0x5c: {  	_ =	shalt  }
0x5d: {  	_ =	shalt  }
0x5e: {  	_ =	shalt  }
0x5f: {  	_ =	shalt  }
0x60: {  	_ =	shalt  }
0x61: {  	_ =	shalt  }
0x62: {  	_ =	shalt  }
0x63: {  	_ =	shalt  }
0x64: {  	_ =	shalt  }
0x65: {  	_ =	shalt  }
0x66: {  	_ =	shalt  }
0x67: {  	_ =	shalt  }
0x68: {  	_ =	shalt  }
0x69: {  	_ =	shalt  }
0x6a: {  	_ =	shalt  }
0x6b: {  	_ =	shalt  }
0x6c: {  	_ =	shalt  }
0x6d: {  	_ =	shalt  }
0x6e: {  	_ =	shalt  }
0x6f: {  	_ =	shalt  }
0x70: {  	_ =	shalt  }
0x71: {  	_ =	shalt  }
0x72: {  	_ =	shalt  }
0x73: {  	_ =	shalt  }
0x74: {  	_ =	shalt  }
0x75: {  	_ =	shalt  }
0x76: {  	_ =	shalt  }
0x77: {  	_ =	shalt  }
0x78: {  	_ =	shalt  }
0x79: {  	_ =	shalt  }
0x7a: {  	_ =	shalt  }
0x7b: {  	_ =	shalt  }
0x7c: {  	_ =	shalt  }
0x7d: {  	_ =	shalt  }
0x7e: {  	_ =	shalt  }
0x7f: {  	_ =	shalt  }
0x80: {  	_ =	shalt  }
0x81: {  	_ =	shalt  }
0x82: {  	_ =	shalt  }
0x83: {  	_ =	shalt  }
0x84: {  	_ =	shalt  }
0x85: {  	_ =	shalt  }
0x86: {  	_ =	shalt  }
0x87: {  	_ =	shalt  }
.Lfunc_end0:
.L_simem_size_0:
called_computation_lowered:
.L_overlay_start_0:
0x88: {  	s2 =	sld [smem:$0x3FD9]  }
0x89: {  	s3 =	sld [smem:$0x3FFE];
	_ =	sdelay $0x1  }
0x8a: {  	s1 =	srdreg.scid  }
0x8b: {  	s0 =	sand.u32 $0x1, s1  }
0x8c: {  	s17 =	sshll.u32 s0, $0xA;
	s2 =	sadd.s32 s3, s2  }
0x8d: {  	s2 =	sadd.s32 s2, s17  }
0x8e: {  	[smem:$0x3FC6] =	sst s2  }
0x8f: {  	_ = 	snop  }
0x90: {  	s2 =	sld [smem:$0x3FC9]  }
0x91: {  	s18 =	sld [smem:$0x3FD0];
	(tm) =	ssettm $0x1  }
0x92: {  	s4 =	sld [smem:$0x3FFB];
	_ =	sdelay $0x3  }
0x93: {  	_ =	strace s4  }
0x94: {  	s4 =	sld [smem:$0x3FFC];
	_ =	sdelay $0x3  }
0x95: {  	_ =	strace s4  }
0x96: {  	s4 =	sld [smem:$0x3FFD];
	_ =	sdelay $0x3  }
0x97: {  	_ =	strace s4  }
0x98: {  	_ =	strace $0x8FFFFFFF  }
0x99: {  	s19 =	sld [smem:$0x3FDB];
	_ =	sdelay $0x1  }
0x9a: {  	s5 =	simm.s32 $_scs_section_size  }
0x9b: {  	s6 =	simm.s32 $_size__tile_overlayer_lowered;
	s7 =	simm.s32 $_tile_overlayer_lowered  }
0x9c: {  	s22 =	simm.s32 $0x1BFF;
	s21 =	sshll.u32 s7, $0x1;
	s4 =	sadd.s32 s5, s19  }
0x9d: {  	s8 =	simm.s32 $0x0;
	s20 =	sshll.u32 s6, $0x1;
	s6 =	sadd.s32 s21, s4  }
0x9e: {  	[timem:s8], [sflag:s22] =	dma.local [hbm:s6], s20  }
0x9f: {  	_ =	swait.ge [sflag:s22], s20  }
0xa0: {  	s5 =	ssub.s32 $0x0, s20;
	[sflag:s22] =	ssyncset.done $0x0  }
0xa1: {  	[sflag:s22] =	ssyncadd.s32 s5;
	_ =	sdelay $0x1  }
0xa2: {  	s23 =	simm.s32 $0x1B8B  }
0xa3: {  	_ =	swait.ge [sflag:s23], $0x1  }
0xa4: {  	[sflag:s23] =	ssyncset.done $0x0  }
0xa5: {  	s25 =	simm.s32 $0x1B8E;
	s24 =	sld [smem:$0x3FFE];
	[sflag:s23] =	ssyncadd.s32 $0xFFFFFFFF  }
0xa6: {  	s26 =	simm.s32 $execute0_lowered;
	[smem:$0x3FD2] =	sst s25  }
0xa7: {  	s6 =	sshll.u32 s26, $0x1;
	_ =	strace $0x80000046;
	[dreg:$0x1] =	wrdreg $0xFFFFFFFF  }
0xa8: {  	s28 =	simm.s32 $_size_execute0_lowered;
	s4 =	sadd.s32 s4, s6;
	[dreg:$0x0] =	wrdreg $0x0  }
0xa9: {  	s6 =	sshll.u32 s28, $0x1;
	[dreg:$0x2] =	wrdreg s4  }
0xaa: {  	[dreg:$0x3] =	wrdreg s6  }
0xab: {  	[dreg:$0x4] =	wrdreg $0xC0  }
0xac: {  	_ =	task [dreg:s8], $0x5FFFF  }
0xad: {  	[dreg:$0x1] =	wrdreg $0xFFFFFFFF  }
0xae: {  	[dreg:$0x0] =	wrdreg $0x60  }
0xaf: {  	[dreg:$0x2] =	wrdreg s2  }
0xb0: {  	[dreg:$0x3] =	wrdreg s24  }
0xb1: {  	[dreg:$0x4] =	wrdreg s18  }
0xb2: {  	[dreg:$0x5] =	wrdreg $0x9  }
0xb3: {  	_ =	task.clear_ibuf [dreg:s8], $0x6FFFF;
	_ =	strace $0x90000046  }
0xb4: {  	s29 =	simm.s32 $0x9;
	_ =	strace $0x80000048  }
0xb5: {  	_ =	swait.ge [sflag:s29], $0x1  }
0xb6: {  	[sflag:s29] =	ssyncadd.s32 $0xFFFFFFFF  }
0xb7: {  	_ =	strace $0x90000048  }
0xb8: {  	_ =	sfence  }
0xb9: {  	s30 =	sld [smem:$0x0];
	_ =	sdelay $0x2  }
0xba: {  	s31 =	sshll.u32 s1, $0xD;
	s1 =	sshrl.u32 s1, $0x2  }
0xbb: {  	s3 =	sand.u32 $0x4000, s31;
	s1 =	sadd.s32 s1, s30  }
0xbc: {  	s0 =	sor.u32 s3, s0;
	s1 =	sshll.u32 s1, $0x11  }
0xbd: {  	s0 =	sor.u32 s1, s0  }
0xbe: {  	s0 =	sadd.s32 $0x8F2B, s0  }
0xbf: {  	[sflag:s0] =	ssyncadd.remote.s32 $0x1  }
0xc0: {  	_ =	sfence.sel $0xFFFF  }
0xc1: {  	[dreg:$0x0] =	wrdreg $0xFFFFFFFF;
	(pc) =	sbr.abs _section_cstart, $3  }
0xc2: {  	[dreg:$0x1] =	wrdreg $0xFFFFFFFF  }
0xc3: {  	_ =	task.clear_ibuf [dreg:s8], $0x2FFFF;
	_ =	strace $0x9FFFFFFF  }
0xc4: {  	(tm) =	ssettm $0x7FFFFFFF  }
0xc5: {  	_ =	shalt  }
tec
execute0_lowered:
.L_overlay_start_1:
0x0: {  	(tag) =	ssettag $0x1  }
0x1: {  	s1 =	rddreg [dreg:$0x0];
	v0 =	vimm.s32 $0x14B8  }
0x2: {  	s0 =	rddreg [dreg:$0x1];
	vm0 =	vcmask $0x300;
	v1 =	vimm.s32 $0x36B8;
	vm1 =	vcmask $0x704  }
0x3: {  	s8 =	rddreg [dreg:$0x2];
	vm15 =	vcmask $0xB08;
	v0 =	vsel vm0, $0x0, v0;
	v1 =	vsel vm0, $0x2200, v1  }
0x4: {  	s2 =	srdreg.scid;
	s3 =	stileid.u32;
	vm4 =	vcmask $0xF0C;
	v0 =	vsel vm1, $0x88, v0;
	v1 =	vsel vm1, $0x2288, v1  }
0x5: {  	s4 =	simm.s32 $0x0;
	s15 =	simm.s32 $0x80;
	vm5 =	vcmask $0x1310;
	s31 =	simm.s32 $0x1;
	v0 =	vsel vm15, $0x110, v0;
	v1 =	vsel vm15, $0x2310, v1  }
0x6: {  	vm6 =	vcmask $0x1714;
	s28 =	simm.s32 $0xF800;
	s29 =	simm.s32 $0x10800;
	s30 =	simm.s32 $0x2;
	v0 =	vsel vm4, $0x198, v0;
	v1 =	vsel vm4, $0x2398, v1  }
0x7: {  	vm7 =	vcmask $0x1B18;
	s17 =	simm.s32 $0x14C00;
	s9 =	simm.s32 $0x9;
	s10 =	simm.s32 $0x4;
	v0 =	vsel vm5, $0x220, v0;
	v1 =	vsel vm5, $0x2420, v1  }
0x8: {  	vm8 =	vcmask $0x1F1C;
	s14 =	simm.s32 $0xA;
	s2 =	sand.u32 $0x1, s2;
	s3 =	sshll.u32 s3, $0xD;
	v0 =	vsel vm6, $0x2A8, v0;
	v1 =	vsel vm6, $0x24A8, v1  }
0x9: {  	[smem:$0x7FF] =	sst s4;
	s6 =	sadd.s32 $0xF42800, s0;
	s5 =	sshll.u32 s2, $0xC;
	v0 =	vsel vm7, $0x330, v0;
	v1 =	vsel vm7, $0x2530, v1  }
0xa: {  	vm9 =	vcmask $0x2320;
	s11 =	sadd.s32 $0x10000, s8;
	s2 =	ssub.s32 $0x2, s2;
	s5 =	sor.u32 s5, s3;
	v0 =	vsel vm8, $0x3B8, v0;
	v1 =	vsel vm8, $0x25B8, v1  }
0xb: {  	vm10 =	vcmask $0x2724;
	s12 =	sadd.s32 $0x20000, s8;
	s22 =	sshrl.u32 s2, $0x1;
	s7 =	sshrl.u32 s5, $0x3;
	v0 =	vsel vm9, $0x1100, v0;
	v1 =	vsel vm9, $0x3300, v1  }
0xc: {  	vm11 =	vcmask $0x2B28;
	s13 =	sadd.s32 $0x30000, s8;
	s23 =	ssub.s32 s2, s22;
	s24 =	sadd.s32 s1, s7;
	v0 =	vsel vm10, $0x1188, v0;
	v1 =	vsel vm10, $0x3388, v1  }
0xd: {  	vm12 =	vcmask $0x2F2C;
	_ =	strace $0x80000047;
	s0 =	smax.u32 s23, $0x1;
	[dreg:$0x4] =	wrdreg s24;
	v0 =	vsel vm11, $0x1210, v0;
	v1 =	vsel vm11, $0x3410, v1  }
0xe: {  	vm13 =	vcmask $0x3330;
	s8 =	simm.s32 $0x3;
	s25 =	sadd.s32 $0x10, s24;
	[dreg:$0x8] =	wrdreg s0;
	v0 =	vsel vm12, $0x1298, v0;
	v1 =	vsel vm12, $0x3498, v1  }
0xf: {  	vm14 =	vcmask $0x3734;
	s3 =	simm.s32 $0x0;
	s26 =	sadd.s32 $0x20, s24;
	[dreg:$0x5] =	wrdreg s25;
	v0 =	vsel vm13, $0x1320, v0;
	v1 =	vsel vm13, $0x3520, v1  }
0x10: {  	vm15 =	vcmask $0x3B38;
	s2 =	sadd.s32 $0x30, s24;
	s0 =	simm.s32 $0x8;
	[dreg:$0x6] =	wrdreg s26;
	v0 =	vsel vm14, $0x13A8, v0;
	v1 =	vsel vm14, $0x35A8, v1  }
0x11: {  	s24 =	simm.s32 $0xE800;
	[dreg:$0x7] =	wrdreg s2;
	s25 =	simm.s32 $0x780;
	v0 =	vsel vm15, $0x1430, v0;
	v1 =	vsel vm15, $0x3630, v1  }
.LBB2_1:
0x12: {  	[dreg:$0x9] =	wrdreg s3  }
0x13: {  	s2 =	rddreg [dreg:$0x4];
	s3 =	simm.s32 $0x400  }
0x14: {  	[tilespmem:s4], [sflag:$0x5] =	stream.strided.gather [hbm4b:s2+s15], $0x200, s3, s15, $0x38;
	[tilespmem:$0x19000] =	vst v63  }
0x15: {  	s22 =	rddreg [dreg:$0x5];
	s7 =	simm.s32 $0x200  }
0x16: {  	[tilespmem:s7], [sflag:$0x6] =	stream.strided.gather [hbm4b:s22+s15], $0x200, s3, s15, $0x38;
	[tilespmem:$0x19000] =	vst v63  }
0x17: {  	s23 =	rddreg [dreg:$0x6]  }
0x18: {  	[tilespmem:s3], [sflag:$0x7] =	stream.strided.gather [hbm4b:s23+s15], $0x200, s3, s15, $0x38;
	[tilespmem:$0x19000] =	vst v63  }
0x19: {  	s26 =	rddreg [dreg:$0x7];
	s16 =	simm.s32 $0x600;
	s18 =	simm.s32 $0x5  }
0x1a: {  	[tilespmem:s16], [sflag:$0x8] =	stream.strided.gather [hbm4b:s26+s15], $0x200, s3, s15, $0x38;
	[tilespmem:$0x19000] =	vst v63  }
0x1b: {  	_ =	swait.ge [sflag:s18], $0x200  }
0x1c: {  	[sflag:s18] =	ssyncset.done $0x0  }
0x1d: {  	s19 =	simm.s32 $0x800;
	[sflag:s18] =	ssyncadd.s32 $0xFFFFFE00  }
0x1e: {  	[tilespmem:s19], [sflag:$0x1] =	stream.indirect.gather [hbm4b:s6+s15], $0x20, s4, s15, $0xb8;
	[tilespmem:$0x19000] =	vst v63  }
0x1f: {  	s20 =	simm.s32 $0x1800  }
0x20: {  	[tilespmem:s20], [sflag:$0x1] =	stream.indirect.gather [hbm4b:s6+s15], $0x20, s15, s15, $0xb8;
	[tilespmem:$0x19000] =	vst v63  }
0x21: {  	s21 =	simm.s32 $0x100;
	s22 =	simm.s32 $0x2800  }
0x22: {  	[tilespmem:s22], [sflag:$0x1] =	stream.indirect.gather [hbm4b:s6+s15], $0x20, s21, s15, $0xb8;
	[tilespmem:$0x19000] =	vst v63  }
0x23: {  	s23 =	simm.s32 $0x180;
	s26 =	simm.s32 $0x3800;
	s16 =	simm.s32 $0x6  }
0x24: {  	[tilespmem:s26], [sflag:$0x1] =	stream.indirect.gather [hbm4b:s6+s15], $0x20, s23, s15, $0xb8;
	[tilespmem:$0x19000] =	vst v63  }
0x25: {  	_ =	swait.ge [sflag:s16], $0x200  }
0x26: {  	[sflag:s16] =	ssyncset.done $0x0  }
0x27: {  	s18 =	simm.s32 $0x4800;
	[sflag:s16] =	ssyncadd.s32 $0xFFFFFE00  }
0x28: {  	[tilespmem:s18], [sflag:$0x2] =	stream.indirect.gather [hbm4b:s6+s15], $0x20, s7, s15, $0xb8;
	[tilespmem:$0x19000] =	vst v63  }
0x29: {  	s19 =	simm.s32 $0x280;
	s20 =	simm.s32 $0x5800  }
0x2a: {  	[tilespmem:s20], [sflag:$0x2] =	stream.indirect.gather [hbm4b:s6+s15], $0x20, s19, s15, $0xb8;
	[tilespmem:$0x19000] =	vst v63  }
0x2b: {  	s21 =	simm.s32 $0x300;
	s22 =	simm.s32 $0x6800  }
0x2c: {  	[tilespmem:s22], [sflag:$0x2] =	stream.indirect.gather [hbm4b:s6+s15], $0x20, s21, s15, $0xb8;
	[tilespmem:$0x19000] =	vst v63  }
0x2d: {  	s23 =	simm.s32 $0x380;
	s26 =	simm.s32 $0x7800;
	s16 =	simm.s32 $0x7  }
0x2e: {  	[tilespmem:s26], [sflag:$0x2] =	stream.indirect.gather [hbm4b:s6+s15], $0x20, s23, s15, $0xb8;
	[tilespmem:$0x19000] =	vst v63  }
0x2f: {  	_ =	swait.ge [sflag:s16], $0x200  }
0x30: {  	[sflag:s16] =	ssyncset.done $0x0  }
0x31: {  	s18 =	simm.s32 $0x8800;
	[sflag:s16] =	ssyncadd.s32 $0xFFFFFE00  }
0x32: {  	[tilespmem:s18], [sflag:$0x3] =	stream.indirect.gather [hbm4b:s6+s15], $0x20, s3, s15, $0xb8;
	[tilespmem:$0x19000] =	vst v63  }
0x33: {  	s19 =	simm.s32 $0x480;
	s20 =	simm.s32 $0x9800  }
0x34: {  	[tilespmem:s20], [sflag:$0x3] =	stream.indirect.gather [hbm4b:s6+s15], $0x20, s19, s15, $0xb8;
	[tilespmem:$0x19000] =	vst v63  }
0x35: {  	s21 =	simm.s32 $0x500;
	s22 =	simm.s32 $0xA800  }
0x36: {  	[tilespmem:s22], [sflag:$0x3] =	stream.indirect.gather [hbm4b:s6+s15], $0x20, s21, s15, $0xb8;
	[tilespmem:$0x19000] =	vst v63  }
0x37: {  	s23 =	simm.s32 $0x580;
	s26 =	simm.s32 $0xB800;
	s19 =	simm.s32 $0x0  }
0x38: {  	[tilespmem:s26], [sflag:$0x3] =	stream.indirect.gather [hbm4b:s6+s15], $0x20, s23, s15, $0xb8;
	[tilespmem:$0x19000] =	vst v63  }
.LBB2_2:
0x39: {  	s21 =	sshll.u32 s19, $0x2;
	p0 =	seq.s32 s19, $0x31  }
0x3a: {  	s2 =	sadd.s32 @!p0 $0x4, s21  }
0x3b: {  	s3 =	sshll.u32 @!p0 s2, $0x7;
	s2 =	sshll.u32 @!p0 s2, $0xE  }
0x3c: {  	s3 =	sand.u32 @!p0 $0x200, s3;
	s2 =	sand.u32 @!p0 $0x7E0000, s2  }
0x3d: {  	_ =	swait.ge [sflag:s31], $0x4000;
	s2 =	sor.u32 @!p0 s2, s3  }
0x3e: {  	[sflag:s31] =	ssyncset.done $0x0;
	s2 =	sor.u32 @!p0 s5, s2  }
0x3f: {  	s7 =	simm.s32 @!p0 $0x400;
	s16 =	simm.s32 @!p0 $0x0;
	s2 =	sshrl.u32 @!p0 s2, $0x3  }
0x40: {  	[sflag:s31] =	ssyncadd.s32 $0xFFFFC000;
	s3 =	simm.s32 @!p0 $0x80;
	s2 =	sadd.s32 @!p0 s1, s2  }
0x41: {  	[tilespmem:s16], [sflag:$0x5] =	stream.strided.gather @!p0 [hbm4b:s2+s3], $0x200, s7, s3, $0x38;
	[tilespmem:$0x19000] =	vst v63  }
0x42: {  	_ =	swait.ge [sflag:s0], $0x200  }
0x43: {  	[sflag:s0] =	ssyncset.done $0x0  }
0x44: {  	s18 =	simm.s32 $0x600;
	s20 =	simm.s32 $0xC800;
	[sflag:s0] =	ssyncadd.s32 $0xFFFFFE00  }
0x45: {  	[tilespmem:s20], [sflag:$0x4] =	stream.indirect.gather [hbm4b:s6+s15], $0x20, s18, s15, $0xb8;
	[tilespmem:$0x19000] =	vst v63  }
0x46: {  	s22 =	simm.s32 $0x680;
	s23 =	simm.s32 $0xD800  }
0x47: {  	[tilespmem:s23], [sflag:$0x4] =	stream.indirect.gather [hbm4b:s6+s15], $0x20, s22, s15, $0xb8;
	[tilespmem:$0x19000] =	vst v63  }
0x48: {  	s26 =	simm.s32 $0x700;
	p1 =	seq.s32 s19, $0x0  }
0x49: {  	[tilespmem:s24], [sflag:$0x4] =	stream.indirect.gather [hbm4b:s6+s15], $0x20, s26, s15, $0xb8;
	[tilespmem:$0x19000] =	vst v63  }
0x4a: {  	s2 =	simm.s32 @!p1 $0x9  }
0x4b: {  	[tilespmem:s28], [sflag:$0x4] =	stream.indirect.gather [hbm4b:s6+s15], $0x20, s25, s15, $0xb8;
	[tilespmem:$0x19000] =	vst v63  }
0x4c: {  	_ =	swait.ge @!p1 [sflag:s2], $0x4000  }
0x4d: {  	s16 =	simm.s32 $0x840;
	[sflag:s2] =	ssyncset.done @!p1 $0x0  }
0x4e: {  	s7 =	simm.s32 $0x0;
	s26 =	simm.s32 $0x0;
	[sflag:s2] =	ssyncadd.s32 @!p1 $0xFFFFC000  }
.LBB2_3:
0x4f: {  	v2 =	vmov s7  }
0x50: {  	v2 =	vmul.u32 $0x440, v2;
	_ =	sdelay $0x1  }
0x51: {  	v3 =	vbroadcast v2, $0x0  }
0x52: {  	v4 =	vmov s26  }
0x53: {  	v5 =	vld [tilespmem:s16+$0xFFFFFFC0];
	v6 =	vand.u32 $0x78, v4;
	v2 =	vadd.s32 v0, v3  }
0x54: {  	v7 =	vld [tilespmem:s16+$0xFFFFFFD0];
	v4 =	vand.u32 $0x4, v4;
	v3 =	vadd.s32 v1, v3;
	v8 =	vadd.s32 v2, v6  }
0x55: {  	v6 =	vadd.s32 v3, v6;
	v8 =	vor.u32 v4, v8  }
0x56: {  	v4 =	vor.u32 v4, v6;
	_ =	sdelay $0x1  }
0x57: {  	v5 =	vmul.f32 $5.656854150e+00, v5  }
0x58: {  	v6 =	vmul.f32 $5.656854150e+00, v7  }
0x59: {  	s2 =	simm.s32 $0x1;
	[tilespmem:v8+s29+$0x0] =	vst.idx.msk $0xffff, v5  }
0x5a: {  	[tilespmem:v4+s29+$0x0] =	vst.idx.msk $0xffff, v6;
	v4 =	vmov s2  }
0x5b: {  	v5 =	vld [tilespmem:s16+$0xFFFFFFE0];
	v6 =	vand.u32 $0x78, v4  }
0x5c: {  	v7 =	vld [tilespmem:s16+$0xFFFFFFF0];
	v4 =	vand.u32 $0x5, v4;
	v62 =	vadd.s32 v2, v6  }
0x5d: {  	v6 =	vadd.s32 v3, v6;
	v8 =	vor.u32 v4, v62  }
0x5e: {  	v4 =	vor.u32 v4, v6;
	_ =	sdelay $0x1  }
0x5f: {  	v5 =	vmul.f32 $5.656854150e+00, v5  }
0x60: {  	v6 =	vmul.f32 $5.656854150e+00, v7  }
0x61: {  	s22 =	simm.s32 $0x2;
	[tilespmem:v8+s29+$0x0] =	vst.idx.msk $0xffff, v5  }
0x62: {  	[tilespmem:v4+s29+$0x0] =	vst.idx.msk $0xffff, v6;
	v4 =	vmov s22  }
0x63: {  	v5 =	vld [tilespmem:s16+$0x0];
	v6 =	vand.u32 $0x78, v4  }
0x64: {  	v7 =	vld [tilespmem:s16+$0x10];
	v4 =	vand.u32 $0x6, v4;
	v63 =	vadd.s32 v2, v6  }
0x65: {  	v6 =	vadd.s32 v3, v6;
	v8 =	vor.u32 v4, v63  }
0x66: {  	v4 =	vor.u32 v4, v6;
	_ =	sdelay $0x1  }
0x67: {  	v5 =	vmul.f32 $5.656854150e+00, v5  }
0x68: {  	v6 =	vmul.f32 $5.656854150e+00, v7  }
0x69: {  	[tilespmem:v8+s29+$0x0] =	vst.idx.msk $0xffff, v5  }
0x6a: {  	[tilespmem:v4+s29+$0x0] =	vst.idx.msk $0xffff, v6  }
0x6b: {  	s23 =	simm.s32 $0x3;
	v5 =	vld [tilespmem:s16+$0x20]  }
0x6c: {  	v4 =	vmov s23  }
0x6d: {  	v6 =	vand.u32 $0x78, v4  }
0x6e: {  	v4 =	vand.u32 $0x7, v4;
	v7 =	vadd.s32 v2, v6  }
0x6f: {  	v8 =	vld [tilespmem:s16+$0x30];
	v7 =	vor.u32 v4, v7  }
0x70: {  	v9 =	vmul.f32 $5.656854150e+00, v5;
	v5 =	vadd.s32 v3, v6  }
0x71: {  	v4 =	vor.u32 v4, v5;
	_ =	sdelay $0x2  }
0x72: {  	s3 =	simm.s32 $0x4;
	s18 =	simm.s32 $0x8;
	s2 =	smov.u32 s16;
	v5 =	vmul.f32 $5.656854150e+00, v8;
	[tilespmem:v7+s29+$0x0] =	vst.idx.msk $0xffff, v9  }
.LBB2_4:
0x73: {  	p1 =	slt.u32 s18, $0x7C  }
0x74: {  	v6 =	vmov s3;
	[tilespmem:v4+s29+$0x0] =	vst.idx.msk $0xffff, v5;
	s2 =	sadd.s32 $0x80, s2;
	s20 =	smov.u32 s18;
	s18 =	sadd.s32 $0x4, s18  }
0x75: {  	v4 =	vld [tilespmem:s2+$0xFFFFFFC0];
	v5 =	vand.u32 $0x78, v6  }
0x76: {  	v6 =	vand.u32 $0x4, v6;
	v7 =	vld [tilespmem:s2+$0xFFFFFFD0];
	v8 =	vadd.s32 v2, v5;
	v5 =	vadd.s32 v3, v5  }
0x77: {  	v8 =	vor.u32 v6, v8;
	v5 =	vor.u32 v6, v5;
	_ =	sdelay $0x2  }
0x78: {  	v4 =	vmul.f32 $5.656854150e+00, v4  }
0x79: {  	v6 =	vmul.f32 $5.656854150e+00, v7  }
0x7a: {  	s22 =	sadd.s32 $0x1, s3;
	[tilespmem:v8+s29+$0x0] =	vst.idx.msk $0xffff, v4  }
0x7b: {  	v4 =	vmov s22;
	[tilespmem:v5+s29+$0x0] =	vst.idx.msk $0xffff, v6  }
0x7c: {  	v6 =	vand.u32 $0x78, v4;
	v5 =	vld [tilespmem:s2+$0xFFFFFFE0]  }
0x7d: {  	v4 =	vand.u32 $0x5, v4;
	v8 =	vadd.s32 v2, v6;
	v6 =	vadd.s32 v3, v6;
	v7 =	vld [tilespmem:s2+$0xFFFFFFF0]  }
0x7e: {  	v8 =	vor.u32 v4, v8;
	v4 =	vor.u32 v4, v6;
	_ =	sdelay $0x2  }
0x7f: {  	v5 =	vmul.f32 $5.656854150e+00, v5  }
0x80: {  	v6 =	vmul.f32 $5.656854150e+00, v7  }
0x81: {  	s22 =	sadd.s32 $0x2, s3;
	[tilespmem:v8+s29+$0x0] =	vst.idx.msk $0xffff, v5  }
0x82: {  	[tilespmem:v4+s29+$0x0] =	vst.idx.msk $0xffff, v6;
	v4 =	vmov s22  }
0x83: {  	v5 =	vld [tilespmem:s2+$0x0];
	v6 =	vand.u32 $0x78, v4  }
0x84: {  	v4 =	vand.u32 $0x6, v4;
	v7 =	vld [tilespmem:s2+$0x10];
	v8 =	vadd.s32 v2, v6;
	v6 =	vadd.s32 v3, v6  }
0x85: {  	v8 =	vor.u32 v4, v8;
	v4 =	vor.u32 v4, v6;
	_ =	sdelay $0x2  }
0x86: {  	v5 =	vmul.f32 $5.656854150e+00, v5  }
0x87: {  	v6 =	vmul.f32 $5.656854150e+00, v7  }
0x88: {  	s22 =	sadd.s32 $0x3, s3;
	s3 =	smov.u32 s20;
	[tilespmem:v8+s29+$0x0] =	vst.idx.msk $0xffff, v5  }
0x89: {  	[tilespmem:v4+s29+$0x0] =	vst.idx.msk $0xffff, v6;
	v4 =	vmov s22  }
0x8a: {  	v5 =	vld [tilespmem:s2+$0x20];
	v6 =	vand.u32 $0x78, v4  }
0x8b: {  	v4 =	vand.u32 $0x7, v4;
	v7 =	vld [tilespmem:s2+$0x30];
	v8 =	vadd.s32 v2, v6;
	v6 =	vadd.s32 v3, v6  }
0x8c: {  	v8 =	vor.u32 v4, v8;
	v4 =	vor.u32 v4, v6  }
.Ltmp0:
0x8d: {  	(pc) =	sbr.rel @p1 .LBB2_4-.Ltmp0, $4  }
0x8e: {  	_ = 	snop  }
0x8f: {  	v6 =	vmul.f32 $5.656854150e+00, v5  }
0x90: {  	v5 =	vmul.f32 $5.656854150e+00, v7  }
0x91: {  	[tilespmem:v8+s29+$0x0] =	vst.idx.msk $0xffff, v6  }
0x92: {  	_ =	sdelay $0x3  }
0x93: {  	v6 =	vmov s3;
	[tilespmem:v4+s29+$0x0] =	vst.idx.msk $0xffff, v5;
	s2 =	sadd.s32 $0x80, s2  }
0x94: {  	v4 =	vld [tilespmem:s2+$0xFFFFFFC0];
	v47 =	vand.u32 $0x78, v6  }
0x95: {  	v7 =	vld [tilespmem:s2+$0xFFFFFFD0];
	v6 =	vand.u32 $0x4, v6;
	v8 =	vadd.s32 v2, v47  }
0x96: {  	v5 =	vadd.s32 v3, v47;
	v8 =	vor.u32 v6, v8  }
0x97: {  	v5 =	vor.u32 v6, v5;
	_ =	sdelay $0x1  }
0x98: {  	v4 =	vmul.f32 $5.656854150e+00, v4  }
0x99: {  	v48 =	vmul.f32 $5.656854150e+00, v7  }
0x9a: {  	s18 =	sadd.s32 $0x1, s3;
	[tilespmem:v8+s29+$0x0] =	vst.idx.msk $0xffff, v4  }
0x9b: {  	v49 =	vmov s18;
	[tilespmem:v5+s29+$0x0] =	vst.idx.msk $0xffff, v48  }
0x9c: {  	v50 =	vand.u32 $0x78, v49;
	v5 =	vld [tilespmem:s2+$0xFFFFFFE0]  }
0x9d: {  	v52 =	vadd.s32 v2, v50;
	v4 =	vand.u32 $0x5, v49;
	v51 =	vld [tilespmem:s2+$0xFFFFFFF0]  }
0x9e: {  	v6 =	vadd.s32 v3, v50;
	v8 =	vor.u32 v4, v52  }
0x9f: {  	v4 =	vor.u32 v4, v6;
	_ =	sdelay $0x1  }
0xa0: {  	v5 =	vmul.f32 $5.656854150e+00, v5  }
0xa1: {  	v53 =	vmul.f32 $5.656854150e+00, v51  }
0xa2: {  	s22 =	sadd.s32 $0x2, s3;
	[tilespmem:v8+s29+$0x0] =	vst.idx.msk $0xffff, v5  }
0xa3: {  	v54 =	vmov s22;
	[tilespmem:v4+s29+$0x0] =	vst.idx.msk $0xffff, v53  }
0xa4: {  	v55 =	vand.u32 $0x78, v54;
	v5 =	vld [tilespmem:s2+$0x0]  }
0xa5: {  	v57 =	vadd.s32 v2, v55;
	v4 =	vand.u32 $0x6, v54;
	v56 =	vld [tilespmem:s2+$0x10]  }
0xa6: {  	v6 =	vadd.s32 v3, v55;
	v8 =	vor.u32 v4, v57  }
0xa7: {  	v4 =	vor.u32 v4, v6;
	_ =	sdelay $0x1  }
0xa8: {  	v5 =	vmul.f32 $5.656854150e+00, v5  }
0xa9: {  	v58 =	vmul.f32 $5.656854150e+00, v56  }
0xaa: {  	s23 =	sadd.s32 $0x3, s3;
	[tilespmem:v8+s29+$0x0] =	vst.idx.msk $0xffff, v5  }
0xab: {  	v59 =	vmov s23;
	[tilespmem:v4+s29+$0x0] =	vst.idx.msk $0xffff, v58  }
0xac: {  	v60 =	vand.u32 $0x78, v59;
	v5 =	vld [tilespmem:s2+$0x20]  }
0xad: {  	v2 =	vadd.s32 v2, v60;
	v4 =	vand.u32 $0x7, v59;
	v61 =	vld [tilespmem:s2+$0x30]  }
0xae: {  	s7 =	sadd.s32 $0x1, s7;
	v3 =	vadd.s32 v3, v60;
	v2 =	vor.u32 v4, v2  }
0xaf: {  	p1 =	sne.s32 s7, $0x4;
	v3 =	vor.u32 v4, v3  }
.Ltmp1:
0xb0: {  	_ = 	snop;
	(pc) =	sbr.rel @p1 .LBB2_3-.Ltmp1, $4  }
0xb1: {  	v62 =	vmul.f32 $5.656854150e+00, v5  }
0xb2: {  	v63 =	vmul.f32 $5.656854150e+00, v61  }
0xb3: {  	[tilespmem:v2+s29+$0x0] =	vst.idx.msk $0xffff, v62  }
0xb4: {  	s16 =	sadd.s32 $0x1000, s16;
	[tilespmem:v3+s29+$0x0] =	vst.idx.msk $0xffff, v63  }
0xb5: {  	s2 =	sshll.u32 s19, $0x15  }
0xb6: {  	s2 =	sor.u32 s5, s2  }
0xb7: {  	s23 =	rddreg [dreg:$0x2];
	s26 =	sshrl.u32 s2, $0x3  }
0xb8: {  	s3 =	simm.s32 $0x10800;
	s2 =	sadd.s32 s23, s26  }
0xb9: {  	s7 =	simm.s32 $0x10;
	s16 =	simm.s32 $0x10888;
	s18 =	sadd.s32 $0x0, s2  }
.LBB2_7:
0xba: {  	[hbm4b:s18+s4] =	stream.linear.scatter [tilespmem:s3], [sflag:$0x9], $0x80, $0x38;
	[tilespmem:$0x19000] =	vst v63  }
0xbb: {  	s18 =	smov.u32 s7;
	s3 =	smov.u32 s16;
	p1 =	sne.s32 s7, $0x1F0  }
.Ltmp2:
0xbc: {  	s7 =	sadd.s32 $0x10, s7;
	(pc) =	sbr.rel @p1 .LBB2_7-.Ltmp2, $2  }
0xbd: {  	_ =	sdelay $0x2  }
0xbe: {  	s16 =	sadd.s32 $0x88, s16;
	s18 =	sadd.s32 s18, s2  }
0xbf: {  	[hbm4b:s18+s4] =	stream.linear.scatter [tilespmem:s3], [sflag:$0x9], $0x80, $0x38;
	[tilespmem:$0x19000] =	vst v63  }
0xc0: {  	s3 =	sadd.s32 $0x4000, s2;
	s7 =	simm.s32 $0x11900  }
0xc1: {  	s16 =	simm.s32 $0x10;
	s18 =	simm.s32 $0x11988;
	s20 =	sadd.s32 $0x0, s3  }
.LBB2_9:
0xc2: {  	[hbm4b:s20+s4] =	stream.linear.scatter [tilespmem:s7], [sflag:$0x9], $0x80, $0x38;
	[tilespmem:$0x19000] =	vst v63  }
0xc3: {  	s20 =	smov.u32 s16;
	s7 =	smov.u32 s18;
	p1 =	sne.s32 s16, $0x1F0  }
.Ltmp3:
0xc4: {  	s16 =	sadd.s32 $0x10, s16;
	(pc) =	sbr.rel @p1 .LBB2_9-.Ltmp3, $2  }
0xc5: {  	_ =	sdelay $0x2  }
0xc6: {  	s18 =	sadd.s32 $0x88, s18;
	s20 =	sadd.s32 s20, s3  }
0xc7: {  	[hbm4b:s20+s4] =	stream.linear.scatter [tilespmem:s7], [sflag:$0x9], $0x80, $0x38;
	[tilespmem:$0x19000] =	vst v63  }
0xc8: {  	s3 =	sadd.s32 $0x8000, s2;
	s7 =	simm.s32 $0x12A00  }
0xc9: {  	s16 =	simm.s32 $0x10;
	s18 =	simm.s32 $0x12A88;
	s20 =	sadd.s32 $0x0, s3  }
.LBB2_11:
0xca: {  	[hbm4b:s20+s4] =	stream.linear.scatter [tilespmem:s7], [sflag:$0x9], $0x80, $0x38;
	[tilespmem:$0x19000] =	vst v63  }
0xcb: {  	s20 =	smov.u32 s16;
	s7 =	smov.u32 s18;
	p1 =	sne.s32 s16, $0x1F0  }
.Ltmp4:
0xcc: {  	s16 =	sadd.s32 $0x10, s16;
	(pc) =	sbr.rel @p1 .LBB2_11-.Ltmp4, $2  }
0xcd: {  	_ =	sdelay $0x2  }
0xce: {  	s18 =	sadd.s32 $0x88, s18;
	s20 =	sadd.s32 s20, s3  }
0xcf: {  	[hbm4b:s20+s4] =	stream.linear.scatter [tilespmem:s7], [sflag:$0x9], $0x80, $0x38;
	[tilespmem:$0x19000] =	vst v63  }
0xd0: {  	s2 =	sadd.s32 $0xC000, s2;
	s3 =	simm.s32 $0x13B00  }
0xd1: {  	s7 =	simm.s32 $0x10;
	s16 =	simm.s32 $0x13B88;
	s18 =	sadd.s32 $0x0, s2  }
.LBB2_13:
0xd2: {  	[hbm4b:s18+s4] =	stream.linear.scatter [tilespmem:s3], [sflag:$0x9], $0x80, $0x38;
	[tilespmem:$0x19000] =	vst v63  }
0xd3: {  	s18 =	smov.u32 s7;
	s3 =	smov.u32 s16;
	p1 =	sne.s32 s7, $0x1F0  }
.Ltmp5:
0xd4: {  	s7 =	sadd.s32 $0x10, s7;
	(pc) =	sbr.rel @p1 .LBB2_13-.Ltmp5, $2  }
0xd5: {  	_ =	sdelay $0x2  }
0xd6: {  	s16 =	sadd.s32 $0x88, s16;
	s18 =	sadd.s32 s18, s2  }
0xd7: {  	[hbm4b:s18+s4] =	stream.linear.scatter [tilespmem:s3], [sflag:$0x9], $0x80, $0x38;
	[tilespmem:$0x19000] =	vst v63  }
0xd8: {  	s2 =	sadd.s32 @!p0 $0x5, s21  }
0xd9: {  	s3 =	sshll.u32 @!p0 s2, $0x7;
	s2 =	sshll.u32 @!p0 s2, $0xE  }
0xda: {  	s3 =	sand.u32 @!p0 $0x280, s3;
	s2 =	sand.u32 @!p0 $0x7E0000, s2  }
0xdb: {  	s2 =	sor.u32 @!p0 s2, s3  }
0xdc: {  	s7 =	simm.s32 @!p0 $0x400;
	_ =	swait.ge [sflag:s30], $0x4000;
	s2 =	sor.u32 @!p0 s5, s2  }
0xdd: {  	s16 =	simm.s32 @!p0 $0x200;
	[sflag:s30] =	ssyncset.done $0x0;
	s2 =	sshrl.u32 @!p0 s2, $0x3  }
0xde: {  	[sflag:s30] =	ssyncadd.s32 $0xFFFFC000;
	s3 =	simm.s32 @!p0 $0x80;
	s2 =	sadd.s32 @!p0 s1, s2  }
0xdf: {  	[tilespmem:s16], [sflag:$0x6] =	stream.strided.gather @!p0 [hbm4b:s2+s3], $0x200, s7, s3, $0x38;
	[tilespmem:$0x19000] =	vst v63  }
0xe0: {  	s2 =	simm.s32 @!p0 $0x5  }
0xe1: {  	_ =	swait.ge @!p0 [sflag:s2], $0x200  }
0xe2: {  	[sflag:s2] =	ssyncset.done @!p0 $0x0  }
0xe3: {  	s7 =	simm.s32 @!p0 $0x800;
	[sflag:s2] =	ssyncadd.s32 @!p0 $0xFFFFFE00;
	s2 =	simm.s32 @!p0 $0x0  }
0xe4: {  	[tilespmem:s7], [sflag:$0x1] =	stream.indirect.gather @!p0 [hbm4b:s6+s3], $0x20, s2, s3, $0xb8;
	[tilespmem:$0x19000] =	vst v63  }
0xe5: {  	s2 =	simm.s32 @!p0 $0x1800  }
0xe6: {  	[tilespmem:s2], [sflag:$0x1] =	stream.indirect.gather @!p0 [hbm4b:s6+s3], $0x20, s3, s3, $0xb8;
	[tilespmem:$0x19000] =	vst v63  }
0xe7: {  	p1 =	seq.s32 @!p0 s19, $0x0;
	s7 =	simm.s32 @!p0 $0x2800;
	s2 =	simm.s32 @!p0 $0x100  }
0xe8: {  	[tilespmem:s7], [sflag:$0x1] =	stream.indirect.gather @!p0 [hbm4b:s6+s3], $0x20, s2, s3, $0xb8;
	[tilespmem:$0x19000] =	vst v63  }
0xe9: {  	p1 =	por p0, !p1;
	s2 =	simm.s32 @!p0 $0x180;
	s7 =	simm.s32 @!p0 $0x3800  }
0xea: {  	[tilespmem:s7], [sflag:$0x1] =	stream.indirect.gather @!p0 [hbm4b:s6+s3], $0x20, s2, s3, $0xb8;
	[tilespmem:$0x19000] =	vst v63  }
0xeb: {  	_ =	swait.ge @p1 [sflag:s14], $0x4000  }
0xec: {  	s20 =	simm.s32 $0x4870;
	[sflag:s14] =	ssyncset.done @p1 $0x0  }
0xed: {  	s16 =	simm.s32 $0x0;
	s3 =	simm.s32 $0x0;
	[sflag:s14] =	ssyncadd.s32 @p1 $0xFFFFC000  }
.LBB2_15:
0xee: {  	v2 =	vmov s3  }
0xef: {  	v2 =	vmul.u32 $0x440, v2;
	_ =	sdelay $0x1  }
0xf0: {  	v3 =	vbroadcast v2, $0x0  }
0xf1: {  	v4 =	vmov s16  }
0xf2: {  	v5 =	vld [tilespmem:s20+$0xFFFFFF90];
	v6 =	vand.u32 $0x78, v4;
	v2 =	vadd.s32 v0, v3  }
0xf3: {  	v7 =	vld [tilespmem:s20+$0xFFFFFFA0];
	v4 =	vand.u32 $0x4, v4;
	v3 =	vadd.s32 v1, v3;
	v8 =	vadd.s32 v2, v6  }
0xf4: {  	v6 =	vadd.s32 v3, v6;
	v8 =	vor.u32 v4, v8  }
0xf5: {  	v4 =	vor.u32 v4, v6;
	_ =	sdelay $0x1  }
0xf6: {  	v5 =	vmul.f32 $5.656854150e+00, v5  }
0xf7: {  	v6 =	vmul.f32 $5.656854150e+00, v7  }
0xf8: {  	s2 =	simm.s32 $0x1;
	[tilespmem:v8+s17+$0x0] =	vst.idx.msk $0xffff, v5  }
0xf9: {  	[tilespmem:v4+s17+$0x0] =	vst.idx.msk $0xffff, v6;
	v4 =	vmov s2  }
0xfa: {  	v5 =	vld [tilespmem:s20+$0xFFFFFFB0];
	v6 =	vand.u32 $0x78, v4  }
0xfb: {  	v7 =	vld [tilespmem:s20+$0xFFFFFFC0];
	v4 =	vand.u32 $0x5, v4;
	v62 =	vadd.s32 v2, v6  }
0xfc: {  	v6 =	vadd.s32 v3, v6;
	v8 =	vor.u32 v4, v62  }
0xfd: {  	v4 =	vor.u32 v4, v6;
	_ =	sdelay $0x1  }
0xfe: {  	v5 =	vmul.f32 $5.656854150e+00, v5  }
0xff: {  	v6 =	vmul.f32 $5.656854150e+00, v7  }
0x100: {  	s22 =	simm.s32 $0x2;
	[tilespmem:v8+s17+$0x0] =	vst.idx.msk $0xffff, v5  }
0x101: {  	[tilespmem:v4+s17+$0x0] =	vst.idx.msk $0xffff, v6;
	v4 =	vmov s22  }
0x102: {  	v5 =	vld [tilespmem:s20+$0xFFFFFFD0];
	v6 =	vand.u32 $0x78, v4  }
0x103: {  	v7 =	vld [tilespmem:s20+$0xFFFFFFE0];
	v4 =	vand.u32 $0x6, v4;
	v63 =	vadd.s32 v2, v6  }
0x104: {  	v6 =	vadd.s32 v3, v6;
	v8 =	vor.u32 v4, v63  }
0x105: {  	v4 =	vor.u32 v4, v6;
	_ =	sdelay $0x1  }
0x106: {  	v5 =	vmul.f32 $5.656854150e+00, v5  }
0x107: {  	v6 =	vmul.f32 $5.656854150e+00, v7  }
0x108: {  	[tilespmem:v8+s17+$0x0] =	vst.idx.msk $0xffff, v5  }
0x109: {  	[tilespmem:v4+s17+$0x0] =	vst.idx.msk $0xffff, v6  }
0x10a: {  	s23 =	simm.s32 $0x3;
	v5 =	vld [tilespmem:s20+$0xFFFFFFF0]  }
0x10b: {  	v4 =	vmov s23  }
0x10c: {  	v6 =	vand.u32 $0x78, v4  }
0x10d: {  	v4 =	vand.u32 $0x7, v4;
	v7 =	vadd.s32 v2, v6  }
0x10e: {  	v8 =	vld [tilespmem:s20+$0x0];
	v7 =	vor.u32 v4, v7  }
0x10f: {  	v9 =	vmul.f32 $5.656854150e+00, v5;
	v5 =	vadd.s32 v3, v6  }
0x110: {  	v4 =	vor.u32 v4, v5;
	_ =	sdelay $0x2  }
0x111: {  	s18 =	simm.s32 $0x4;
	s7 =	smov.u32 s20;
	s2 =	simm.s32 $0x8;
	v5 =	vmul.f32 $5.656854150e+00, v8;
	[tilespmem:v7+s17+$0x0] =	vst.idx.msk $0xffff, v9  }
.LBB2_16:
0x112: {  	p1 =	slt.u32 s2, $0x7C  }
0x113: {  	v6 =	vmov s18;
	[tilespmem:v4+s17+$0x0] =	vst.idx.msk $0xffff, v5;
	s7 =	sadd.s32 $0x80, s7;
	s22 =	smov.u32 s2;
	s2 =	sadd.s32 $0x4, s2  }
0x114: {  	v4 =	vld [tilespmem:s7+$0xFFFFFF90];
	v5 =	vand.u32 $0x78, v6  }
0x115: {  	v6 =	vand.u32 $0x4, v6;
	v7 =	vld [tilespmem:s7+$0xFFFFFFA0];
	v8 =	vadd.s32 v2, v5;
	v5 =	vadd.s32 v3, v5  }
0x116: {  	v8 =	vor.u32 v6, v8;
	v5 =	vor.u32 v6, v5;
	_ =	sdelay $0x2  }
0x117: {  	v4 =	vmul.f32 $5.656854150e+00, v4  }
0x118: {  	v6 =	vmul.f32 $5.656854150e+00, v7  }
0x119: {  	s23 =	sadd.s32 $0x1, s18;
	[tilespmem:v8+s17+$0x0] =	vst.idx.msk $0xffff, v4  }
0x11a: {  	v4 =	vmov s23;
	[tilespmem:v5+s17+$0x0] =	vst.idx.msk $0xffff, v6  }
0x11b: {  	v6 =	vand.u32 $0x78, v4;
	v5 =	vld [tilespmem:s7+$0xFFFFFFB0]  }
0x11c: {  	v4 =	vand.u32 $0x5, v4;
	v8 =	vadd.s32 v2, v6;
	v6 =	vadd.s32 v3, v6;
	v7 =	vld [tilespmem:s7+$0xFFFFFFC0]  }
0x11d: {  	v8 =	vor.u32 v4, v8;
	v4 =	vor.u32 v4, v6;
	_ =	sdelay $0x2  }
0x11e: {  	v5 =	vmul.f32 $5.656854150e+00, v5  }
0x11f: {  	v6 =	vmul.f32 $5.656854150e+00, v7  }
0x120: {  	s23 =	sadd.s32 $0x2, s18;
	[tilespmem:v8+s17+$0x0] =	vst.idx.msk $0xffff, v5  }
0x121: {  	[tilespmem:v4+s17+$0x0] =	vst.idx.msk $0xffff, v6;
	v4 =	vmov s23  }
0x122: {  	v5 =	vld [tilespmem:s7+$0xFFFFFFD0];
	v6 =	vand.u32 $0x78, v4  }
0x123: {  	v4 =	vand.u32 $0x6, v4;
	v7 =	vld [tilespmem:s7+$0xFFFFFFE0];
	v8 =	vadd.s32 v2, v6;
	v6 =	vadd.s32 v3, v6  }
0x124: {  	v8 =	vor.u32 v4, v8;
	v4 =	vor.u32 v4, v6;
	_ =	sdelay $0x2  }
0x125: {  	v5 =	vmul.f32 $5.656854150e+00, v5  }
0x126: {  	v6 =	vmul.f32 $5.656854150e+00, v7  }
0x127: {  	s23 =	sadd.s32 $0x3, s18;
	s18 =	smov.u32 s22;
	[tilespmem:v8+s17+$0x0] =	vst.idx.msk $0xffff, v5  }
0x128: {  	[tilespmem:v4+s17+$0x0] =	vst.idx.msk $0xffff, v6;
	v4 =	vmov s23  }
0x129: {  	v5 =	vld [tilespmem:s7+$0xFFFFFFF0];
	v6 =	vand.u32 $0x78, v4  }
0x12a: {  	v4 =	vand.u32 $0x7, v4;
	v7 =	vld [tilespmem:s7+$0x0];
	v8 =	vadd.s32 v2, v6;
	v6 =	vadd.s32 v3, v6  }
0x12b: {  	v8 =	vor.u32 v4, v8;
	v4 =	vor.u32 v4, v6  }
.Ltmp6:
0x12c: {  	(pc) =	sbr.rel @p1 .LBB2_16-.Ltmp6, $4  }
0x12d: {  	_ = 	snop  }
0x12e: {  	v6 =	vmul.f32 $5.656854150e+00, v5  }
0x12f: {  	v5 =	vmul.f32 $5.656854150e+00, v7  }
0x130: {  	[tilespmem:v8+s17+$0x0] =	vst.idx.msk $0xffff, v6  }
0x131: {  	_ =	sdelay $0x3  }
0x132: {  	v6 =	vmov s18;
	[tilespmem:v4+s17+$0x0] =	vst.idx.msk $0xffff, v5;
	s2 =	sadd.s32 $0x80, s7  }
0x133: {  	v4 =	vld [tilespmem:s2+$0xFFFFFF90];
	v47 =	vand.u32 $0x78, v6  }
0x134: {  	v7 =	vld [tilespmem:s2+$0xFFFFFFA0];
	v6 =	vand.u32 $0x4, v6;
	v8 =	vadd.s32 v2, v47  }
0x135: {  	v5 =	vadd.s32 v3, v47;
	v8 =	vor.u32 v6, v8  }
0x136: {  	v5 =	vor.u32 v6, v5;
	_ =	sdelay $0x1  }
0x137: {  	v4 =	vmul.f32 $5.656854150e+00, v4  }
0x138: {  	v48 =	vmul.f32 $5.656854150e+00, v7  }
0x139: {  	s23 =	sadd.s32 $0x1, s18;
	[tilespmem:v8+s17+$0x0] =	vst.idx.msk $0xffff, v4  }
0x13a: {  	v49 =	vmov s23;
	[tilespmem:v5+s17+$0x0] =	vst.idx.msk $0xffff, v48  }
0x13b: {  	v50 =	vand.u32 $0x78, v49;
	v5 =	vld [tilespmem:s2+$0xFFFFFFB0]  }
0x13c: {  	v52 =	vadd.s32 v2, v50;
	v4 =	vand.u32 $0x5, v49;
	v51 =	vld [tilespmem:s2+$0xFFFFFFC0]  }
0x13d: {  	v6 =	vadd.s32 v3, v50;
	v8 =	vor.u32 v4, v52  }
0x13e: {  	v4 =	vor.u32 v4, v6;
	_ =	sdelay $0x1  }
0x13f: {  	v5 =	vmul.f32 $5.656854150e+00, v5  }
0x140: {  	v53 =	vmul.f32 $5.656854150e+00, v51  }
0x141: {  	s22 =	sadd.s32 $0x2, s18;
	[tilespmem:v8+s17+$0x0] =	vst.idx.msk $0xffff, v5  }
0x142: {  	v54 =	vmov s22;
	[tilespmem:v4+s17+$0x0] =	vst.idx.msk $0xffff, v53  }
0x143: {  	v55 =	vand.u32 $0x78, v54;
	v5 =	vld [tilespmem:s2+$0xFFFFFFD0]  }
0x144: {  	v57 =	vadd.s32 v2, v55;
	v4 =	vand.u32 $0x6, v54;
	v56 =	vld [tilespmem:s2+$0xFFFFFFE0]  }
0x145: {  	v6 =	vadd.s32 v3, v55;
	v8 =	vor.u32 v4, v57  }
0x146: {  	v4 =	vor.u32 v4, v6;
	_ =	sdelay $0x1  }
0x147: {  	v5 =	vmul.f32 $5.656854150e+00, v5  }
0x148: {  	v58 =	vmul.f32 $5.656854150e+00, v56  }
0x149: {  	s23 =	sadd.s32 $0x3, s18;
	[tilespmem:v8+s17+$0x0] =	vst.idx.msk $0xffff, v5  }
0x14a: {  	v59 =	vmov s23;
	[tilespmem:v4+s17+$0x0] =	vst.idx.msk $0xffff, v58  }
0x14b: {  	v60 =	vand.u32 $0x78, v59;
	v5 =	vld [tilespmem:s2+$0xFFFFFFF0]  }
0x14c: {  	v2 =	vadd.s32 v2, v60;
	v4 =	vand.u32 $0x7, v59;
	v61 =	vld [tilespmem:s2+$0x0]  }
0x14d: {  	s3 =	sadd.s32 $0x1, s3;
	v3 =	vadd.s32 v3, v60;
	v2 =	vor.u32 v4, v2  }
0x14e: {  	p1 =	sne.s32 s3, $0x4;
	v3 =	vor.u32 v4, v3  }
.Ltmp7:
0x14f: {  	_ = 	snop;
	(pc) =	sbr.rel @p1 .LBB2_15-.Ltmp7, $4  }
0x150: {  	v62 =	vmul.f32 $5.656854150e+00, v5  }
0x151: {  	v63 =	vmul.f32 $5.656854150e+00, v61  }
0x152: {  	[tilespmem:v2+s17+$0x0] =	vst.idx.msk $0xffff, v62  }
0x153: {  	s20 =	sadd.s32 $0x1000, s20;
	[tilespmem:v3+s17+$0x0] =	vst.idx.msk $0xffff, v63  }
0x154: {  	s2 =	sadd.s32 s26, s11;
	s3 =	simm.s32 $0x14C00  }
0x155: {  	s7 =	simm.s32 $0x10;
	s16 =	simm.s32 $0x14C88;
	s18 =	sadd.s32 $0x0, s2  }
.LBB2_19:
0x156: {  	[hbm4b:s18+s4] =	stream.linear.scatter [tilespmem:s3], [sflag:$0xA], $0x80, $0x38;
	[tilespmem:$0x19000] =	vst v63  }
0x157: {  	s18 =	smov.u32 s7;
	s3 =	smov.u32 s16;
	p1 =	sne.s32 s7, $0x1F0  }
.Ltmp8:
0x158: {  	s7 =	sadd.s32 $0x10, s7;
	(pc) =	sbr.rel @p1 .LBB2_19-.Ltmp8, $2  }
0x159: {  	_ =	sdelay $0x2  }
0x15a: {  	s16 =	sadd.s32 $0x88, s16;
	s18 =	sadd.s32 s18, s2  }
0x15b: {  	[hbm4b:s18+s4] =	stream.linear.scatter [tilespmem:s3], [sflag:$0xA], $0x80, $0x38;
	[tilespmem:$0x19000] =	vst v63  }
0x15c: {  	s3 =	sadd.s32 $0x4000, s2;
	s7 =	simm.s32 $0x15D00  }
0x15d: {  	s16 =	simm.s32 $0x10;
	s18 =	simm.s32 $0x15D88;
	s20 =	sadd.s32 $0x0, s3  }
.LBB2_21:
0x15e: {  	[hbm4b:s20+s4] =	stream.linear.scatter [tilespmem:s7], [sflag:$0xA], $0x80, $0x38;
	[tilespmem:$0x19000] =	vst v63  }
0x15f: {  	s20 =	smov.u32 s16;
	s7 =	smov.u32 s18;
	p1 =	sne.s32 s16, $0x1F0  }
.Ltmp9:
0x160: {  	s16 =	sadd.s32 $0x10, s16;
	(pc) =	sbr.rel @p1 .LBB2_21-.Ltmp9, $2  }
0x161: {  	_ =	sdelay $0x2  }
0x162: {  	s18 =	sadd.s32 $0x88, s18;
	s20 =	sadd.s32 s20, s3  }
0x163: {  	[hbm4b:s20+s4] =	stream.linear.scatter [tilespmem:s7], [sflag:$0xA], $0x80, $0x38;
	[tilespmem:$0x19000] =	vst v63  }
0x164: {  	s3 =	sadd.s32 $0x8000, s2;
	s7 =	simm.s32 $0x16E00  }
0x165: {  	s16 =	simm.s32 $0x10;
	s18 =	simm.s32 $0x16E88;
	s20 =	sadd.s32 $0x0, s3  }
.LBB2_23:
0x166: {  	[hbm4b:s20+s4] =	stream.linear.scatter [tilespmem:s7], [sflag:$0xA], $0x80, $0x38;
	[tilespmem:$0x19000] =	vst v63  }
0x167: {  	s20 =	smov.u32 s16;
	s7 =	smov.u32 s18;
	p1 =	sne.s32 s16, $0x1F0  }
.Ltmp10:
0x168: {  	s16 =	sadd.s32 $0x10, s16;
	(pc) =	sbr.rel @p1 .LBB2_23-.Ltmp10, $2  }
0x169: {  	_ =	sdelay $0x2  }
0x16a: {  	s18 =	sadd.s32 $0x88, s18;
	s20 =	sadd.s32 s20, s3  }
0x16b: {  	[hbm4b:s20+s4] =	stream.linear.scatter [tilespmem:s7], [sflag:$0xA], $0x80, $0x38;
	[tilespmem:$0x19000] =	vst v63  }
0x16c: {  	s2 =	sadd.s32 $0xC000, s2;
	s3 =	simm.s32 $0x17F00  }
0x16d: {  	s7 =	simm.s32 $0x10;
	s16 =	simm.s32 $0x17F88;
	s18 =	sadd.s32 $0x0, s2  }
.LBB2_25:
0x16e: {  	[hbm4b:s18+s4] =	stream.linear.scatter [tilespmem:s3], [sflag:$0xA], $0x80, $0x38;
	[tilespmem:$0x19000] =	vst v63  }
0x16f: {  	s18 =	smov.u32 s7;
	s3 =	smov.u32 s16;
	p1 =	sne.s32 s7, $0x1F0  }
.Ltmp11:
0x170: {  	s7 =	sadd.s32 $0x10, s7;
	(pc) =	sbr.rel @p1 .LBB2_25-.Ltmp11, $2  }
0x171: {  	_ =	sdelay $0x2  }
0x172: {  	s16 =	sadd.s32 $0x88, s16;
	s18 =	sadd.s32 s18, s2  }
0x173: {  	[hbm4b:s18+s4] =	stream.linear.scatter [tilespmem:s3], [sflag:$0xA], $0x80, $0x38;
	[tilespmem:$0x19000] =	vst v63  }
0x174: {  	s2 =	sadd.s32 @!p0 $0x6, s21  }
0x175: {  	s3 =	sshll.u32 @!p0 s2, $0x7;
	s2 =	sshll.u32 @!p0 s2, $0xE  }
0x176: {  	s3 =	sand.u32 @!p0 $0x300, s3;
	s2 =	sand.u32 @!p0 $0x7E0000, s2  }
0x177: {  	s2 =	sor.u32 @!p0 s2, s3  }
0x178: {  	_ =	swait.ge [sflag:s8], $0x4000;
	s2 =	sor.u32 @!p0 s5, s2  }
0x179: {  	s7 =	simm.s32 @!p0 $0x400;
	[sflag:s8] =	ssyncset.done $0x0;
	s2 =	sshrl.u32 @!p0 s2, $0x3  }
0x17a: {  	[sflag:s8] =	ssyncadd.s32 $0xFFFFC000;
	s3 =	simm.s32 @!p0 $0x80;
	s2 =	sadd.s32 @!p0 s1, s2  }
0x17b: {  	[tilespmem:s7], [sflag:$0x7] =	stream.strided.gather @!p0 [hbm4b:s2+s3], $0x200, s7, s3, $0x38;
	[tilespmem:$0x19000] =	vst v63  }
0x17c: {  	s2 =	simm.s32 @!p0 $0x6  }
0x17d: {  	_ =	swait.ge @!p0 [sflag:s2], $0x200  }
0x17e: {  	[sflag:s2] =	ssyncset.done @!p0 $0x0  }
0x17f: {  	s7 =	simm.s32 @!p0 $0x4800;
	[sflag:s2] =	ssyncadd.s32 @!p0 $0xFFFFFE00;
	s2 =	simm.s32 @!p0 $0x200  }
0x180: {  	[tilespmem:s7], [sflag:$0x2] =	stream.indirect.gather @!p0 [hbm4b:s6+s3], $0x20, s2, s3, $0xb8;
	[tilespmem:$0x19000] =	vst v63  }
0x181: {  	s2 =	simm.s32 @!p0 $0x280;
	s7 =	simm.s32 @!p0 $0x5800  }
0x182: {  	[tilespmem:s7], [sflag:$0x2] =	stream.indirect.gather @!p0 [hbm4b:s6+s3], $0x20, s2, s3, $0xb8;
	[tilespmem:$0x19000] =	vst v63  }
0x183: {  	s2 =	simm.s32 @!p0 $0x300;
	s7 =	simm.s32 @!p0 $0x6800  }
0x184: {  	[tilespmem:s7], [sflag:$0x2] =	stream.indirect.gather @!p0 [hbm4b:s6+s3], $0x20, s2, s3, $0xb8;
	[tilespmem:$0x19000] =	vst v63  }
0x185: {  	s2 =	simm.s32 @!p0 $0x380;
	s7 =	simm.s32 @!p0 $0x7800  }
0x186: {  	[tilespmem:s7], [sflag:$0x2] =	stream.indirect.gather @!p0 [hbm4b:s6+s3], $0x20, s2, s3, $0xb8;
	[tilespmem:$0x19000] =	vst v63  }
0x187: {  	_ =	swait.ge [sflag:s9], $0x4000  }
0x188: {  	s16 =	simm.s32 $0x0;
	[sflag:s9] =	ssyncset.done $0x0  }
0x189: {  	s7 =	simm.s32 $0x8870;
	s3 =	simm.s32 $0x0;
	[sflag:s9] =	ssyncadd.s32 $0xFFFFC000  }
.LBB2_27:
0x18a: {  	v2 =	vmov s3  }
0x18b: {  	v2 =	vmul.u32 $0x440, v2;
	_ =	sdelay $0x1  }
0x18c: {  	v3 =	vbroadcast v2, $0x0  }
0x18d: {  	v4 =	vmov s16  }
0x18e: {  	v5 =	vld [tilespmem:s7+$0xFFFFFF90];
	v6 =	vand.u32 $0x78, v4;
	v2 =	vadd.s32 v0, v3  }
0x18f: {  	v7 =	vld [tilespmem:s7+$0xFFFFFFA0];
	v4 =	vand.u32 $0x4, v4;
	v3 =	vadd.s32 v1, v3;
	v8 =	vadd.s32 v2, v6  }
0x190: {  	v6 =	vadd.s32 v3, v6;
	v8 =	vor.u32 v4, v8  }
0x191: {  	v4 =	vor.u32 v4, v6;
	_ =	sdelay $0x1  }
0x192: {  	v5 =	vmul.f32 $5.656854150e+00, v5  }
0x193: {  	v6 =	vmul.f32 $5.656854150e+00, v7  }
0x194: {  	s2 =	simm.s32 $0x1;
	[tilespmem:v8+s29+$0x0] =	vst.idx.msk $0xffff, v5  }
0x195: {  	[tilespmem:v4+s29+$0x0] =	vst.idx.msk $0xffff, v6;
	v4 =	vmov s2  }
0x196: {  	v5 =	vld [tilespmem:s7+$0xFFFFFFB0];
	v6 =	vand.u32 $0x78, v4  }
0x197: {  	v7 =	vld [tilespmem:s7+$0xFFFFFFC0];
	v4 =	vand.u32 $0x5, v4;
	v62 =	vadd.s32 v2, v6  }
0x198: {  	v6 =	vadd.s32 v3, v6;
	v8 =	vor.u32 v4, v62  }
0x199: {  	v4 =	vor.u32 v4, v6;
	_ =	sdelay $0x1  }
0x19a: {  	v5 =	vmul.f32 $5.656854150e+00, v5  }
0x19b: {  	v6 =	vmul.f32 $5.656854150e+00, v7  }
0x19c: {  	s22 =	simm.s32 $0x2;
	[tilespmem:v8+s29+$0x0] =	vst.idx.msk $0xffff, v5  }
0x19d: {  	[tilespmem:v4+s29+$0x0] =	vst.idx.msk $0xffff, v6;
	v4 =	vmov s22  }
0x19e: {  	v5 =	vld [tilespmem:s7+$0xFFFFFFD0];
	v6 =	vand.u32 $0x78, v4  }
0x19f: {  	v7 =	vld [tilespmem:s7+$0xFFFFFFE0];
	v4 =	vand.u32 $0x6, v4;
	v63 =	vadd.s32 v2, v6  }
0x1a0: {  	v6 =	vadd.s32 v3, v6;
	v8 =	vor.u32 v4, v63  }
0x1a1: {  	v4 =	vor.u32 v4, v6;
	_ =	sdelay $0x1  }
0x1a2: {  	v5 =	vmul.f32 $5.656854150e+00, v5  }
0x1a3: {  	v6 =	vmul.f32 $5.656854150e+00, v7  }
0x1a4: {  	[tilespmem:v8+s29+$0x0] =	vst.idx.msk $0xffff, v5  }
0x1a5: {  	[tilespmem:v4+s29+$0x0] =	vst.idx.msk $0xffff, v6  }
0x1a6: {  	s23 =	simm.s32 $0x3;
	v5 =	vld [tilespmem:s7+$0xFFFFFFF0]  }
0x1a7: {  	v4 =	vmov s23  }
0x1a8: {  	v6 =	vand.u32 $0x78, v4  }
0x1a9: {  	v4 =	vand.u32 $0x7, v4;
	v7 =	vadd.s32 v2, v6  }
0x1aa: {  	v8 =	vld [tilespmem:s7+$0x0];
	v7 =	vor.u32 v4, v7  }
0x1ab: {  	v9 =	vmul.f32 $5.656854150e+00, v5;
	v5 =	vadd.s32 v3, v6  }
0x1ac: {  	v4 =	vor.u32 v4, v5;
	_ =	sdelay $0x2  }
0x1ad: {  	s18 =	simm.s32 $0x4;
	s20 =	smov.u32 s7;
	s2 =	simm.s32 $0x8;
	v5 =	vmul.f32 $5.656854150e+00, v8;
	[tilespmem:v7+s29+$0x0] =	vst.idx.msk $0xffff, v9  }
.LBB2_28:
0x1ae: {  	p1 =	slt.u32 s2, $0x7C  }
0x1af: {  	v6 =	vmov s18;
	[tilespmem:v4+s29+$0x0] =	vst.idx.msk $0xffff, v5;
	s20 =	sadd.s32 $0x80, s20;
	s22 =	smov.u32 s2;
	s2 =	sadd.s32 $0x4, s2  }
0x1b0: {  	v4 =	vld [tilespmem:s20+$0xFFFFFF90];
	v5 =	vand.u32 $0x78, v6  }
0x1b1: {  	v6 =	vand.u32 $0x4, v6;
	v7 =	vld [tilespmem:s20+$0xFFFFFFA0];
	v8 =	vadd.s32 v2, v5;
	v5 =	vadd.s32 v3, v5  }
0x1b2: {  	v8 =	vor.u32 v6, v8;
	v5 =	vor.u32 v6, v5;
	_ =	sdelay $0x2  }
0x1b3: {  	v4 =	vmul.f32 $5.656854150e+00, v4  }
0x1b4: {  	v6 =	vmul.f32 $5.656854150e+00, v7  }
0x1b5: {  	s23 =	sadd.s32 $0x1, s18;
	[tilespmem:v8+s29+$0x0] =	vst.idx.msk $0xffff, v4  }
0x1b6: {  	v4 =	vmov s23;
	[tilespmem:v5+s29+$0x0] =	vst.idx.msk $0xffff, v6  }
0x1b7: {  	v6 =	vand.u32 $0x78, v4;
	v5 =	vld [tilespmem:s20+$0xFFFFFFB0]  }
0x1b8: {  	v4 =	vand.u32 $0x5, v4;
	v8 =	vadd.s32 v2, v6;
	v6 =	vadd.s32 v3, v6;
	v7 =	vld [tilespmem:s20+$0xFFFFFFC0]  }
0x1b9: {  	v8 =	vor.u32 v4, v8;
	v4 =	vor.u32 v4, v6;
	_ =	sdelay $0x2  }
0x1ba: {  	v5 =	vmul.f32 $5.656854150e+00, v5  }
0x1bb: {  	v6 =	vmul.f32 $5.656854150e+00, v7  }
0x1bc: {  	s23 =	sadd.s32 $0x2, s18;
	[tilespmem:v8+s29+$0x0] =	vst.idx.msk $0xffff, v5  }
0x1bd: {  	[tilespmem:v4+s29+$0x0] =	vst.idx.msk $0xffff, v6;
	v4 =	vmov s23  }
0x1be: {  	v5 =	vld [tilespmem:s20+$0xFFFFFFD0];
	v6 =	vand.u32 $0x78, v4  }
0x1bf: {  	v4 =	vand.u32 $0x6, v4;
	v7 =	vld [tilespmem:s20+$0xFFFFFFE0];
	v8 =	vadd.s32 v2, v6;
	v6 =	vadd.s32 v3, v6  }
0x1c0: {  	v8 =	vor.u32 v4, v8;
	v4 =	vor.u32 v4, v6;
	_ =	sdelay $0x2  }
0x1c1: {  	v5 =	vmul.f32 $5.656854150e+00, v5  }
0x1c2: {  	v6 =	vmul.f32 $5.656854150e+00, v7  }
0x1c3: {  	s23 =	sadd.s32 $0x3, s18;
	s18 =	smov.u32 s22;
	[tilespmem:v8+s29+$0x0] =	vst.idx.msk $0xffff, v5  }
0x1c4: {  	[tilespmem:v4+s29+$0x0] =	vst.idx.msk $0xffff, v6;
	v4 =	vmov s23  }
0x1c5: {  	v5 =	vld [tilespmem:s20+$0xFFFFFFF0];
	v6 =	vand.u32 $0x78, v4  }
0x1c6: {  	v4 =	vand.u32 $0x7, v4;
	v7 =	vld [tilespmem:s20+$0x0];
	v8 =	vadd.s32 v2, v6;
	v6 =	vadd.s32 v3, v6  }
0x1c7: {  	v8 =	vor.u32 v4, v8;
	v4 =	vor.u32 v4, v6  }
.Ltmp12:
0x1c8: {  	(pc) =	sbr.rel @p1 .LBB2_28-.Ltmp12, $4  }
0x1c9: {  	_ = 	snop  }
0x1ca: {  	v6 =	vmul.f32 $5.656854150e+00, v5  }
0x1cb: {  	v5 =	vmul.f32 $5.656854150e+00, v7  }
0x1cc: {  	[tilespmem:v8+s29+$0x0] =	vst.idx.msk $0xffff, v6  }
0x1cd: {  	_ =	sdelay $0x3  }
0x1ce: {  	v6 =	vmov s18;
	[tilespmem:v4+s29+$0x0] =	vst.idx.msk $0xffff, v5;
	s2 =	sadd.s32 $0x80, s20  }
0x1cf: {  	v4 =	vld [tilespmem:s2+$0xFFFFFF90];
	v47 =	vand.u32 $0x78, v6  }
0x1d0: {  	v7 =	vld [tilespmem:s2+$0xFFFFFFA0];
	v6 =	vand.u32 $0x4, v6;
	v8 =	vadd.s32 v2, v47  }
0x1d1: {  	v5 =	vadd.s32 v3, v47;
	v8 =	vor.u32 v6, v8  }
0x1d2: {  	v5 =	vor.u32 v6, v5;
	_ =	sdelay $0x1  }
0x1d3: {  	v4 =	vmul.f32 $5.656854150e+00, v4  }
0x1d4: {  	v48 =	vmul.f32 $5.656854150e+00, v7  }
0x1d5: {  	s23 =	sadd.s32 $0x1, s18;
	[tilespmem:v8+s29+$0x0] =	vst.idx.msk $0xffff, v4  }
0x1d6: {  	v49 =	vmov s23;
	[tilespmem:v5+s29+$0x0] =	vst.idx.msk $0xffff, v48  }
0x1d7: {  	v50 =	vand.u32 $0x78, v49;
	v5 =	vld [tilespmem:s2+$0xFFFFFFB0]  }
0x1d8: {  	v52 =	vadd.s32 v2, v50;
	v4 =	vand.u32 $0x5, v49;
	v51 =	vld [tilespmem:s2+$0xFFFFFFC0]  }
0x1d9: {  	v6 =	vadd.s32 v3, v50;
	v8 =	vor.u32 v4, v52  }
0x1da: {  	v4 =	vor.u32 v4, v6;
	_ =	sdelay $0x1  }
0x1db: {  	v5 =	vmul.f32 $5.656854150e+00, v5  }
0x1dc: {  	v53 =	vmul.f32 $5.656854150e+00, v51  }
0x1dd: {  	s22 =	sadd.s32 $0x2, s18;
	[tilespmem:v8+s29+$0x0] =	vst.idx.msk $0xffff, v5  }
0x1de: {  	v54 =	vmov s22;
	[tilespmem:v4+s29+$0x0] =	vst.idx.msk $0xffff, v53  }
0x1df: {  	v55 =	vand.u32 $0x78, v54;
	v5 =	vld [tilespmem:s2+$0xFFFFFFD0]  }
0x1e0: {  	v57 =	vadd.s32 v2, v55;
	v4 =	vand.u32 $0x6, v54;
	v56 =	vld [tilespmem:s2+$0xFFFFFFE0]  }
0x1e1: {  	v6 =	vadd.s32 v3, v55;
	v8 =	vor.u32 v4, v57  }
0x1e2: {  	v4 =	vor.u32 v4, v6;
	_ =	sdelay $0x1  }
0x1e3: {  	v5 =	vmul.f32 $5.656854150e+00, v5  }
0x1e4: {  	v58 =	vmul.f32 $5.656854150e+00, v56  }
0x1e5: {  	s23 =	sadd.s32 $0x3, s18;
	[tilespmem:v8+s29+$0x0] =	vst.idx.msk $0xffff, v5  }
0x1e6: {  	v59 =	vmov s23;
	[tilespmem:v4+s29+$0x0] =	vst.idx.msk $0xffff, v58  }
0x1e7: {  	v60 =	vand.u32 $0x78, v59;
	v5 =	vld [tilespmem:s2+$0xFFFFFFF0]  }
0x1e8: {  	v2 =	vadd.s32 v2, v60;
	v4 =	vand.u32 $0x7, v59;
	v61 =	vld [tilespmem:s2+$0x0]  }
0x1e9: {  	s3 =	sadd.s32 $0x1, s3;
	v3 =	vadd.s32 v3, v60;
	v2 =	vor.u32 v4, v2  }
0x1ea: {  	p1 =	sne.s32 s3, $0x4;
	v3 =	vor.u32 v4, v3  }
.Ltmp13:
0x1eb: {  	_ = 	snop;
	(pc) =	sbr.rel @p1 .LBB2_27-.Ltmp13, $4  }
0x1ec: {  	v62 =	vmul.f32 $5.656854150e+00, v5  }
0x1ed: {  	v63 =	vmul.f32 $5.656854150e+00, v61  }
0x1ee: {  	[tilespmem:v2+s29+$0x0] =	vst.idx.msk $0xffff, v62  }
0x1ef: {  	s7 =	sadd.s32 $0x1000, s7;
	[tilespmem:v3+s29+$0x0] =	vst.idx.msk $0xffff, v63  }
0x1f0: {  	s2 =	sadd.s32 s26, s12;
	s3 =	simm.s32 $0x10800  }
0x1f1: {  	s7 =	simm.s32 $0x10;
	s16 =	simm.s32 $0x10888;
	s18 =	sadd.s32 $0x0, s2  }
.LBB2_31:
0x1f2: {  	[hbm4b:s18+s4] =	stream.linear.scatter [tilespmem:s3], [sflag:$0x9], $0x80, $0x38;
	[tilespmem:$0x19000] =	vst v63  }
0x1f3: {  	s18 =	smov.u32 s7;
	s3 =	smov.u32 s16;
	p1 =	sne.s32 s7, $0x1F0  }
.Ltmp14:
0x1f4: {  	s7 =	sadd.s32 $0x10, s7;
	(pc) =	sbr.rel @p1 .LBB2_31-.Ltmp14, $2  }
0x1f5: {  	_ =	sdelay $0x2  }
0x1f6: {  	s16 =	sadd.s32 $0x88, s16;
	s18 =	sadd.s32 s18, s2  }
0x1f7: {  	[hbm4b:s18+s4] =	stream.linear.scatter [tilespmem:s3], [sflag:$0x9], $0x80, $0x38;
	[tilespmem:$0x19000] =	vst v63  }
0x1f8: {  	s3 =	sadd.s32 $0x4000, s2;
	s7 =	simm.s32 $0x11900  }
0x1f9: {  	s16 =	simm.s32 $0x10;
	s18 =	simm.s32 $0x11988;
	s20 =	sadd.s32 $0x0, s3  }
.LBB2_33:
0x1fa: {  	[hbm4b:s20+s4] =	stream.linear.scatter [tilespmem:s7], [sflag:$0x9], $0x80, $0x38;
	[tilespmem:$0x19000] =	vst v63  }
0x1fb: {  	s20 =	smov.u32 s16;
	s7 =	smov.u32 s18;
	p1 =	sne.s32 s16, $0x1F0  }
.Ltmp15:
0x1fc: {  	s16 =	sadd.s32 $0x10, s16;
	(pc) =	sbr.rel @p1 .LBB2_33-.Ltmp15, $2  }
0x1fd: {  	_ =	sdelay $0x2  }
0x1fe: {  	s18 =	sadd.s32 $0x88, s18;
	s20 =	sadd.s32 s20, s3  }
0x1ff: {  	[hbm4b:s20+s4] =	stream.linear.scatter [tilespmem:s7], [sflag:$0x9], $0x80, $0x38;
	[tilespmem:$0x19000] =	vst v63  }
0x200: {  	s3 =	sadd.s32 $0x8000, s2;
	s7 =	simm.s32 $0x12A00  }
0x201: {  	s16 =	simm.s32 $0x10;
	s18 =	simm.s32 $0x12A88;
	s20 =	sadd.s32 $0x0, s3  }
.LBB2_35:
0x202: {  	[hbm4b:s20+s4] =	stream.linear.scatter [tilespmem:s7], [sflag:$0x9], $0x80, $0x38;
	[tilespmem:$0x19000] =	vst v63  }
0x203: {  	s20 =	smov.u32 s16;
	s7 =	smov.u32 s18;
	p1 =	sne.s32 s16, $0x1F0  }
.Ltmp16:
0x204: {  	s16 =	sadd.s32 $0x10, s16;
	(pc) =	sbr.rel @p1 .LBB2_35-.Ltmp16, $2  }
0x205: {  	_ =	sdelay $0x2  }
0x206: {  	s18 =	sadd.s32 $0x88, s18;
	s20 =	sadd.s32 s20, s3  }
0x207: {  	[hbm4b:s20+s4] =	stream.linear.scatter [tilespmem:s7], [sflag:$0x9], $0x80, $0x38;
	[tilespmem:$0x19000] =	vst v63  }
0x208: {  	s2 =	sadd.s32 $0xC000, s2;
	s3 =	simm.s32 $0x13B00  }
0x209: {  	s7 =	simm.s32 $0x10;
	s16 =	simm.s32 $0x13B88;
	s18 =	sadd.s32 $0x0, s2  }
.LBB2_37:
0x20a: {  	[hbm4b:s18+s4] =	stream.linear.scatter [tilespmem:s3], [sflag:$0x9], $0x80, $0x38;
	[tilespmem:$0x19000] =	vst v63  }
0x20b: {  	s18 =	smov.u32 s7;
	s3 =	smov.u32 s16;
	p1 =	sne.s32 s7, $0x1F0  }
.Ltmp17:
0x20c: {  	s7 =	sadd.s32 $0x10, s7;
	(pc) =	sbr.rel @p1 .LBB2_37-.Ltmp17, $2  }
0x20d: {  	_ =	sdelay $0x2  }
0x20e: {  	s16 =	sadd.s32 $0x88, s16;
	s18 =	sadd.s32 s18, s2  }
0x20f: {  	[hbm4b:s18+s4] =	stream.linear.scatter [tilespmem:s3], [sflag:$0x9], $0x80, $0x38;
	[tilespmem:$0x19000] =	vst v63  }
0x210: {  	s2 =	sadd.s32 @!p0 $0x7, s21  }
0x211: {  	s3 =	sshll.u32 @!p0 s2, $0x7;
	s2 =	sshll.u32 @!p0 s2, $0xE  }
0x212: {  	s3 =	sand.u32 @!p0 $0x380, s3;
	s2 =	sand.u32 @!p0 $0x7E0000, s2  }
0x213: {  	s2 =	sor.u32 @!p0 s2, s3  }
0x214: {  	s7 =	simm.s32 @!p0 $0x400;
	_ =	swait.ge [sflag:s10], $0x4000;
	s2 =	sor.u32 @!p0 s5, s2  }
0x215: {  	s16 =	simm.s32 @!p0 $0x600;
	[sflag:s10] =	ssyncset.done $0x0;
	s2 =	sshrl.u32 @!p0 s2, $0x3  }
0x216: {  	[sflag:s10] =	ssyncadd.s32 $0xFFFFC000;
	s3 =	simm.s32 @!p0 $0x80;
	s2 =	sadd.s32 @!p0 s1, s2  }
0x217: {  	[tilespmem:s16], [sflag:$0x8] =	stream.strided.gather @!p0 [hbm4b:s2+s3], $0x200, s7, s3, $0x38;
	[tilespmem:$0x19000] =	vst v63  }
0x218: {  	s2 =	simm.s32 @!p0 $0x7  }
0x219: {  	_ =	swait.ge @!p0 [sflag:s2], $0x200  }
0x21a: {  	[sflag:s2] =	ssyncset.done @!p0 $0x0  }
0x21b: {  	[sflag:s2] =	ssyncadd.s32 @!p0 $0xFFFFFE00;
	s2 =	simm.s32 @!p0 $0x8800  }
0x21c: {  	[tilespmem:s2], [sflag:$0x3] =	stream.indirect.gather @!p0 [hbm4b:s6+s3], $0x20, s7, s3, $0xb8;
	[tilespmem:$0x19000] =	vst v63  }
0x21d: {  	s2 =	simm.s32 @!p0 $0x480;
	s7 =	simm.s32 @!p0 $0x9800  }
0x21e: {  	[tilespmem:s7], [sflag:$0x3] =	stream.indirect.gather @!p0 [hbm4b:s6+s3], $0x20, s2, s3, $0xb8;
	[tilespmem:$0x19000] =	vst v63  }
0x21f: {  	s2 =	simm.s32 @!p0 $0x500;
	s7 =	simm.s32 @!p0 $0xA800  }
0x220: {  	[tilespmem:s7], [sflag:$0x3] =	stream.indirect.gather @!p0 [hbm4b:s6+s3], $0x20, s2, s3, $0xb8;
	[tilespmem:$0x19000] =	vst v63  }
0x221: {  	s2 =	simm.s32 @!p0 $0x580;
	s7 =	simm.s32 @!p0 $0xB800  }
0x222: {  	[tilespmem:s7], [sflag:$0x3] =	stream.indirect.gather @!p0 [hbm4b:s6+s3], $0x20, s2, s3, $0xb8;
	[tilespmem:$0x19000] =	vst v63  }
0x223: {  	_ =	swait.ge [sflag:s14], $0x4000  }
0x224: {  	s16 =	simm.s32 $0x0;
	[sflag:s14] =	ssyncset.done $0x0  }
0x225: {  	s7 =	simm.s32 $0xC870;
	s3 =	simm.s32 $0x0;
	[sflag:s14] =	ssyncadd.s32 $0xFFFFC000  }
.LBB2_39:
0x226: {  	v2 =	vmov s3  }
0x227: {  	v2 =	vmul.u32 $0x440, v2;
	_ =	sdelay $0x1  }
0x228: {  	v3 =	vbroadcast v2, $0x0  }
0x229: {  	v4 =	vmov s16  }
0x22a: {  	v5 =	vld [tilespmem:s7+$0xFFFFFF90];
	v6 =	vand.u32 $0x78, v4;
	v2 =	vadd.s32 v0, v3  }
0x22b: {  	v7 =	vld [tilespmem:s7+$0xFFFFFFA0];
	v4 =	vand.u32 $0x4, v4;
	v3 =	vadd.s32 v1, v3;
	v8 =	vadd.s32 v2, v6  }
0x22c: {  	v6 =	vadd.s32 v3, v6;
	v8 =	vor.u32 v4, v8  }
0x22d: {  	v4 =	vor.u32 v4, v6;
	_ =	sdelay $0x1  }
0x22e: {  	v5 =	vmul.f32 $5.656854150e+00, v5  }
0x22f: {  	v6 =	vmul.f32 $5.656854150e+00, v7  }
0x230: {  	s2 =	simm.s32 $0x1;
	[tilespmem:v8+s17+$0x0] =	vst.idx.msk $0xffff, v5  }
0x231: {  	[tilespmem:v4+s17+$0x0] =	vst.idx.msk $0xffff, v6;
	v4 =	vmov s2  }
0x232: {  	v5 =	vld [tilespmem:s7+$0xFFFFFFB0];
	v6 =	vand.u32 $0x78, v4  }
0x233: {  	v7 =	vld [tilespmem:s7+$0xFFFFFFC0];
	v4 =	vand.u32 $0x5, v4;
	v62 =	vadd.s32 v2, v6  }
0x234: {  	v6 =	vadd.s32 v3, v6;
	v8 =	vor.u32 v4, v62  }
0x235: {  	v4 =	vor.u32 v4, v6;
	_ =	sdelay $0x1  }
0x236: {  	v5 =	vmul.f32 $5.656854150e+00, v5  }
0x237: {  	v6 =	vmul.f32 $5.656854150e+00, v7  }
0x238: {  	s22 =	simm.s32 $0x2;
	[tilespmem:v8+s17+$0x0] =	vst.idx.msk $0xffff, v5  }
0x239: {  	[tilespmem:v4+s17+$0x0] =	vst.idx.msk $0xffff, v6;
	v4 =	vmov s22  }
0x23a: {  	v5 =	vld [tilespmem:s7+$0xFFFFFFD0];
	v6 =	vand.u32 $0x78, v4  }
0x23b: {  	v7 =	vld [tilespmem:s7+$0xFFFFFFE0];
	v4 =	vand.u32 $0x6, v4;
	v63 =	vadd.s32 v2, v6  }
0x23c: {  	v6 =	vadd.s32 v3, v6;
	v8 =	vor.u32 v4, v63  }
0x23d: {  	v4 =	vor.u32 v4, v6;
	_ =	sdelay $0x1  }
0x23e: {  	v5 =	vmul.f32 $5.656854150e+00, v5  }
0x23f: {  	v6 =	vmul.f32 $5.656854150e+00, v7  }
0x240: {  	[tilespmem:v8+s17+$0x0] =	vst.idx.msk $0xffff, v5  }
0x241: {  	[tilespmem:v4+s17+$0x0] =	vst.idx.msk $0xffff, v6  }
0x242: {  	s23 =	simm.s32 $0x3;
	v5 =	vld [tilespmem:s7+$0xFFFFFFF0]  }
0x243: {  	v4 =	vmov s23  }
0x244: {  	v6 =	vand.u32 $0x78, v4  }
0x245: {  	v4 =	vand.u32 $0x7, v4;
	v7 =	vadd.s32 v2, v6  }
0x246: {  	v8 =	vld [tilespmem:s7+$0x0];
	v7 =	vor.u32 v4, v7  }
0x247: {  	v9 =	vmul.f32 $5.656854150e+00, v5;
	v5 =	vadd.s32 v3, v6  }
0x248: {  	v4 =	vor.u32 v4, v5;
	_ =	sdelay $0x2  }
0x249: {  	s18 =	simm.s32 $0x4;
	s20 =	smov.u32 s7;
	s2 =	simm.s32 $0x8;
	v5 =	vmul.f32 $5.656854150e+00, v8;
	[tilespmem:v7+s17+$0x0] =	vst.idx.msk $0xffff, v9  }
.LBB2_40:
0x24a: {  	p0 =	slt.u32 s2, $0x7C  }
0x24b: {  	v6 =	vmov s18;
	[tilespmem:v4+s17+$0x0] =	vst.idx.msk $0xffff, v5;
	s20 =	sadd.s32 $0x80, s20;
	s21 =	smov.u32 s2;
	s2 =	sadd.s32 $0x4, s2  }
0x24c: {  	v4 =	vld [tilespmem:s20+$0xFFFFFF90];
	v5 =	vand.u32 $0x78, v6  }
0x24d: {  	v6 =	vand.u32 $0x4, v6;
	v7 =	vld [tilespmem:s20+$0xFFFFFFA0];
	v8 =	vadd.s32 v2, v5;
	v5 =	vadd.s32 v3, v5  }
0x24e: {  	v8 =	vor.u32 v6, v8;
	v5 =	vor.u32 v6, v5;
	_ =	sdelay $0x2  }
0x24f: {  	v4 =	vmul.f32 $5.656854150e+00, v4  }
0x250: {  	v6 =	vmul.f32 $5.656854150e+00, v7  }
0x251: {  	s22 =	sadd.s32 $0x1, s18;
	[tilespmem:v8+s17+$0x0] =	vst.idx.msk $0xffff, v4  }
0x252: {  	v4 =	vmov s22;
	[tilespmem:v5+s17+$0x0] =	vst.idx.msk $0xffff, v6  }
0x253: {  	v6 =	vand.u32 $0x78, v4;
	v5 =	vld [tilespmem:s20+$0xFFFFFFB0]  }
0x254: {  	v4 =	vand.u32 $0x5, v4;
	v8 =	vadd.s32 v2, v6;
	v6 =	vadd.s32 v3, v6;
	v7 =	vld [tilespmem:s20+$0xFFFFFFC0]  }
0x255: {  	v8 =	vor.u32 v4, v8;
	v4 =	vor.u32 v4, v6;
	_ =	sdelay $0x2  }
0x256: {  	v5 =	vmul.f32 $5.656854150e+00, v5  }
0x257: {  	v6 =	vmul.f32 $5.656854150e+00, v7  }
0x258: {  	s22 =	sadd.s32 $0x2, s18;
	[tilespmem:v8+s17+$0x0] =	vst.idx.msk $0xffff, v5  }
0x259: {  	[tilespmem:v4+s17+$0x0] =	vst.idx.msk $0xffff, v6;
	v4 =	vmov s22  }
0x25a: {  	v5 =	vld [tilespmem:s20+$0xFFFFFFD0];
	v6 =	vand.u32 $0x78, v4  }
0x25b: {  	v4 =	vand.u32 $0x6, v4;
	v7 =	vld [tilespmem:s20+$0xFFFFFFE0];
	v8 =	vadd.s32 v2, v6;
	v6 =	vadd.s32 v3, v6  }
0x25c: {  	v8 =	vor.u32 v4, v8;
	v4 =	vor.u32 v4, v6;
	_ =	sdelay $0x2  }
0x25d: {  	v5 =	vmul.f32 $5.656854150e+00, v5  }
0x25e: {  	v6 =	vmul.f32 $5.656854150e+00, v7  }
0x25f: {  	s22 =	sadd.s32 $0x3, s18;
	s18 =	smov.u32 s21;
	[tilespmem:v8+s17+$0x0] =	vst.idx.msk $0xffff, v5  }
0x260: {  	[tilespmem:v4+s17+$0x0] =	vst.idx.msk $0xffff, v6;
	v4 =	vmov s22  }
0x261: {  	v5 =	vld [tilespmem:s20+$0xFFFFFFF0];
	v6 =	vand.u32 $0x78, v4  }
0x262: {  	v4 =	vand.u32 $0x7, v4;
	v7 =	vld [tilespmem:s20+$0x0];
	v8 =	vadd.s32 v2, v6;
	v6 =	vadd.s32 v3, v6  }
0x263: {  	v8 =	vor.u32 v4, v8;
	v4 =	vor.u32 v4, v6  }
.Ltmp18:
0x264: {  	(pc) =	sbr.rel @p0 .LBB2_40-.Ltmp18, $4  }
0x265: {  	_ = 	snop  }
0x266: {  	v6 =	vmul.f32 $5.656854150e+00, v5  }
0x267: {  	v5 =	vmul.f32 $5.656854150e+00, v7  }
0x268: {  	[tilespmem:v8+s17+$0x0] =	vst.idx.msk $0xffff, v6  }
0x269: {  	_ =	sdelay $0x3  }
0x26a: {  	v6 =	vmov s18;
	[tilespmem:v4+s17+$0x0] =	vst.idx.msk $0xffff, v5;
	s2 =	sadd.s32 $0x80, s20  }
0x26b: {  	v4 =	vld [tilespmem:s2+$0xFFFFFF90];
	v47 =	vand.u32 $0x78, v6  }
0x26c: {  	v7 =	vld [tilespmem:s2+$0xFFFFFFA0];
	v6 =	vand.u32 $0x4, v6;
	v8 =	vadd.s32 v2, v47  }
0x26d: {  	v5 =	vadd.s32 v3, v47;
	v8 =	vor.u32 v6, v8  }
0x26e: {  	v5 =	vor.u32 v6, v5;
	_ =	sdelay $0x1  }
0x26f: {  	v4 =	vmul.f32 $5.656854150e+00, v4  }
0x270: {  	v48 =	vmul.f32 $5.656854150e+00, v7  }
0x271: {  	s21 =	sadd.s32 $0x1, s18;
	[tilespmem:v8+s17+$0x0] =	vst.idx.msk $0xffff, v4  }
0x272: {  	v49 =	vmov s21;
	[tilespmem:v5+s17+$0x0] =	vst.idx.msk $0xffff, v48  }
0x273: {  	v50 =	vand.u32 $0x78, v49;
	v5 =	vld [tilespmem:s2+$0xFFFFFFB0]  }
0x274: {  	v52 =	vadd.s32 v2, v50;
	v4 =	vand.u32 $0x5, v49;
	v51 =	vld [tilespmem:s2+$0xFFFFFFC0]  }
0x275: {  	v6 =	vadd.s32 v3, v50;
	v8 =	vor.u32 v4, v52  }
0x276: {  	v4 =	vor.u32 v4, v6;
	_ =	sdelay $0x1  }
0x277: {  	v5 =	vmul.f32 $5.656854150e+00, v5  }
0x278: {  	v53 =	vmul.f32 $5.656854150e+00, v51  }
0x279: {  	s22 =	sadd.s32 $0x2, s18;
	[tilespmem:v8+s17+$0x0] =	vst.idx.msk $0xffff, v5  }
0x27a: {  	v54 =	vmov s22;
	[tilespmem:v4+s17+$0x0] =	vst.idx.msk $0xffff, v53  }
0x27b: {  	v55 =	vand.u32 $0x78, v54;
	v5 =	vld [tilespmem:s2+$0xFFFFFFD0]  }
0x27c: {  	v57 =	vadd.s32 v2, v55;
	v4 =	vand.u32 $0x6, v54;
	v56 =	vld [tilespmem:s2+$0xFFFFFFE0]  }
0x27d: {  	v6 =	vadd.s32 v3, v55;
	v8 =	vor.u32 v4, v57  }
0x27e: {  	v4 =	vor.u32 v4, v6;
	_ =	sdelay $0x1  }
0x27f: {  	v5 =	vmul.f32 $5.656854150e+00, v5  }
0x280: {  	v58 =	vmul.f32 $5.656854150e+00, v56  }
0x281: {  	s23 =	sadd.s32 $0x3, s18;
	[tilespmem:v8+s17+$0x0] =	vst.idx.msk $0xffff, v5  }
0x282: {  	v59 =	vmov s23;
	[tilespmem:v4+s17+$0x0] =	vst.idx.msk $0xffff, v58  }
0x283: {  	v60 =	vand.u32 $0x78, v59;
	v5 =	vld [tilespmem:s2+$0xFFFFFFF0]  }
0x284: {  	v2 =	vadd.s32 v2, v60;
	v4 =	vand.u32 $0x7, v59;
	v61 =	vld [tilespmem:s2+$0x0]  }
0x285: {  	s3 =	sadd.s32 $0x1, s3;
	v3 =	vadd.s32 v3, v60;
	v2 =	vor.u32 v4, v2  }
0x286: {  	p0 =	sne.s32 s3, $0x4;
	v3 =	vor.u32 v4, v3  }
.Ltmp19:
0x287: {  	_ = 	snop;
	(pc) =	sbr.rel @p0 .LBB2_39-.Ltmp19, $4  }
0x288: {  	v62 =	vmul.f32 $5.656854150e+00, v5  }
0x289: {  	v63 =	vmul.f32 $5.656854150e+00, v61  }
0x28a: {  	[tilespmem:v2+s17+$0x0] =	vst.idx.msk $0xffff, v62  }
0x28b: {  	s7 =	sadd.s32 $0x1000, s7;
	[tilespmem:v3+s17+$0x0] =	vst.idx.msk $0xffff, v63  }
0x28c: {  	s2 =	sadd.s32 s26, s13;
	s3 =	simm.s32 $0x14C00  }
0x28d: {  	s7 =	simm.s32 $0x10;
	s16 =	simm.s32 $0x14C88;
	s18 =	sadd.s32 $0x0, s2  }
.LBB2_43:
0x28e: {  	[hbm4b:s18+s4] =	stream.linear.scatter [tilespmem:s3], [sflag:$0xA], $0x80, $0x38;
	[tilespmem:$0x19000] =	vst v63  }
0x28f: {  	s18 =	smov.u32 s7;
	s3 =	smov.u32 s16;
	p0 =	sne.s32 s7, $0x1F0  }
.Ltmp20:
0x290: {  	s7 =	sadd.s32 $0x10, s7;
	(pc) =	sbr.rel @p0 .LBB2_43-.Ltmp20, $2  }
0x291: {  	_ =	sdelay $0x2  }
0x292: {  	s16 =	sadd.s32 $0x88, s16;
	s18 =	sadd.s32 s18, s2  }
0x293: {  	[hbm4b:s18+s4] =	stream.linear.scatter [tilespmem:s3], [sflag:$0xA], $0x80, $0x38;
	[tilespmem:$0x19000] =	vst v63  }
0x294: {  	s3 =	sadd.s32 $0x4000, s2;
	s7 =	simm.s32 $0x15D00  }
0x295: {  	s16 =	simm.s32 $0x10;
	s18 =	simm.s32 $0x15D88;
	s20 =	sadd.s32 $0x0, s3  }
.LBB2_45:
0x296: {  	[hbm4b:s20+s4] =	stream.linear.scatter [tilespmem:s7], [sflag:$0xA], $0x80, $0x38;
	[tilespmem:$0x19000] =	vst v63  }
0x297: {  	s20 =	smov.u32 s16;
	s7 =	smov.u32 s18;
	p0 =	sne.s32 s16, $0x1F0  }
.Ltmp21:
0x298: {  	s16 =	sadd.s32 $0x10, s16;
	(pc) =	sbr.rel @p0 .LBB2_45-.Ltmp21, $2  }
0x299: {  	_ =	sdelay $0x2  }
0x29a: {  	s18 =	sadd.s32 $0x88, s18;
	s20 =	sadd.s32 s20, s3  }
0x29b: {  	[hbm4b:s20+s4] =	stream.linear.scatter [tilespmem:s7], [sflag:$0xA], $0x80, $0x38;
	[tilespmem:$0x19000] =	vst v63  }
0x29c: {  	s3 =	sadd.s32 $0x8000, s2;
	s7 =	simm.s32 $0x16E00  }
0x29d: {  	s16 =	simm.s32 $0x10;
	s18 =	simm.s32 $0x16E88;
	s20 =	sadd.s32 $0x0, s3  }
.LBB2_47:
0x29e: {  	[hbm4b:s20+s4] =	stream.linear.scatter [tilespmem:s7], [sflag:$0xA], $0x80, $0x38;
	[tilespmem:$0x19000] =	vst v63  }
0x29f: {  	s20 =	smov.u32 s16;
	s7 =	smov.u32 s18;
	p0 =	sne.s32 s16, $0x1F0  }
.Ltmp22:
0x2a0: {  	s16 =	sadd.s32 $0x10, s16;
	(pc) =	sbr.rel @p0 .LBB2_47-.Ltmp22, $2  }
0x2a1: {  	_ =	sdelay $0x2  }
0x2a2: {  	s18 =	sadd.s32 $0x88, s18;
	s20 =	sadd.s32 s20, s3  }
0x2a3: {  	[hbm4b:s20+s4] =	stream.linear.scatter [tilespmem:s7], [sflag:$0xA], $0x80, $0x38;
	[tilespmem:$0x19000] =	vst v63  }
0x2a4: {  	s2 =	sadd.s32 $0xC000, s2;
	s3 =	simm.s32 $0x17F00  }
0x2a5: {  	s7 =	simm.s32 $0x10;
	s16 =	simm.s32 $0x17F88;
	s18 =	sadd.s32 $0x0, s2  }
.LBB2_49:
0x2a6: {  	[hbm4b:s18+s4] =	stream.linear.scatter [tilespmem:s3], [sflag:$0xA], $0x80, $0x38;
	[tilespmem:$0x19000] =	vst v63  }
0x2a7: {  	s18 =	smov.u32 s7;
	s3 =	smov.u32 s16;
	p0 =	sne.s32 s7, $0x1F0  }
.Ltmp23:
0x2a8: {  	s7 =	sadd.s32 $0x10, s7;
	(pc) =	sbr.rel @p0 .LBB2_49-.Ltmp23, $2  }
0x2a9: {  	_ =	sdelay $0x2  }
0x2aa: {  	s16 =	sadd.s32 $0x88, s16;
	s18 =	sadd.s32 s18, s2  }
0x2ab: {  	s19 =	sadd.s32 $0x1, s19  }
0x2ac: {  	p0 =	sne.s32 s19, $0x32  }
.Ltmp24:
0x2ad: {  	_ = 	snop;
	(pc) =	sbr.rel @p0 .LBB2_2-.Ltmp24, $2  }
0x2ae: {  	_ =	sdelay $0x2  }
0x2af: {  	[hbm4b:s18+s4] =	stream.linear.scatter [tilespmem:s3], [sflag:$0xA], $0x80, $0x38;
	[tilespmem:$0x19000] =	vst v63  }
0x2b0: {  	_ =	swait.ge [sflag:s9], $0x4000  }
0x2b1: {  	[sflag:s9] =	ssyncset.done $0x0  }
0x2b2: {  	[sflag:s9] =	ssyncadd.s32 $0xFFFFC000  }
0x2b3: {  	_ =	swait.ge [sflag:s14], $0x4000  }
0x2b4: {  	s3 =	rddreg [dreg:$0x9]  }
0x2b5: {  	s2 =	rddreg [dreg:$0x8];
	s3 =	sadd.s32 $0x1, s3  }
0x2b6: {  	p0 =	sne.s32 s3, s2  }
.Ltmp25:
0x2b7: {  	_ = 	snop;
	(pc) =	sbr.rel @p0 .LBB2_1-.Ltmp25, $3  }
0x2b8: {  	_ =	sdelay $0x1  }
0x2b9: {  	[sflag:s14] =	ssyncset.done $0x0  }
0x2ba: {  	[sflag:s14] =	ssyncadd.s32 $0xFFFFC000  }
0x2bb: {  	_ =	sfence.sel $0x180000  }
0x2bc: {  	[bflag:$0x0] =	sbarrier.arrive $0xFFFF  }
0x2bd: {  	_ =	strace $0x90000047  }
0x2be: {  	s0 =	stileid.u32;
	[bflag:$0x2] =	sbarrier.arrive $0xFFFF  }
0x2bf: {  	p0 =	sne.s32 s0, $0x0;
	s0 =	rddreg [dreg:$0x3]  }
0x2c0: {  	s0 =	sadd.s32 @!p0 $0x100000, s0  }
0x2c1: {  	[sflag:s0] =	ssyncadd.tile.s32 @!p0 $0x1;
	_ =	shalt  }
.Lfunc_end2:
_tile_overlayer_lowered:
.L_overlay_start_2:
0x2c2: {  	(tag) =	ssettag $0x2  }
0x2c3: {  	s0 =	rddreg [dreg:$0x0];
	s2 =	stileid.u32  }
0x2c4: {  	s1 =	rddreg [dreg:$0x1];
	p0 =	sne.s32 s2, $0x0  }
0x2c5: {  	s3 =	rddreg [dreg:$0x2];
	[bflag:$0x3] =	sbarrier.arrive $0xFFFF;
	s2 =	simm.s32 @!p0 $0x1C0B  }
0x2c6: {  	[timem:s3], [sflag:s2] =	dma.local @!p0 [hbm:s0], s1  }
0x2c7: {  	s0 =	simm.s32 @!p0 $0xB  }
0x2c8: {  	_ =	swait.ge @!p0 [sflag:s0], s1  }
0x2c9: {  	s1 =	ssub.s32 @!p0 $0x0, s1;
	[sflag:s0] =	ssyncset.done @!p0 $0x0  }
0x2ca: {  	[sflag:s0] =	ssyncadd.s32 @!p0 s1  }
0x2cb: {  	[bflag:$0x3] =	sbarrier.arrive $0xFFFF  }
0x2cc: {  	_ =	shalt  }

</sc_bundles>
